<compile_context>
chip_gen: v7x
topology: tpu7x:2x2x1
jax: 0.10.2.dev20260603
libtpu: 0.0.44.dev20260713+nightly
codegen_flags: <defaults>
</compile_context>

<pallas_src>
import functools

import jax
import jax.numpy as jnp
import numpy as np
from jax import lax
from jax.experimental import pallas as pl
from jax.experimental.pallas import tpu as pltpu, tpu_sc as plsc

N_SRC = 20000
N_QUERY = 2500
C_IN = 256
C_OUT = 512
K = 16

_PROJ_BLK = 400

_NC, _NS = 2, 16
_NW = _NC * _NS
_M_PAD = 2560
_Q_PER = _M_PAD // _NW
_NS_PAD = 20480
_N_BATCH = _NS_PAD // 16

_D2_BQ = 512
_D2_BS = 2048

_INF = np.float32(3.0e38)


def _d2_body(q_ref, st_ref, q2_ref, s2_ref, out_ref):
    out_ref[...] = (q2_ref[...] - 2.0 * jnp.dot(q_ref[...], st_ref[...],
                                                preferred_element_type=jnp.float32)
                    + s2_ref[...])


def _d2_all(xyz, n_xyz):
    q2 = jnp.sum(n_xyz * n_xyz, axis=1, keepdims=True)
    s2 = jnp.sum(xyz * xyz, axis=1)[None, :]
    xyz_t = jnp.pad(xyz.T, ((0, 0), (0, _NS_PAD - N_SRC)))
    s2 = jnp.pad(s2, ((0, 0), (0, _NS_PAD - N_SRC)), constant_values=_INF / 2)
    nq = jnp.pad(n_xyz, ((0, _M_PAD - N_QUERY), (0, 0)))
    q2 = jnp.pad(q2, ((0, _M_PAD - N_QUERY), (0, 0)))
    return pl.pallas_call(
        _d2_body,
        grid=(_M_PAD // _D2_BQ, _NS_PAD // _D2_BS),
        in_specs=[
            pl.BlockSpec((_D2_BQ, 3), lambda i, j: (i, 0)),
            pl.BlockSpec((3, _D2_BS), lambda i, j: (0, j)),
            pl.BlockSpec((_D2_BQ, 1), lambda i, j: (i, 0)),
            pl.BlockSpec((1, _D2_BS), lambda i, j: (0, j)),
        ],
        out_specs=pl.BlockSpec((_D2_BQ, _D2_BS), lambda i, j: (i, j)),
        out_shape=jax.ShapeDtypeStruct((_M_PAD, _NS_PAD), jnp.float32),
    )(nq, xyz_t, q2, s2)


def _proj_body(feats_ref, wt_ref, gamma_ref, beta_ref, out_ref):
    f = feats_ref[...]
    mean = jnp.mean(f, axis=1, keepdims=True)
    cent = f - mean
    var = jnp.mean(cent * cent, axis=1, keepdims=True)
    normed = cent * jax.lax.rsqrt(var + 1e-5) * gamma_ref[...] + beta_ref[...]
    out_ref[...] = jnp.dot(normed, wt_ref[...], preferred_element_type=jnp.float32)


def _project_all(feats, W, ln_gamma, ln_beta):
    wt = W.T
    gamma = ln_gamma.reshape(1, C_IN)
    beta = ln_beta.reshape(1, C_IN)
    grid = N_SRC // _PROJ_BLK
    return pl.pallas_call(
        _proj_body,
        grid=(grid,),
        in_specs=[
            pl.BlockSpec((_PROJ_BLK, C_IN), lambda i: (i, 0)),
            pl.BlockSpec((C_IN, C_OUT), lambda i: (0, 0)),
            pl.BlockSpec((1, C_IN), lambda i: (0, 0)),
            pl.BlockSpec((1, C_IN), lambda i: (0, 0)),
        ],
        out_specs=pl.BlockSpec((_PROJ_BLK, C_OUT), lambda i: (i, 0)),
        out_shape=jax.ShapeDtypeStruct((N_SRC, C_OUT), jnp.float32),
    )(feats, wt, gamma, beta)


_N_BLK = _NS_PAD // 256


def _topk_body(d2_hbm, proj_hbm, out_hbm, rowa_v, rowb_v, minb_v, cand_v,
               fin_v, idxa_v, idxb_v, growa_v, growb_v, pool_v,
               sema, semb, gsema, gsemb):
    wid = lax.axis_index("s") * _NC + lax.axis_index("c")
    qbase = wid * _Q_PER
    iota = lax.iota(jnp.int32, 16)
    last = jnp.full((16,), 15, jnp.int32)
    dn = lax.GatherDimensionNumbers(offset_dims=(), collapsed_slice_dims=(0,),
                                    start_index_map=(0,))
    bcast_last = functools.partial(
        lax.gather, start_indices=last[:, None], dimension_numbers=dn,
        slice_sizes=(1,), mode=lax.GatherScatterMode.PROMISE_IN_BOUNDS)

    def process(row_v, qi, idx_v, grow_v, gsem):
        @plsc.parallel_loop(0, _N_BLK, unroll=2,
                            carry=(jnp.full((16,), _INF, jnp.float32),
                                   jnp.full((16,), _INF, jnp.float32)))
        def pa(b, vmins):
            vmin0, vmin1 = vmins
            base = b * 256
            vs = [row_v[pl.ds(base + 16 * u, 16)] for u in range(16)]
            while len(vs) > 2:
                vs = [jnp.minimum(vs[2 * i], vs[2 * i + 1])
                      for i in range(len(vs) // 2)]
            minb_v[pl.ds(b * 16, 16)] = jnp.minimum(vs[0], vs[1])
            return jnp.minimum(vmin0, vs[0]), jnp.minimum(vmin1, vs[1])

        vmin0, vmin1 = pa
        a0, _ = plsc.sort_key_val(vmin0, iota)
        a1, _ = plsc.sort_key_val(vmin1, iota, descending=True)
        low16 = jnp.minimum(a0, a1)
        tau0 = bcast_last(plsc.cummax(low16))
        tb = plsc.bitcast(tau0, jnp.int32)
        tau0p = plsc.bitcast(jnp.where(tau0 >= 0.0, tb + 1, tb - 1),
                             jnp.float32)

        def pb(b, cnt):
            bm = minb_v[pl.ds(b * 16, 16)]
            anyhit = plsc.all_reduce_population_count(bm < tau0p)[0] > 0

            def collect(cnt):
                base = b * 256
                for u in range(16):
                    dv = row_v[pl.ds(base + 16 * u, 16)]
                    msk = dv < tau0p
                    plsc.store_compressed(cand_v.at[pl.ds(cnt, 16)],
                                          iota + (base + 16 * u), mask=msk)
                    cnt = cnt + plsc.all_reduce_population_count(msk)[0]
                return cnt

            return lax.cond(anyhit, collect, lambda c: c, cnt)

        cnt = lax.fori_loop(0, _N_BLK, pb, jnp.int32(0))
        cand_v[pl.ds(cnt, 16)] = jnp.full((16,), _NS_PAD - 1, jnp.int32)

        def fm(j, carry):
            top_d, tau = carry
            ci = cand_v[pl.ds(j * 16, 16)]
            d = plsc.load_gather(row_v, [ci])
            hit = plsc.all_reduce_population_count(d < tau)[0] > 0

            def merge(args):
                top_d, _ = args
                d_dsc, _ = plsc.sort_key_val(d, ci, descending=True)
                m_d = jnp.minimum(top_d, d_dsc)
                new_d, _ = plsc.sort_key_val(m_d, iota)
                return new_d, bcast_last(new_d)

            return lax.cond(hit, merge, lambda a: a, (top_d, tau))

        init = (jnp.full((16,), _INF, jnp.float32),
                jnp.full((16,), _INF, jnp.float32))
        nv = (cnt + 15) // 16
        _, tauf = lax.fori_loop(0, nv, fm, init)

        def fe(j, carry):
            c_lt, c_eq = carry
            ci = cand_v[pl.ds(j * 16, 16)]
            d = plsc.load_gather(row_v, [ci])
            m_lt = d < tauf
            m_eq = d == tauf
            plsc.store_compressed(fin_v.at[pl.ds(c_lt, 16)], ci, mask=m_lt)
            plsc.store_compressed(cand_v.at[pl.ds(c_eq, 16)], ci, mask=m_eq)
            c_lt = c_lt + plsc.all_reduce_population_count(m_lt)[0]
            c_eq = c_eq + plsc.all_reduce_population_count(m_eq)[0]
            return c_lt, c_eq

        c_lt, _ = lax.fori_loop(0, nv, fe, (jnp.int32(0), jnp.int32(0)))
        fin_v[pl.ds(c_lt, 16)] = cand_v[pl.ds(0, 16)]
        idx_v[pl.ds(0, 16)] = fin_v[pl.ds(0, 16)]
        pltpu.async_copy(proj_hbm.at[idx_v], grow_v, gsem)

    def finish(qi, idx_v, grow_v, gsem):
        pltpu.make_async_copy(proj_hbm.at[idx_v], grow_v, gsem).wait()

        @plsc.parallel_loop(0, C_OUT // 16)
        def _mx(c):
            vs = [grow_v[u, pl.ds(c * 16, 16)] for u in range(K)]
            while len(vs) > 1:
                vs = [jnp.maximum(vs[2 * i], vs[2 * i + 1])
                      for i in range(len(vs) // 2)]
            pool_v[pl.ds(qi * C_OUT + c * 16, 16)] = vs[0]

    pltpu.sync_copy(d2_hbm.at[qbase], rowa_v)

    def pair(i, _):
        q0 = 2 * i
        cpb = pltpu.async_copy(d2_hbm.at[qbase + q0 + 1], rowb_v, semb)
        process(rowa_v, q0, idxa_v, growa_v, gsema)

        @pl.when(i > 0)
        def _():
            finish(q0 - 1, idxb_v, growb_v, gsemb)

        cpb.wait()
        nxt = jnp.minimum(qbase + q0 + 2, _M_PAD - 1)
        cpa = pltpu.async_copy(d2_hbm.at[nxt], rowa_v, sema)
        process(rowb_v, q0 + 1, idxb_v, growb_v, gsemb)
        finish(q0, idxa_v, growa_v, gsema)
        cpa.wait()
        return 0

    lax.fori_loop(0, _Q_PER // 2, pair, 0)
    finish(_Q_PER - 1, idxb_v, growb_v, gsemb)
    pltpu.sync_copy(pool_v, out_hbm.at[pl.ds(qbase * C_OUT, _Q_PER * C_OUT)])


def _topk_pool(d2, proj):
    mesh = plsc.VectorSubcoreMesh(core_axis_name="c", subcore_axis_name="s",
                                  num_cores=_NC, num_subcores=_NS)
    pooled_flat = functools.partial(
        pl.kernel, mesh=mesh,
        compiler_params=pltpu.CompilerParams(needs_layout_passes=False),
        out_type=jax.ShapeDtypeStruct((_M_PAD * C_OUT,), jnp.float32),
        scratch_types=[
            pltpu.VMEM((_NS_PAD,), jnp.float32),
            pltpu.VMEM((_NS_PAD,), jnp.float32),
            pltpu.VMEM((_N_BLK * 16,), jnp.float32),
            pltpu.VMEM((_NS_PAD + 16,), jnp.int32),
            pltpu.VMEM((48,), jnp.int32),
            pltpu.VMEM((K,), jnp.int32),
            pltpu.VMEM((K,), jnp.int32),
            pltpu.VMEM((K, C_OUT), jnp.float32),
            pltpu.VMEM((K, C_OUT), jnp.float32),
            pltpu.VMEM((_Q_PER * C_OUT,), jnp.float32),
            pltpu.SemaphoreType.DMA,
            pltpu.SemaphoreType.DMA,
            pltpu.SemaphoreType.DMA,
            pltpu.SemaphoreType.DMA,
        ],
    )(_topk_body)(d2, proj)
    return pooled_flat.reshape(_M_PAD, C_OUT)[:N_QUERY]


def kernel(xyz, n_xyz, feats, ln_gamma, ln_beta, W):
    d2 = _d2_all(xyz, n_xyz)
    proj = _project_all(feats, W, ln_gamma, ln_beta)
    return _topk_pool(d2, proj)

# --- scband reference (transcript-rebuilt; emitter-appended) ---
"""Pipeline reference for scband-grid-knndownsample-25056839205750 (READ-ONLY COPY).

The authoritative reference and input builder live on the scoring server;
editing this copy changes nothing except your own understanding.
"""

import jax, jax.numpy as jnp
import numpy as np

N_SRC = 20000
N_QUERY = 2500
C_IN = 256
C_OUT = 512
K = 16


def setup_inputs(seed: int = 0) -> dict:
    key = jax.random.key(seed)
    k1, k2, k3, k4 = jax.random.split(key, 4)
    # point-cloud coordinates in a 10m cube (stride-2 voxel downsample ~ /8 points)
    xyz = jax.random.uniform(k1, (N_SRC, 3), dtype=jnp.float32) * 10.0
    n_xyz = jax.random.uniform(k2, (N_QUERY, 3), dtype=jnp.float32) * 10.0
    feats = jax.random.normal(k3, (N_SRC, C_IN), dtype=jnp.float32)
    # learned params: LayerNorm(in_channels) + Linear(in_channels, out_channels, bias=False)
    ln_gamma = jnp.ones((C_IN,), dtype=jnp.float32)
    ln_beta = jnp.zeros((C_IN,), dtype=jnp.float32)
    W = jax.random.normal(k4, (C_OUT, C_IN), dtype=jnp.float32) * 0.02
    return {"xyz": xyz, "n_xyz": n_xyz, "feats": feats,
            "ln_gamma": ln_gamma, "ln_beta": ln_beta, "W": W}


def reference(xyz, n_xyz, feats, ln_gamma, ln_beta, W):
    # --- KNN query (single batch, equivalent to KNN.apply with one offset segment) ---
    q2 = jnp.sum(n_xyz * n_xyz, axis=1, keepdims=True)          # [M,1]
    s2 = jnp.sum(xyz * xyz, axis=1)[None, :]                     # [1,N]
    d2 = q2 - 2.0 * (n_xyz @ xyz.T) + s2                         # [M,N] squared dists
    _, idx = jax.lax.top_k(-d2, K)                               # [M,K] nearest neighbors
    # --- gather features in KNN neighborhood ---
    m = idx.shape[0]
    grouped = jnp.take(feats, idx.reshape(-1), axis=0).reshape(m, K, C_IN)  # [M,K,C]
    # --- LayerNorm(in_channels) over last dim ---
    mean = jnp.mean(grouped, axis=-1, keepdims=True)
    var = jnp.var(grouped, axis=-1, keepdims=True)
    normed = (grouped - mean) / jnp.sqrt(var + 1e-5) * ln_gamma + ln_beta
    # --- Linear (no bias): [M,K,C_IN] x [C_OUT,C_IN]^T -> [M,K,C_OUT] ---
    proj = jnp.einsum('mkc,oc->mko', normed, W)
    # --- MaxPool1d over the K neighbors ---
    pooled = jnp.max(proj, axis=1)                                # [M, C_OUT]
    return pooled

if __name__ == "__main__":
    import jax
    _d = setup_inputs()
    print(jax.jit(kernel)(*tuple(_d.values())))

</pallas_src>

<mosaic_0001>
#map = affine_map<(d0, d1) -> (0, 0)>
#map1 = affine_map<(d0, d1) -> (0)>
module attributes {stable_mosaic.version = 14 : i64} {
  func.func @_topk_body(%arg0: i32, %arg1: i32, %arg2: memref<2560x20480xf32, #tpu.memory_space<hbm>>, %arg3: memref<20000x512xf32, #tpu.memory_space<hbm>>, %arg4: memref<1310720xf32, #tpu.memory_space<hbm>>, %arg5: memref<20480xf32, #tpu.memory_space<vmem>>, %arg6: memref<20480xf32, #tpu.memory_space<vmem>>, %arg7: memref<1280xf32, #tpu.memory_space<vmem>>, %arg8: memref<20496xi32, #tpu.memory_space<vmem>>, %arg9: memref<48xi32, #tpu.memory_space<vmem>>, %arg10: memref<16xi32, #tpu.memory_space<vmem>>, %arg11: memref<16xi32, #tpu.memory_space<vmem>>, %arg12: memref<16x512xf32, #tpu.memory_space<vmem>>, %arg13: memref<16x512xf32, #tpu.memory_space<vmem>>, %arg14: memref<40960xf32, #tpu.memory_space<vmem>>, %arg15: memref<!tpu.dma_semaphore, #tpu.memory_space<semaphore_mem>>, %arg16: memref<!tpu.dma_semaphore, #tpu.memory_space<semaphore_mem>>, %arg17: memref<!tpu.dma_semaphore, #tpu.memory_space<semaphore_mem>>, %arg18: memref<!tpu.dma_semaphore, #tpu.memory_space<semaphore_mem>>) attributes {dimension_semantics = [#tpu.dimension_semantics<core_parallel>, #tpu.dimension_semantics<subcore_parallel>], iteration_bounds = array<i64: 2, 16>, scalar_prefetch = 0 : i64, scratch_operands = 14 : i64, tpu.core_type = #tpu.core_type<sc_vector_subcore>, window_params = [{transform_indices = #map}, {transform_indices = #map}, {transform_indices = #map1}]} {
    %mul3A = arith.constant 2 : i32
    %mul3A_0 = arith.muli %arg1, %mul3A : i32
    %add3A = arith.addi %mul3A_0, %arg0 : i32
    %mul3A_1 = arith.constant 80 : i32
    %mul3A_2 = arith.muli %add3A, %mul3A_1 : i32
    %iota3A = tpu.iota {dimensions = array<i32: 0>} : vector<16xi32>
    %broadcast_in_dim3A = arith.constant 15 : i32
    %broadcast_in_dim3A_3 = vector.broadcast %broadcast_in_dim3A : i32 to vector<16xi32>
    %broadcast_in_dim3A_4 = vector.shape_cast %broadcast_in_dim3A_3 : vector<16xi32> to vector<16x1xi32>
    "tpu.region"() ({
      %run_scoped3A = tpu.sem_alloc : memref<!tpu.dma_semaphore, #tpu.memory_space<semaphore_mem>>
      %dma_start3A = arith.constant 0 : i32
      %dma_start3A_17 = tpu.memref_slice %arg2[%mul3A_2, %dma_start3A] : memref<2560x20480xf32, #tpu.memory_space<hbm>> -> memref<1x20480xf32, #tpu.memory_space<hbm>>
      %dma_start3A_18 = tpu.memref_squeeze %dma_start3A_17 : memref<1x20480xf32, #tpu.memory_space<hbm>> -> memref<20480xf32, #tpu.memory_space<hbm>>
      %dma_start3A_19 = arith.constant 0 : i32
      %dma_start3A_20 = tpu.memref_slice %arg2[%mul3A_2, %dma_start3A_19] : memref<2560x20480xf32, #tpu.memory_space<hbm>> -> memref<1x20480xf32, #tpu.memory_space<hbm>>
      %dma_start3A_21 = tpu.memref_squeeze %dma_start3A_20 : memref<1x20480xf32, #tpu.memory_space<hbm>> -> memref<20480xf32, #tpu.memory_space<hbm>>
      tpu.enqueue_dma source(%dma_start3A_21 : memref<20480xf32, #tpu.memory_space<hbm>>) target(%arg5 : memref<20480xf32, #tpu.memory_space<vmem>>) target_semaphore(%run_scoped3A : memref<!tpu.dma_semaphore, #tpu.memory_space<semaphore_mem>>)
      %dma_wait3A_22 = arith.constant 0 : i32
      %dma_wait3A_23 = tpu.memref_slice %arg2[%mul3A_2, %dma_wait3A_22] : memref<2560x20480xf32, #tpu.memory_space<hbm>> -> memref<1x20480xf32, #tpu.memory_space<hbm>>
      %dma_wait3A_24 = tpu.memref_squeeze %dma_wait3A_23 : memref<1x20480xf32, #tpu.memory_space<hbm>> -> memref<20480xf32, #tpu.memory_space<hbm>>
      %dma_wait3A_25 = arith.constant 0 : i32
      %dma_wait3A_26 = tpu.memref_slice %arg2[%mul3A_2, %dma_wait3A_25] : memref<2560x20480xf32, #tpu.memory_space<hbm>> -> memref<1x20480xf32, #tpu.memory_space<hbm>>
      %dma_wait3A_27 = tpu.memref_squeeze %dma_wait3A_26 : memref<1x20480xf32, #tpu.memory_space<hbm>> -> memref<20480xf32, #tpu.memory_space<hbm>>
      tpu.wait_dma2 semaphore(%run_scoped3A : memref<!tpu.dma_semaphore, #tpu.memory_space<semaphore_mem>>) src(%dma_wait3A_27 : memref<20480xf32, #tpu.memory_space<hbm>>) dst(%arg5 : memref<20480xf32, #tpu.memory_space<vmem>>)
      tpu.yield
    }) : () -> ()
    %scan3A = arith.constant 0 : i32
    %scan3A_5 = arith.constant 0 : i32
    %scan3A_6 = arith.constant 40 : i32
    %scan3A_7 = arith.addi %scan3A_5, %scan3A_6 : i32
    %scan3A_8 = arith.constant 1 : i32
    %scan3A_9 = scf.for %scan3A_17 = %scan3A_5 to %scan3A_7 step %scan3A_8 iter_args(%scan3A_18 = %scan3A) -> (i32)  : i32 {
      %mul3A_19 = arith.constant 2 : i32
      %mul3A_20 = arith.muli %mul3A_19, %scan3A_17 : i32
      %add3A_21 = arith.addi %mul3A_2, %mul3A_20 : i32
      %add3A_22 = arith.constant 1 : i32
      %add3A_23 = arith.addi %add3A_21, %add3A_22 : i32
      %dma_start3A = arith.constant 0 : i32
      %dma_start3A_24 = tpu.memref_slice %arg2[%add3A_23, %dma_start3A] : memref<2560x20480xf32, #tpu.memory_space<hbm>> -> memref<1x20480xf32, #tpu.memory_space<hbm>>
      %dma_start3A_25 = tpu.memref_squeeze %dma_start3A_24 : memref<1x20480xf32, #tpu.memory_space<hbm>> -> memref<20480xf32, #tpu.memory_space<hbm>>
      %dma_start3A_26 = arith.constant 0 : i32
      %dma_start3A_27 = tpu.memref_slice %arg2[%add3A_23, %dma_start3A_26] : memref<2560x20480xf32, #tpu.memory_space<hbm>> -> memref<1x20480xf32, #tpu.memory_space<hbm>>
      %dma_start3A_28 = tpu.memref_squeeze %dma_start3A_27 : memref<1x20480xf32, #tpu.memory_space<hbm>> -> memref<20480xf32, #tpu.memory_space<hbm>>
      tpu.enqueue_dma source(%dma_start3A_28 : memref<20480xf32, #tpu.memory_space<hbm>>) target(%arg6 : memref<20480xf32, #tpu.memory_space<vmem>>) target_semaphore(%arg16 : memref<!tpu.dma_semaphore, #tpu.memory_space<semaphore_mem>>)
      %broadcast_in_dim3A_29 = arith.constant 3.000000e+38 : f32
      %broadcast_in_dim3A_30 = vector.broadcast %broadcast_in_dim3A_29 : f32 to vector<16xf32>
      %broadcast_in_dim3A_31 = arith.constant 3.000000e+38 : f32
      %broadcast_in_dim3A_32 = vector.broadcast %broadcast_in_dim3A_31 : f32 to vector<16xf32>
      %parallel_loop3A_33 = arith.constant 0 : i32
      %parallel_loop3A_34 = arith.constant 80 : i32
      %parallel_loop3A_35 = arith.constant 1 : i32
      %parallel_loop3A_36:2 = scf.for %parallel_loop3A_266 = %parallel_loop3A_33 to %parallel_loop3A_34 step %parallel_loop3A_35 iter_args(%parallel_loop3A_267 = %broadcast_in_dim3A_30, %parallel_loop3A_268 = %broadcast_in_dim3A_32) -> (vector<16xf32>, vector<16xf32>)  : i32 {
        %parallel_loop3A_269 = arith.constant 256 : i32
        %parallel_loop3A_270 = arith.muli %parallel_loop3A_266, %parallel_loop3A_269 : i32
        %parallel_loop3A_271 = arith.constant 0 : i32
        %parallel_loop3A_272 = arith.addi %parallel_loop3A_270, %parallel_loop3A_271 : i32
        %parallel_loop3A_273 = arith.index_cast %parallel_loop3A_272 : i32 to index
        %parallel_loop3A_274 = tpu.vector_load %arg5[%parallel_loop3A_273] {strides = array<i32>} : memref<20480xf32, #tpu.memory_space<vmem>>, vector<16xf32>,
        %parallel_loop3A_275 = arith.constant 16 : i32
        %parallel_loop3A_276 = arith.addi %parallel_loop3A_270, %parallel_loop3A_275 : i32
        %parallel_loop3A_277 = arith.index_cast %parallel_loop3A_276 : i32 to index
        %parallel_loop3A_278 = tpu.vector_load %arg5[%parallel_loop3A_277] {strides = array<i32>} : memref<20480xf32, #tpu.memory_space<vmem>>, vector<16xf32>,
        %parallel_loop3A_279 = arith.constant 32 : i32
        %parallel_loop3A_280 = arith.addi %parallel_loop3A_270, %parallel_loop3A_279 : i32
        %parallel_loop3A_281 = arith.index_cast %parallel_loop3A_280 : i32 to index
        %parallel_loop3A_282 = tpu.vector_load %arg5[%parallel_loop3A_281] {strides = array<i32>} : memref<20480xf32, #tpu.memory_space<vmem>>, vector<16xf32>,
        %parallel_loop3A_283 = arith.constant 48 : i32
        %parallel_loop3A_284 = arith.addi %parallel_loop3A_270, %parallel_loop3A_283 : i32
        %parallel_loop3A_285 = arith.index_cast %parallel_loop3A_284 : i32 to index
        %parallel_loop3A_286 = tpu.vector_load %arg5[%parallel_loop3A_285] {strides = array<i32>} : memref<20480xf32, #tpu.memory_space<vmem>>, vector<16xf32>,
        %parallel_loop3A_287 = arith.constant 64 : i32
        %parallel_loop3A_288 = arith.addi %parallel_loop3A_270, %parallel_loop3A_287 : i32
        %parallel_loop3A_289 = arith.index_cast %parallel_loop3A_288 : i32 to index
        %parallel_loop3A_290 = tpu.vector_load %arg5[%parallel_loop3A_289] {strides = array<i32>} : memref<20480xf32, #tpu.memory_space<vmem>>, vector<16xf32>,
        %parallel_loop3A_291 = arith.constant 80 : i32
        %parallel_loop3A_292 = arith.addi %parallel_loop3A_270, %parallel_loop3A_291 : i32
        %parallel_loop3A_293 = arith.index_cast %parallel_loop3A_292 : i32 to index
        %parallel_loop3A_294 = tpu.vector_load %arg5[%parallel_loop3A_293] {strides = array<i32>} : memref<20480xf32, #tpu.memory_space<vmem>>, vector<16xf32>,
        %parallel_loop3A_295 = arith.constant 96 : i32
        %parallel_loop3A_296 = arith.addi %parallel_loop3A_270, %parallel_loop3A_295 : i32
        %parallel_loop3A_297 = arith.index_cast %parallel_loop3A_296 : i32 to index
        %parallel_loop3A_298 = tpu.vector_load %arg5[%parallel_loop3A_297] {strides = array<i32>} : memref<20480xf32, #tpu.memory_space<vmem>>, vector<16xf32>,
        %parallel_loop3A_299 = arith.constant 112 : i32
        %parallel_loop3A_300 = arith.addi %parallel_loop3A_270, %parallel_loop3A_299 : i32
        %parallel_loop3A_301 = arith.index_cast %parallel_loop3A_300 : i32 to index
        %parallel_loop3A_302 = tpu.vector_load %arg5[%parallel_loop3A_301] {strides = array<i32>} : memref<20480xf32, #tpu.memory_space<vmem>>, vector<16xf32>,
        %parallel_loop3A_303 = arith.constant 128 : i32
        %parallel_loop3A_304 = arith.addi %parallel_loop3A_270, %parallel_loop3A_303 : i32
        %parallel_loop3A_305 = arith.index_cast %parallel_loop3A_304 : i32 to index
        %parallel_loop3A_306 = tpu.vector_load %arg5[%parallel_loop3A_305] {strides = array<i32>} : memref<20480xf32, #tpu.memory_space<vmem>>, vector<16xf32>,
        %parallel_loop3A_307 = arith.constant 144 : i32
        %parallel_loop3A_308 = arith.addi %parallel_loop3A_270, %parallel_loop3A_307 : i32
        %parallel_loop3A_309 = arith.index_cast %parallel_loop3A_308 : i32 to index
        %parallel_loop3A_310 = tpu.vector_load %arg5[%parallel_loop3A_309] {strides = array<i32>} : memref<20480xf32, #tpu.memory_space<vmem>>, vector<16xf32>,
        %parallel_loop3A_311 = arith.constant 160 : i32
        %parallel_loop3A_312 = arith.addi %parallel_loop3A_270, %parallel_loop3A_311 : i32
        %parallel_loop3A_313 = arith.index_cast %parallel_loop3A_312 : i32 to index
        %parallel_loop3A_314 = tpu.vector_load %arg5[%parallel_loop3A_313] {strides = array<i32>} : memref<20480xf32, #tpu.memory_space<vmem>>, vector<16xf32>,
        %parallel_loop3A_315 = arith.constant 176 : i32
        %parallel_loop3A_316 = arith.addi %parallel_loop3A_270, %parallel_loop3A_315 : i32
        %parallel_loop3A_317 = arith.index_cast %parallel_loop3A_316 : i32 to index
        %parallel_loop3A_318 = tpu.vector_load %arg5[%parallel_loop3A_317] {strides = array<i32>} : memref<20480xf32, #tpu.memory_space<vmem>>, vector<16xf32>,
        %parallel_loop3A_319 = arith.constant 192 : i32
        %parallel_loop3A_320 = arith.addi %parallel_loop3A_270, %parallel_loop3A_319 : i32
        %parallel_loop3A_321 = arith.index_cast %parallel_loop3A_320 : i32 to index
        %parallel_loop3A_322 = tpu.vector_load %arg5[%parallel_loop3A_321] {strides = array<i32>} : memref<20480xf32, #tpu.memory_space<vmem>>, vector<16xf32>,
        %parallel_loop3A_323 = arith.constant 208 : i32
        %parallel_loop3A_324 = arith.addi %parallel_loop3A_270, %parallel_loop3A_323 : i32
        %parallel_loop3A_325 = arith.index_cast %parallel_loop3A_324 : i32 to index
        %parallel_loop3A_326 = tpu.vector_load %arg5[%parallel_loop3A_325] {strides = array<i32>} : memref<20480xf32, #tpu.memory_space<vmem>>, vector<16xf32>,
        %parallel_loop3A_327 = arith.constant 224 : i32
        %parallel_loop3A_328 = arith.addi %parallel_loop3A_270, %parallel_loop3A_327 : i32
        %parallel_loop3A_329 = arith.index_cast %parallel_loop3A_328 : i32 to index
        %parallel_loop3A_330 = tpu.vector_load %arg5[%parallel_loop3A_329] {strides = array<i32>} : memref<20480xf32, #tpu.memory_space<vmem>>, vector<16xf32>,
        %parallel_loop3A_331 = arith.constant 240 : i32
        %parallel_loop3A_332 = arith.addi %parallel_loop3A_270, %parallel_loop3A_331 : i32
        %parallel_loop3A_333 = arith.index_cast %parallel_loop3A_332 : i32 to index
        %parallel_loop3A_334 = tpu.vector_load %arg5[%parallel_loop3A_333] {strides = array<i32>} : memref<20480xf32, #tpu.memory_space<vmem>>, vector<16xf32>,
        %parallel_loop3A_335 = arith.minimumf %parallel_loop3A_274, %parallel_loop3A_278 : vector<16xf32>
        %parallel_loop3A_336 = arith.minimumf %parallel_loop3A_282, %parallel_loop3A_286 : vector<16xf32>
        %parallel_loop3A_337 = arith.minimumf %parallel_loop3A_290, %parallel_loop3A_294 : vector<16xf32>
        %parallel_loop3A_338 = arith.minimumf %parallel_loop3A_298, %parallel_loop3A_302 : vector<16xf32>
        %parallel_loop3A_339 = arith.minimumf %parallel_loop3A_306, %parallel_loop3A_310 : vector<16xf32>
        %parallel_loop3A_340 = arith.minimumf %parallel_loop3A_314, %parallel_loop3A_318 : vector<16xf32>
        %parallel_loop3A_341 = arith.minimumf %parallel_loop3A_322, %parallel_loop3A_326 : vector<16xf32>
        %parallel_loop3A_342 = arith.minimumf %parallel_loop3A_330, %parallel_loop3A_334 : vector<16xf32>
        %parallel_loop3A_343 = arith.minimumf %parallel_loop3A_335, %parallel_loop3A_336 : vector<16xf32>
        %parallel_loop3A_344 = arith.minimumf %parallel_loop3A_337, %parallel_loop3A_338 : vector<16xf32>
        %parallel_loop3A_345 = arith.minimumf %parallel_loop3A_339, %parallel_loop3A_340 : vector<16xf32>
        %parallel_loop3A_346 = arith.minimumf %parallel_loop3A_341, %parallel_loop3A_342 : vector<16xf32>
        %parallel_loop3A_347 = arith.minimumf %parallel_loop3A_343, %parallel_loop3A_344 : vector<16xf32>
        %parallel_loop3A_348 = arith.minimumf %parallel_loop3A_345, %parallel_loop3A_346 : vector<16xf32>
        %parallel_loop3A_349 = arith.minimumf %parallel_loop3A_347, %parallel_loop3A_348 : vector<16xf32>
        %parallel_loop3A_350 = arith.constant 16 : i32
        %parallel_loop3A_351 = arith.muli %parallel_loop3A_266, %parallel_loop3A_350 : i32
        %parallel_loop3A_352 = arith.index_cast %parallel_loop3A_351 : i32 to index
        %parallel_loop3A_353 = tpu.vector_load %arg7[%parallel_loop3A_352] {strides = array<i32>} : memref<1280xf32, #tpu.memory_space<vmem>>, vector<16xf32>,
        tpu.vector_store %arg7[%parallel_loop3A_352], %parallel_loop3A_349 {strides = array<i32>} : memref<1280xf32, #tpu.memory_space<vmem>>, vector<16xf32>,
        %parallel_loop3A_354 = arith.minimumf %parallel_loop3A_267, %parallel_loop3A_347 : vector<16xf32>
        %parallel_loop3A_355 = arith.minimumf %parallel_loop3A_268, %parallel_loop3A_348 : vector<16xf32>
        scf.yield %parallel_loop3A_354, %parallel_loop3A_355 : vector<16xf32>, vector<16xf32>
      } {sc.loop_unroll_factor = 2 : i64, sc.parallel_access}
      %masked_sort3A = arith.constant dense<true> : vector<16xi1>
      %masked_sort3A_37, %masked_sort3A_38, %masked_sort3A_39 = tpu.sort %parallel_loop3A_36#0, %iota3A masked %masked_sort3A : (vector<16xf32>, vector<16xi32>, vector<16xi1>) -> (vector<16xi1>, vector<16xf32>, vector<16xi32>)
      %masked_sort3A_40 = arith.constant dense<true> : vector<16xi1>
      %masked_sort3A_41, %masked_sort3A_42, %masked_sort3A_43 = tpu.sort %parallel_loop3A_36#1, %iota3A masked %masked_sort3A_40 {descending = true} : (vector<16xf32>, vector<16xi32>, vector<16xi1>) -> (vector<16xi1>, vector<16xf32>, vector<16xi32>)
      %min3A = arith.minimumf %masked_sort3A_38, %masked_sort3A_42 : vector<16xf32>
      %broadcast_in_dim3A_44 = arith.constant true
      %broadcast_in_dim3A_45 = vector.broadcast %broadcast_in_dim3A_44 : i1 to vector<16xi1>
      %masked_cummax3A = tpu.scan <max>, %min3A masked %broadcast_in_dim3A_45 : vector<16xf32>, vector<16xi1> -> vector<16xf32>
      %gather3A = vector.shape_cast %broadcast_in_dim3A_4 : vector<16x1xi32> to vector<16xi32>
      %gather3A_46 = tpu.dynamic_gather %masked_cummax3A[%gather3A] in [0] : vector<16xf32>, vector<16xi32> -> vector<16xf32>
      %bitcast3A = vector.bitcast %gather3A_46 : vector<16xf32> to vector<16xi32>
      %ge3A = arith.constant 0.000000e+00 : f32
      %ge3A_47 = vector.broadcast %ge3A : f32 to vector<16xf32>
      %ge3A_48 = arith.cmpf oge, %gather3A_46, %ge3A_47 : vector<16xf32>
      %add3A_49 = arith.constant 1 : i32
      %add3A_50 = vector.broadcast %add3A_49 : i32 to vector<16xi32>
      %add3A_51 = arith.addi %bitcast3A, %add3A_50 : vector<16xi32>
      %sub3A = arith.constant 1 : i32
      %sub3A_52 = vector.broadcast %sub3A : i32 to vector<16xi32>
      %sub3A_53 = arith.subi %bitcast3A, %sub3A_52 : vector<16xi32>
      %select_n3A = arith.select %ge3A_48, %add3A_51, %sub3A_53 : vector<16xi1>, vector<16xi32>
      %bitcast3A_54 = vector.bitcast %select_n3A : vector<16xi32> to vector<16xf32>
      %scan3A_55 = arith.constant 0 : i32
      %scan3A_56 = arith.constant 0 : i32
      %scan3A_57 = arith.constant 80 : i32
      %scan3A_58 = arith.addi %scan3A_56, %scan3A_57 : i32
      %scan3A_59 = arith.constant 1 : i32
      %scan3A_60 = scf.for %scan3A_266 = %scan3A_56 to %scan3A_58 step %scan3A_59 iter_args(%scan3A_267 = %scan3A_55) -> (i32)  : i32 {
        %mul3A_268 = arith.constant 16 : i32
        %mul3A_269 = arith.muli %scan3A_266, %mul3A_268 : i32
        %get3A_270 = arith.index_cast %mul3A_269 : i32 to index
        %get3A_271 = tpu.vector_load %arg7[%get3A_270] {strides = array<i32>} : memref<1280xf32, #tpu.memory_space<vmem>>, vector<16xf32>,
        %lt3A = arith.cmpf olt, %get3A_271, %bitcast3A_54 : vector<16xf32>
        %all_reduce_population_count3A = tpu.all_reduce %lt3A {dim = 0 : i64, kind = #tpu.reduction_kind<sum>} : vector<16xi1> -> vector<16xi32>
        %slice3A = vector.extract_strided_slice %all_reduce_population_count3A {offsets = [0], sizes = [1], strides = [1]} : vector<16xi32> to vector<1xi32>
        %squeeze3A = vector.extract %slice3A[0] : i32 from vector<1xi32>
        %gt3A_272 = arith.constant 0 : i32
        %gt3A_273 = arith.cmpi sgt, %squeeze3A, %gt3A_272 : i32
        %convert_element_type3A_274 = arith.extui %gt3A_273 : i1 to i32
        %cond3A_275 = arith.constant 0 : i32
        %cond3A_276 = arith.cmpi ne, %convert_element_type3A_274, %cond3A_275 : i32
        %cond3A_277 = scf.if %cond3A_276 -> (i32) {
          %mul3A_278 = arith.constant 256 : i32
          %mul3A_279 = arith.muli %scan3A_266, %mul3A_278 : i32
          %add3A_280 = arith.constant 0 : i32
          %add3A_281 = arith.addi %mul3A_279, %add3A_280 : i32
          %get3A_282 = arith.index_cast %add3A_281 : i32 to index
          %get3A_283 = tpu.vector_load %arg5[%get3A_282] {strides = array<i32>} : memref<20480xf32, #tpu.memory_space<vmem>>, vector<16xf32>,
          %lt3A_284 = arith.cmpf olt, %get3A_283, %bitcast3A_54 : vector<16xf32>
          %add3A_285 = arith.constant 0 : i32
          %add3A_286 = arith.addi %mul3A_279, %add3A_285 : i32
          %add3A_287 = vector.broadcast %add3A_286 : i32 to vector<16xi32>
          %add3A_288 = arith.addi %iota3A, %add3A_287 : vector<16xi32>
          %swap3A_289 = arith.index_cast %scan3A_267 : i32 to index
          %swap3A_290 = tpu.vector_load %arg8[%swap3A_289] masked %lt3A_284 {strides = array<i32>} : memref<20496xi32, #tpu.memory_space<vmem>>, vector<16xi32>, vector<16xi1>
          tpu.vector_store %arg8[%swap3A_289], %add3A_288 masked %lt3A_284 {strides = array<i32>} : memref<20496xi32, #tpu.memory_space<vmem>>, vector<16xi32>, vector<16xi1>
          %all_reduce_population_count3A_291 = tpu.all_reduce %lt3A_284 {dim = 0 : i64, kind = #tpu.reduction_kind<sum>} : vector<16xi1> -> vector<16xi32>
          %slice3A_292 = vector.extract_strided_slice %all_reduce_population_count3A_291 {offsets = [0], sizes = [1], strides = [1]} : vector<16xi32> to vector<1xi32>
          %squeeze3A_293 = vector.extract %slice3A_292[0] : i32 from vector<1xi32>
          %add3A_294 = arith.addi %scan3A_267, %squeeze3A_293 : i32
          %add3A_295 = arith.constant 16 : i32
          %add3A_296 = arith.addi %mul3A_279, %add3A_295 : i32
          %get3A_297 = arith.index_cast %add3A_296 : i32 to index
          %get3A_298 = tpu.vector_load %arg5[%get3A_297] {strides = array<i32>} : memref<20480xf32, #tpu.memory_space<vmem>>, vector<16xf32>,
          %lt3A_299 = arith.cmpf olt, %get3A_298, %bitcast3A_54 : vector<16xf32>
          %add3A_300 = arith.constant 16 : i32
          %add3A_301 = arith.addi %mul3A_279, %add3A_300 : i32
          %add3A_302 = vector.broadcast %add3A_301 : i32 to vector<16xi32>
          %add3A_303 = arith.addi %iota3A, %add3A_302 : vector<16xi32>
          %swap3A_304 = arith.index_cast %add3A_294 : i32 to index
          %swap3A_305 = tpu.vector_load %arg8[%swap3A_304] masked %lt3A_299 {strides = array<i32>} : memref<20496xi32, #tpu.memory_space<vmem>>, vector<16xi32>, vector<16xi1>
          tpu.vector_store %arg8[%swap3A_304], %add3A_303 masked %lt3A_299 {strides = array<i32>} : memref<20496xi32, #tpu.memory_space<vmem>>, vector<16xi32>, vector<16xi1>
          %all_reduce_population_count3A_306 = tpu.all_reduce %lt3A_299 {dim = 0 : i64, kind = #tpu.reduction_kind<sum>} : vector<16xi1> -> vector<16xi32>
          %slice3A_307 = vector.extract_strided_slice %all_reduce_population_count3A_306 {offsets = [0], sizes = [1], strides = [1]} : vector<16xi32> to vector<1xi32>
          %squeeze3A_308 = vector.extract %slice3A_307[0] : i32 from vector<1xi32>
          %add3A_309 = arith.addi %add3A_294, %squeeze3A_308 : i32
          %add3A_310 = arith.constant 32 : i32
          %add3A_311 = arith.addi %mul3A_279, %add3A_310 : i32
          %get3A_312 = arith.index_cast %add3A_311 : i32 to index
          %get3A_313 = tpu.vector_load %arg5[%get3A_312] {strides = array<i32>} : memref<20480xf32, #tpu.memory_space<vmem>>, vector<16xf32>,
          %lt3A_314 = arith.cmpf olt, %get3A_313, %bitcast3A_54 : vector<16xf32>
          %add3A_315 = arith.constant 32 : i32
          %add3A_316 = arith.addi %mul3A_279, %add3A_315 : i32
          %add3A_317 = vector.broadcast %add3A_316 : i32 to vector<16xi32>
          %add3A_318 = arith.addi %iota3A, %add3A_317 : vector<16xi32>
          %swap3A_319 = arith.index_cast %add3A_309 : i32 to index
          %swap3A_320 = tpu.vector_load %arg8[%swap3A_319] masked %lt3A_314 {strides = array<i32>} : memref<20496xi32, #tpu.memory_space<vmem>>, vector<16xi32>, vector<16xi1>
          tpu.vector_store %arg8[%swap3A_319], %add3A_318 masked %lt3A_314 {strides = array<i32>} : memref<20496xi32, #tpu.memory_space<vmem>>, vector<16xi32>, vector<16xi1>
          %all_reduce_population_count3A_321 = tpu.all_reduce %lt3A_314 {dim = 0 : i64, kind = #tpu.reduction_kind<sum>} : vector<16xi1> -> vector<16xi32>
          %slice3A_322 = vector.extract_strided_slice %all_reduce_population_count3A_321 {offsets = [0], sizes = [1], strides = [1]} : vector<16xi32> to vector<1xi32>
          %squeeze3A_323 = vector.extract %slice3A_322[0] : i32 from vector<1xi32>
          %add3A_324 = arith.addi %add3A_309, %squeeze3A_323 : i32
          %add3A_325 = arith.constant 48 : i32
          %add3A_326 = arith.addi %mul3A_279, %add3A_325 : i32
          %get3A_327 = arith.index_cast %add3A_326 : i32 to index
          %get3A_328 = tpu.vector_load %arg5[%get3A_327] {strides = array<i32>} : memref<20480xf32, #tpu.memory_space<vmem>>, vector<16xf32>,
          %lt3A_329 = arith.cmpf olt, %get3A_328, %bitcast3A_54 : vector<16xf32>
          %add3A_330 = arith.constant 48 : i32
          %add3A_331 = arith.addi %mul3A_279, %add3A_330 : i32
          %add3A_332 = vector.broadcast %add3A_331 : i32 to vector<16xi32>
          %add3A_333 = arith.addi %iota3A, %add3A_332 : vector<16xi32>
          %swap3A_334 = arith.index_cast %add3A_324 : i32 to index
          %swap3A_335 = tpu.vector_load %arg8[%swap3A_334] masked %lt3A_329 {strides = array<i32>} : memref<20496xi32, #tpu.memory_space<vmem>>, vector<16xi32>, vector<16xi1>
          tpu.vector_store %arg8[%swap3A_334], %add3A_333 masked %lt3A_329 {strides = array<i32>} : memref<20496xi32, #tpu.memory_space<vmem>>, vector<16xi32>, vector<16xi1>
          %all_reduce_population_count3A_336 = tpu.all_reduce %lt3A_329 {dim = 0 : i64, kind = #tpu.reduction_kind<sum>} : vector<16xi1> -> vector<16xi32>
          %slice3A_337 = vector.extract_strided_slice %all_reduce_population_count3A_336 {offsets = [0], sizes = [1], strides = [1]} : vector<16xi32> to vector<1xi32>
          %squeeze3A_338 = vector.extract %slice3A_337[0] : i32 from vector<1xi32>
          %add3A_339 = arith.addi %add3A_324, %squeeze3A_338 : i32
          %add3A_340 = arith.constant 64 : i32
          %add3A_341 = arith.addi %mul3A_279, %add3A_340 : i32
          %get3A_342 = arith.index_cast %add3A_341 : i32 to index
          %get3A_343 = tpu.vector_load %arg5[%get3A_342] {strides = array<i32>} : memref<20480xf32, #tpu.memory_space<vmem>>, vector<16xf32>,
          %lt3A_344 = arith.cmpf olt, %get3A_343, %bitcast3A_54 : vector<16xf32>
          %add3A_345 = arith.constant 64 : i32
          %add3A_346 = arith.addi %mul3A_279, %add3A_345 : i32
          %add3A_347 = vector.broadcast %add3A_346 : i32 to vector<16xi32>
          %add3A_348 = arith.addi %iota3A, %add3A_347 : vector<16xi32>
          %swap3A_349 = arith.index_cast %add3A_339 : i32 to index
          %swap3A_350 = tpu.vector_load %arg8[%swap3A_349] masked %lt3A_344 {strides = array<i32>} : memref<20496xi32, #tpu.memory_space<vmem>>, vector<16xi32>, vector<16xi1>
          tpu.vector_store %arg8[%swap3A_349], %add3A_348 masked %lt3A_344 {strides = array<i32>} : memref<20496xi32, #tpu.memory_space<vmem>>, vector<16xi32>, vector<16xi1>
          %all_reduce_population_count3A_351 = tpu.all_reduce %lt3A_344 {dim = 0 : i64, kind = #tpu.reduction_kind<sum>} : vector<16xi1> -> vector<16xi32>
          %slice3A_352 = vector.extract_strided_slice %all_reduce_population_count3A_351 {offsets = [0], sizes = [1], strides = [1]} : vector<16xi32> to vector<1xi32>
          %squeeze3A_353 = vector.extract %slice3A_352[0] : i32 from vector<1xi32>
          %add3A_354 = arith.addi %add3A_339, %squeeze3A_353 : i32
          %add3A_355 = arith.constant 80 : i32
          %add3A_356 = arith.addi %mul3A_279, %add3A_355 : i32
          %get3A_357 = arith.index_cast %add3A_356 : i32 to index
          %get3A_358 = tpu.vector_load %arg5[%get3A_357] {strides = array<i32>} : memref<20480xf32, #tpu.memory_space<vmem>>, vector<16xf32>,
          %lt3A_359 = arith.cmpf olt, %get3A_358, %bitcast3A_54 : vector<16xf32>
          %add3A_360 = arith.constant 80 : i32
          %add3A_361 = arith.addi %mul3A_279, %add3A_360 : i32
          %add3A_362 = vector.broadcast %add3A_361 : i32 to vector<16xi32>
          %add3A_363 = arith.addi %iota3A, %add3A_362 : vector<16xi32>
          %swap3A_364 = arith.index_cast %add3A_354 : i32 to index
          %swap3A_365 = tpu.vector_load %arg8[%swap3A_364] masked %lt3A_359 {strides = array<i32>} : memref<20496xi32, #tpu.memory_space<vmem>>, vector<16xi32>, vector<16xi1>
          tpu.vector_store %arg8[%swap3A_364], %add3A_363 masked %lt3A_359 {strides = array<i32>} : memref<20496xi32, #tpu.memory_space<vmem>>, vector<16xi32>, vector<16xi1>
          %all_reduce_population_count3A_366 = tpu.all_reduce %lt3A_359 {dim = 0 : i64, kind = #tpu.reduction_kind<sum>} : vector<16xi1> -> vector<16xi32>
          %slice3A_367 = vector.extract_strided_slice %all_reduce_population_count3A_366 {offsets = [0], sizes = [1], strides = [1]} : vector<16xi32> to vector<1xi32>
          %squeeze3A_368 = vector.extract %slice3A_367[0] : i32 from vector<1xi32>
          %add3A_369 = arith.addi %add3A_354, %squeeze3A_368 : i32
          %add3A_370 = arith.constant 96 : i32
          %add3A_371 = arith.addi %mul3A_279, %add3A_370 : i32
          %get3A_372 = arith.index_cast %add3A_371 : i32 to index
          %get3A_373 = tpu.vector_load %arg5[%get3A_372] {strides = array<i32>} : memref<20480xf32, #tpu.memory_space<vmem>>, vector<16xf32>,
          %lt3A_374 = arith.cmpf olt, %get3A_373, %bitcast3A_54 : vector<16xf32>
          %add3A_375 = arith.constant 96 : i32
          %add3A_376 = arith.addi %mul3A_279, %add3A_375 : i32
          %add3A_377 = vector.broadcast %add3A_376 : i32 to vector<16xi32>
          %add3A_378 = arith.addi %iota3A, %add3A_377 : vector<16xi32>
          %swap3A_379 = arith.index_cast %add3A_369 : i32 to index
          %swap3A_380 = tpu.vector_load %arg8[%swap3A_379] masked %lt3A_374 {strides = array<i32>} : memref<20496xi32, #tpu.memory_space<vmem>>, vector<16xi32>, vector<16xi1>
          tpu.vector_store %arg8[%swap3A_379], %add3A_378 masked %lt3A_374 {strides = array<i32>} : memref<20496xi32, #tpu.memory_space<vmem>>, vector<16xi32>, vector<16xi1>
          %all_reduce_population_count3A_381 = tpu.all_reduce %lt3A_374 {dim = 0 : i64, kind = #tpu.reduction_kind<sum>} : vector<16xi1> -> vector<16xi32>
          %slice3A_382 = vector.extract_strided_slice %all_reduce_population_count3A_381 {offsets = [0], sizes = [1], strides = [1]} : vector<16xi32> to vector<1xi32>
          %squeeze3A_383 = vector.extract %slice3A_382[0] : i32 from vector<1xi32>
          %add3A_384 = arith.addi %add3A_369, %squeeze3A_383 : i32
          %add3A_385 = arith.constant 112 : i32
          %add3A_386 = arith.addi %mul3A_279, %add3A_385 : i32
          %get3A_387 = arith.index_cast %add3A_386 : i32 to index
          %get3A_388 = tpu.vector_load %arg5[%get3A_387] {strides = array<i32>} : memref<20480xf32, #tpu.memory_space<vmem>>, vector<16xf32>,
          %lt3A_389 = arith.cmpf olt, %get3A_388, %bitcast3A_54 : vector<16xf32>
          %add3A_390 = arith.constant 112 : i32
          %add3A_391 = arith.addi %mul3A_279, %add3A_390 : i32
          %add3A_392 = vector.broadcast %add3A_391 : i32 to vector<16xi32>
          %add3A_393 = arith.addi %iota3A, %add3A_392 : vector<16xi32>
          %swap3A_394 = arith.index_cast %add3A_384 : i32 to index
          %swap3A_395 = tpu.vector_load %arg8[%swap3A_394] masked %lt3A_389 {strides = array<i32>} : memref<20496xi32, #tpu.memory_space<vmem>>, vector<16xi32>, vector<16xi1>
          tpu.vector_store %arg8[%swap3A_394], %add3A_393 masked %lt3A_389 {strides = array<i32>} : memref<20496xi32, #tpu.memory_space<vmem>>, vector<16xi32>, vector<16xi1>
          %all_reduce_population_count3A_396 = tpu.all_reduce %lt3A_389 {dim = 0 : i64, kind = #tpu.reduction_kind<sum>} : vector<16xi1> -> vector<16xi32>
          %slice3A_397 = vector.extract_strided_slice %all_reduce_population_count3A_396 {offsets = [0], sizes = [1], strides = [1]} : vector<16xi32> to vector<1xi32>
          %squeeze3A_398 = vector.extract %slice3A_397[0] : i32 from vector<1xi32>
          %add3A_399 = arith.addi %add3A_384, %squeeze3A_398 : i32
          %add3A_400 = arith.constant 128 : i32
          %add3A_401 = arith.addi %mul3A_279, %add3A_400 : i32
          %get3A_402 = arith.index_cast %add3A_401 : i32 to index
          %get3A_403 = tpu.vector_load %arg5[%get3A_402] {strides = array<i32>} : memref<20480xf32, #tpu.memory_space<vmem>>, vector<16xf32>,
          %lt3A_404 = arith.cmpf olt, %get3A_403, %bitcast3A_54 : vector<16xf32>
          %add3A_405 = arith.constant 128 : i32
          %add3A_406 = arith.addi %mul3A_279, %add3A_405 : i32
          %add3A_407 = vector.broadcast %add3A_406 : i32 to vector<16xi32>
          %add3A_408 = arith.addi %iota3A, %add3A_407 : vector<16xi32>
          %swap3A_409 = arith.index_cast %add3A_399 : i32 to index
          %swap3A_410 = tpu.vector_load %arg8[%swap3A_409] masked %lt3A_404 {strides = array<i32>} : memref<20496xi32, #tpu.memory_space<vmem>>, vector<16xi32>, vector<16xi1>
          tpu.vector_store %arg8[%swap3A_409], %add3A_408 masked %lt3A_404 {strides = array<i32>} : memref<20496xi32, #tpu.memory_space<vmem>>, vector<16xi32>, vector<16xi1>
          %all_reduce_population_count3A_411 = tpu.all_reduce %lt3A_404 {dim = 0 : i64, kind = #tpu.reduction_kind<sum>} : vector<16xi1> -> vector<16xi32>
          %slice3A_412 = vector.extract_strided_slice %all_reduce_population_count3A_411 {offsets = [0], sizes = [1], strides = [1]} : vector<16xi32> to vector<1xi32>
          %squeeze3A_413 = vector.extract %slice3A_412[0] : i32 from vector<1xi32>
          %add3A_414 = arith.addi %add3A_399, %squeeze3A_413 : i32
          %add3A_415 = arith.constant 144 : i32
          %add3A_416 = arith.addi %mul3A_279, %add3A_415 : i32
          %get3A_417 = arith.index_cast %add3A_416 : i32 to index
          %get3A_418 = tpu.vector_load %arg5[%get3A_417] {strides = array<i32>} : memref<20480xf32, #tpu.memory_space<vmem>>, vector<16xf32>,
          %lt3A_419 = arith.cmpf olt, %get3A_418, %bitcast3A_54 : vector<16xf32>
          %add3A_420 = arith.constant 144 : i32
          %add3A_421 = arith.addi %mul3A_279, %add3A_420 : i32
          %add3A_422 = vector.broadcast %add3A_421 : i32 to vector<16xi32>
          %add3A_423 = arith.addi %iota3A, %add3A_422 : vector<16xi32>
          %swap3A_424 = arith.index_cast %add3A_414 : i32 to index
          %swap3A_425 = tpu.vector_load %arg8[%swap3A_424] masked %lt3A_419 {strides = array<i32>} : memref<20496xi32, #tpu.memory_space<vmem>>, vector<16xi32>, vector<16xi1>
          tpu.vector_store %arg8[%swap3A_424], %add3A_423 masked %lt3A_419 {strides = array<i32>} : memref<20496xi32, #tpu.memory_space<vmem>>, vector<16xi32>, vector<16xi1>
          %all_reduce_population_count3A_426 = tpu.all_reduce %lt3A_419 {dim = 0 : i64, kind = #tpu.reduction_kind<sum>} : vector<16xi1> -> vector<16xi32>
          %slice3A_427 = vector.extract_strided_slice %all_reduce_population_count3A_426 {offsets = [0], sizes = [1], strides = [1]} : vector<16xi32> to vector<1xi32>
          %squeeze3A_428 = vector.extract %slice3A_427[0] : i32 from vector<1xi32>
          %add3A_429 = arith.addi %add3A_414, %squeeze3A_428 : i32
          %add3A_430 = arith.constant 160 : i32
          %add3A_431 = arith.addi %mul3A_279, %add3A_430 : i32
          %get3A_432 = arith.index_cast %add3A_431 : i32 to index
          %get3A_433 = tpu.vector_load %arg5[%get3A_432] {strides = array<i32>} : memref<20480xf32, #tpu.memory_space<vmem>>, vector<16xf32>,
          %lt3A_434 = arith.cmpf olt, %get3A_433, %bitcast3A_54 : vector<16xf32>
          %add3A_435 = arith.constant 160 : i32
          %add3A_436 = arith.addi %mul3A_279, %add3A_435 : i32
          %add3A_437 = vector.broadcast %add3A_436 : i32 to vector<16xi32>
          %add3A_438 = arith.addi %iota3A, %add3A_437 : vector<16xi32>
          %swap3A_439 = arith.index_cast %add3A_429 : i32 to index
          %swap3A_440 = tpu.vector_load %arg8[%swap3A_439] masked %lt3A_434 {strides = array<i32>} : memref<20496xi32, #tpu.memory_space<vmem>>, vector<16xi32>, vector<16xi1>
          tpu.vector_store %arg8[%swap3A_439], %add3A_438 masked %lt3A_434 {strides = array<i32>} : memref<20496xi32, #tpu.memory_space<vmem>>, vector<16xi32>, vector<16xi1>
          %all_reduce_population_count3A_441 = tpu.all_reduce %lt3A_434 {dim = 0 : i64, kind = #tpu.reduction_kind<sum>} : vector<16xi1> -> vector<16xi32>
          %slice3A_442 = vector.extract_strided_slice %all_reduce_population_count3A_441 {offsets = [0], sizes = [1], strides = [1]} : vector<16xi32> to vector<1xi32>
          %squeeze3A_443 = vector.extract %slice3A_442[0] : i32 from vector<1xi32>
          %add3A_444 = arith.addi %add3A_429, %squeeze3A_443 : i32
          %add3A_445 = arith.constant 176 : i32
          %add3A_446 = arith.addi %mul3A_279, %add3A_445 : i32
          %get3A_447 = arith.index_cast %add3A_446 : i32 to index
          %get3A_448 = tpu.vector_load %arg5[%get3A_447] {strides = array<i32>} : memref<20480xf32, #tpu.memory_space<vmem>>, vector<16xf32>,
          %lt3A_449 = arith.cmpf olt, %get3A_448, %bitcast3A_54 : vector<16xf32>
          %add3A_450 = arith.constant 176 : i32
          %add3A_451 = arith.addi %mul3A_279, %add3A_450 : i32
          %add3A_452 = vector.broadcast %add3A_451 : i32 to vector<16xi32>
          %add3A_453 = arith.addi %iota3A, %add3A_452 : vector<16xi32>
          %swap3A_454 = arith.index_cast %add3A_444 : i32 to index
          %swap3A_455 = tpu.vector_load %arg8[%swap3A_454] masked %lt3A_449 {strides = array<i32>} : memref<20496xi32, #tpu.memory_space<vmem>>, vector<16xi32>, vector<16xi1>
          tpu.vector_store %arg8[%swap3A_454], %add3A_453 masked %lt3A_449 {strides = array<i32>} : memref<20496xi32, #tpu.memory_space<vmem>>, vector<16xi32>, vector<16xi1>
          %all_reduce_population_count3A_456 = tpu.all_reduce %lt3A_449 {dim = 0 : i64, kind = #tpu.reduction_kind<sum>} : vector<16xi1> -> vector<16xi32>
          %slice3A_457 = vector.extract_strided_slice %all_reduce_population_count3A_456 {offsets = [0], sizes = [1], strides = [1]} : vector<16xi32> to vector<1xi32>
          %squeeze3A_458 = vector.extract %slice3A_457[0] : i32 from vector<1xi32>
          %add3A_459 = arith.addi %add3A_444, %squeeze3A_458 : i32
          %add3A_460 = arith.constant 192 : i32
          %add3A_461 = arith.addi %mul3A_279, %add3A_460 : i32
          %get3A_462 = arith.index_cast %add3A_461 : i32 to index
          %get3A_463 = tpu.vector_load %arg5[%get3A_462] {strides = array<i32>} : memref<20480xf32, #tpu.memory_space<vmem>>, vector<16xf32>,
          %lt3A_464 = arith.cmpf olt, %get3A_463, %bitcast3A_54 : vector<16xf32>
          %add3A_465 = arith.constant 192 : i32
          %add3A_466 = arith.addi %mul3A_279, %add3A_465 : i32
          %add3A_467 = vector.broadcast %add3A_466 : i32 to vector<16xi32>
          %add3A_468 = arith.addi %iota3A, %add3A_467 : vector<16xi32>
          %swap3A_469 = arith.index_cast %add3A_459 : i32 to index
          %swap3A_470 = tpu.vector_load %arg8[%swap3A_469] masked %lt3A_464 {strides = array<i32>} : memref<20496xi32, #tpu.memory_space<vmem>>, vector<16xi32>, vector<16xi1>
          tpu.vector_store %arg8[%swap3A_469], %add3A_468 masked %lt3A_464 {strides = array<i32>} : memref<20496xi32, #tpu.memory_space<vmem>>, vector<16xi32>, vector<16xi1>
          %all_reduce_population_count3A_471 = tpu.all_reduce %lt3A_464 {dim = 0 : i64, kind = #tpu.reduction_kind<sum>} : vector<16xi1> -> vector<16xi32>
          %slice3A_472 = vector.extract_strided_slice %all_reduce_population_count3A_471 {offsets = [0], sizes = [1], strides = [1]} : vector<16xi32> to vector<1xi32>
          %squeeze3A_473 = vector.extract %slice3A_472[0] : i32 from vector<1xi32>
          %add3A_474 = arith.addi %add3A_459, %squeeze3A_473 : i32
          %add3A_475 = arith.constant 208 : i32
          %add3A_476 = arith.addi %mul3A_279, %add3A_475 : i32
          %get3A_477 = arith.index_cast %add3A_476 : i32 to index
          %get3A_478 = tpu.vector_load %arg5[%get3A_477] {strides = array<i32>} : memref<20480xf32, #tpu.memory_space<vmem>>, vector<16xf32>,
          %lt3A_479 = arith.cmpf olt, %get3A_478, %bitcast3A_54 : vector<16xf32>
          %add3A_480 = arith.constant 208 : i32
          %add3A_481 = arith.addi %mul3A_279, %add3A_480 : i32
          %add3A_482 = vector.broadcast %add3A_481 : i32 to vector<16xi32>
          %add3A_483 = arith.addi %iota3A, %add3A_482 : vector<16xi32>
          %swap3A_484 = arith.index_cast %add3A_474 : i32 to index
          %swap3A_485 = tpu.vector_load %arg8[%swap3A_484] masked %lt3A_479 {strides = array<i32>} : memref<20496xi32, #tpu.memory_space<vmem>>, vector<16xi32>, vector<16xi1>
          tpu.vector_store %arg8[%swap3A_484], %add3A_483 masked %lt3A_479 {strides = array<i32>} : memref<20496xi32, #tpu.memory_space<vmem>>, vector<16xi32>, vector<16xi1>
          %all_reduce_population_count3A_486 = tpu.all_reduce %lt3A_479 {dim = 0 : i64, kind = #tpu.reduction_kind<sum>} : vector<16xi1> -> vector<16xi32>
          %slice3A_487 = vector.extract_strided_slice %all_reduce_population_count3A_486 {offsets = [0], sizes = [1], strides = [1]} : vector<16xi32> to vector<1xi32>
          %squeeze3A_488 = vector.extract %slice3A_487[0] : i32 from vector<1xi32>
          %add3A_489 = arith.addi %add3A_474, %squeeze3A_488 : i32
          %add3A_490 = arith.constant 224 : i32
          %add3A_491 = arith.addi %mul3A_279, %add3A_490 : i32
          %get3A_492 = arith.index_cast %add3A_491 : i32 to index
          %get3A_493 = tpu.vector_load %arg5[%get3A_492] {strides = array<i32>} : memref<20480xf32, #tpu.memory_space<vmem>>, vector<16xf32>,
          %lt3A_494 = arith.cmpf olt, %get3A_493, %bitcast3A_54 : vector<16xf32>
          %add3A_495 = arith.constant 224 : i32
          %add3A_496 = arith.addi %mul3A_279, %add3A_495 : i32
          %add3A_497 = vector.broadcast %add3A_496 : i32 to vector<16xi32>
          %add3A_498 = arith.addi %iota3A, %add3A_497 : vector<16xi32>
          %swap3A_499 = arith.index_cast %add3A_489 : i32 to index
          %swap3A_500 = tpu.vector_load %arg8[%swap3A_499] masked %lt3A_494 {strides = array<i32>} : memref<20496xi32, #tpu.memory_space<vmem>>, vector<16xi32>, vector<16xi1>
          tpu.vector_store %arg8[%swap3A_499], %add3A_498 masked %lt3A_494 {strides = array<i32>} : memref<20496xi32, #tpu.memory_space<vmem>>, vector<16xi32>, vector<16xi1>
          %all_reduce_population_count3A_501 = tpu.all_reduce %lt3A_494 {dim = 0 : i64, kind = #tpu.reduction_kind<sum>} : vector<16xi1> -> vector<16xi32>
          %slice3A_502 = vector.extract_strided_slice %all_reduce_population_count3A_501 {offsets = [0], sizes = [1], strides = [1]} : vector<16xi32> to vector<1xi32>
          %squeeze3A_503 = vector.extract %slice3A_502[0] : i32 from vector<1xi32>
          %add3A_504 = arith.addi %add3A_489, %squeeze3A_503 : i32
          %add3A_505 = arith.constant 240 : i32
          %add3A_506 = arith.addi %mul3A_279, %add3A_505 : i32
          %get3A_507 = arith.index_cast %add3A_506 : i32 to index
          %get3A_508 = tpu.vector_load %arg5[%get3A_507] {strides = array<i32>} : memref<20480xf32, #tpu.memory_space<vmem>>, vector<16xf32>,
          %lt3A_509 = arith.cmpf olt, %get3A_508, %bitcast3A_54 : vector<16xf32>
          %add3A_510 = arith.constant 240 : i32
          %add3A_511 = arith.addi %mul3A_279, %add3A_510 : i32
          %add3A_512 = vector.broadcast %add3A_511 : i32 to vector<16xi32>
          %add3A_513 = arith.addi %iota3A, %add3A_512 : vector<16xi32>
          %swap3A_514 = arith.index_cast %add3A_504 : i32 to index
          %swap3A_515 = tpu.vector_load %arg8[%swap3A_514] masked %lt3A_509 {strides = array<i32>} : memref<20496xi32, #tpu.memory_space<vmem>>, vector<16xi32>, vector<16xi1>
          tpu.vector_store %arg8[%swap3A_514], %add3A_513 masked %lt3A_509 {strides = array<i32>} : memref<20496xi32, #tpu.memory_space<vmem>>, vector<16xi32>, vector<16xi1>
          %all_reduce_population_count3A_516 = tpu.all_reduce %lt3A_509 {dim = 0 : i64, kind = #tpu.reduction_kind<sum>} : vector<16xi1> -> vector<16xi32>
          %slice3A_517 = vector.extract_strided_slice %all_reduce_population_count3A_516 {offsets = [0], sizes = [1], strides = [1]} : vector<16xi32> to vector<1xi32>
          %squeeze3A_518 = vector.extract %slice3A_517[0] : i32 from vector<1xi32>
          %add3A_519 = arith.addi %add3A_504, %squeeze3A_518 : i32
          scf.yield %add3A_519 : i32
        } else {
          scf.yield %scan3A_267 : i32
        }
        scf.yield %cond3A_277 : i32
      }
      %scan3A_61 = arith.constant 80 : i32
      %broadcast_in_dim3A_62 = arith.constant 20479 : i32
      %broadcast_in_dim3A_63 = vector.broadcast %broadcast_in_dim3A_62 : i32 to vector<16xi32>
      %swap3A = arith.index_cast %scan3A_60 : i32 to index
      %swap3A_64 = tpu.vector_load %arg8[%swap3A] {strides = array<i32>} : memref<20496xi32, #tpu.memory_space<vmem>>, vector<16xi32>,
      tpu.vector_store %arg8[%swap3A], %broadcast_in_dim3A_63 {strides = array<i32>} : memref<20496xi32, #tpu.memory_space<vmem>>, vector<16xi32>,
      %broadcast_in_dim3A_65 = arith.constant 3.000000e+38 : f32
      %broadcast_in_dim3A_66 = vector.broadcast %broadcast_in_dim3A_65 : f32 to vector<16xf32>
      %broadcast_in_dim3A_67 = arith.constant 3.000000e+38 : f32
      %broadcast_in_dim3A_68 = vector.broadcast %broadcast_in_dim3A_67 : f32 to vector<16xf32>
      %add3A_69 = arith.constant 15 : i32
      %add3A_70 = arith.addi %scan3A_60, %add3A_69 : i32
      %jit3A = arith.constant 16 : i32
      %div3A = arith.divsi %add3A_70, %jit3A : i32
      %sign3A = arith.constant 0 : i32
      %sign3A_71 = arith.cmpi sgt, %add3A_70, %sign3A : i32
      %sign3A_72 = arith.extui %sign3A_71 : i1 to i32
      %sign3A_73 = arith.constant 0 : i32
      %sign3A_74 = arith.cmpi slt, %add3A_70, %sign3A_73 : i32
      %sign3A_75 = arith.extui %sign3A_74 : i1 to i32
      %sign3A_76 = arith.subi %sign3A_72, %sign3A_75 : i32
      %sign3A_77 = arith.constant 0 : i32
      %sign3A_78 = arith.cmpi sgt, %jit3A, %sign3A_77 : i32
      %sign3A_79 = arith.extui %sign3A_78 : i1 to i32
      %sign3A_80 = arith.constant 0 : i32
      %sign3A_81 = arith.cmpi slt, %jit3A, %sign3A_80 : i32
      %sign3A_82 = arith.extui %sign3A_81 : i1 to i32
      %sign3A_83 = arith.subi %sign3A_79, %sign3A_82 : i32
      %ne3A = arith.cmpi ne, %sign3A_76, %sign3A_83 : i32
      %rem3A = arith.remsi %add3A_70, %jit3A : i32
      %ne3A_84 = arith.constant 0 : i32
      %ne3A_85 = arith.cmpi ne, %rem3A, %ne3A_84 : i32
      %and3A = arith.andi %ne3A, %ne3A_85 : i1
      %sub3A_86 = arith.constant 1 : i32
      %sub3A_87 = arith.subi %div3A, %sub3A_86 : i32
      %select_n3A_88 = arith.select %and3A, %sub3A_87, %div3A : i32
      %while3A = arith.constant 0 : i32
      %while3A_89 = arith.subi %select_n3A_88, %while3A : i32
      %while3A_90 = arith.addi %while3A, %while3A_89 : i32
      %while3A_91 = arith.constant 1 : i32
      %while3A_92 = arith.divsi %while3A_89, %while3A_91 : i32
      %while3A_93 = arith.muli %while3A_92, %while3A_91 : i32
      %while3A_94 = arith.addi %while3A, %while3A_93 : i32
      %while3A_95 = arith.constant 1 : i32
      %while3A_96:2 = scf.for %while3A_266 = %while3A to %while3A_94 step %while3A_95 iter_args(%while3A_267 = %broadcast_in_dim3A_66, %while3A_268 = %broadcast_in_dim3A_68) -> (vector<16xf32>, vector<16xf32>)  : i32 {
        %mul3A_269 = arith.constant 16 : i32
        %mul3A_270 = arith.muli %while3A_266, %mul3A_269 : i32
        %get3A_271 = arith.index_cast %mul3A_270 : i32 to index
        %get3A_272 = tpu.vector_load %arg8[%get3A_271] {strides = array<i32>} : memref<20496xi32, #tpu.memory_space<vmem>>, vector<16xi32>,
        %gather3A_273 = tpu.vector_load_idx %arg5[%get3A_272] : memref<20480xf32, #tpu.memory_space<vmem>>[vector<16xi32>], vector<16xf32>,
        %lt3A = arith.cmpf olt, %gather3A_273, %while3A_268 : vector<16xf32>
        %all_reduce_population_count3A = tpu.all_reduce %lt3A {dim = 0 : i64, kind = #tpu.reduction_kind<sum>} : vector<16xi1> -> vector<16xi32>
        %slice3A = vector.extract_strided_slice %all_reduce_population_count3A {offsets = [0], sizes = [1], strides = [1]} : vector<16xi32> to vector<1xi32>
        %squeeze3A = vector.extract %slice3A[0] : i32 from vector<1xi32>
        %gt3A_274 = arith.constant 0 : i32
        %gt3A_275 = arith.cmpi sgt, %squeeze3A, %gt3A_274 : i32
        %convert_element_type3A_276 = arith.extui %gt3A_275 : i1 to i32
        %cond3A_277 = arith.constant 0 : i32
        %cond3A_278 = arith.cmpi ne, %convert_element_type3A_276, %cond3A_277 : i32
        %cond3A_279:2 = scf.if %cond3A_278 -> (vector<16xf32>, vector<16xf32>) {
          %masked_sort3A_280 = arith.constant dense<true> : vector<16xi1>
          %masked_sort3A_281, %masked_sort3A_282, %masked_sort3A_283 = tpu.sort %gather3A_273, %get3A_272 masked %masked_sort3A_280 {descending = true} : (vector<16xf32>, vector<16xi32>, vector<16xi1>) -> (vector<16xi1>, vector<16xf32>, vector<16xi32>)
          %min3A_284 = arith.minimumf %while3A_267, %masked_sort3A_282 : vector<16xf32>
          %masked_sort3A_285 = arith.constant dense<true> : vector<16xi1>
          %masked_sort3A_286, %masked_sort3A_287, %masked_sort3A_288 = tpu.sort %min3A_284, %iota3A masked %masked_sort3A_285 : (vector<16xf32>, vector<16xi32>, vector<16xi1>) -> (vector<16xi1>, vector<16xf32>, vector<16xi32>)
          %gather3A_289 = vector.shape_cast %broadcast_in_dim3A_4 : vector<16x1xi32> to vector<16xi32>
          %gather3A_290 = tpu.dynamic_gather %masked_sort3A_287[%gather3A_289] in [0] : vector<16xf32>, vector<16xi32> -> vector<16xf32>
          scf.yield %masked_sort3A_287, %gather3A_290 : vector<16xf32>, vector<16xf32>
        } else {
          scf.yield %while3A_267, %while3A_268 : vector<16xf32>, vector<16xf32>
        }
        scf.yield %cond3A_279#0, %cond3A_279#1 : vector<16xf32>, vector<16xf32>
      }
      %while3A_97 = arith.constant 1 : i32
      %while3A_98:2 = scf.for %while3A_266 = %while3A_94 to %while3A_90 step %while3A_97 iter_args(%while3A_267 = %while3A_96#0, %while3A_268 = %while3A_96#1) -> (vector<16xf32>, vector<16xf32>)  : i32 {
        %mul3A_269 = arith.constant 16 : i32
        %mul3A_270 = arith.muli %while3A_266, %mul3A_269 : i32
        %get3A_271 = arith.index_cast %mul3A_270 : i32 to index
        %get3A_272 = tpu.vector_load %arg8[%get3A_271] {strides = array<i32>} : memref<20496xi32, #tpu.memory_space<vmem>>, vector<16xi32>,
        %gather3A_273 = tpu.vector_load_idx %arg5[%get3A_272] : memref<20480xf32, #tpu.memory_space<vmem>>[vector<16xi32>], vector<16xf32>,
        %lt3A = arith.cmpf olt, %gather3A_273, %while3A_268 : vector<16xf32>
        %all_reduce_population_count3A = tpu.all_reduce %lt3A {dim = 0 : i64, kind = #tpu.reduction_kind<sum>} : vector<16xi1> -> vector<16xi32>
        %slice3A = vector.extract_strided_slice %all_reduce_population_count3A {offsets = [0], sizes = [1], strides = [1]} : vector<16xi32> to vector<1xi32>
        %squeeze3A = vector.extract %slice3A[0] : i32 from vector<1xi32>
        %gt3A_274 = arith.constant 0 : i32
        %gt3A_275 = arith.cmpi sgt, %squeeze3A, %gt3A_274 : i32
        %convert_element_type3A_276 = arith.extui %gt3A_275 : i1 to i32
        %cond3A_277 = arith.constant 0 : i32
        %cond3A_278 = arith.cmpi ne, %convert_element_type3A_276, %cond3A_277 : i32
        %cond3A_279:2 = scf.if %cond3A_278 -> (vector<16xf32>, vector<16xf32>) {
          %masked_sort3A_280 = arith.constant dense<true> : vector<16xi1>
          %masked_sort3A_281, %masked_sort3A_282, %masked_sort3A_283 = tpu.sort %gather3A_273, %get3A_272 masked %masked_sort3A_280 {descending = true} : (vector<16xf32>, vector<16xi32>, vector<16xi1>) -> (vector<16xi1>, vector<16xf32>, vector<16xi32>)
          %min3A_284 = arith.minimumf %while3A_267, %masked_sort3A_282 : vector<16xf32>
          %masked_sort3A_285 = arith.constant dense<true> : vector<16xi1>
          %masked_sort3A_286, %masked_sort3A_287, %masked_sort3A_288 = tpu.sort %min3A_284, %iota3A masked %masked_sort3A_285 : (vector<16xf32>, vector<16xi32>, vector<16xi1>) -> (vector<16xi1>, vector<16xf32>, vector<16xi32>)
          %gather3A_289 = vector.shape_cast %broadcast_in_dim3A_4 : vector<16x1xi32> to vector<16xi32>
          %gather3A_290 = tpu.dynamic_gather %masked_sort3A_287[%gather3A_289] in [0] : vector<16xf32>, vector<16xi32> -> vector<16xf32>
          scf.yield %masked_sort3A_287, %gather3A_290 : vector<16xf32>, vector<16xf32>
        } else {
          scf.yield %while3A_267, %while3A_268 : vector<16xf32>, vector<16xf32>
        }
        scf.yield %cond3A_279#0, %cond3A_279#1 : vector<16xf32>, vector<16xf32>
      }
      %while3A_99 = arith.constant 0 : i32
      %while3A_100 = arith.constant 0 : i32
      %while3A_101 = arith.constant 0 : i32
      %while3A_102 = arith.subi %select_n3A_88, %while3A_99 : i32
      %while3A_103 = arith.addi %while3A_99, %while3A_102 : i32
      %while3A_104 = arith.constant 1 : i32
      %while3A_105 = arith.divsi %while3A_102, %while3A_104 : i32
      %while3A_106 = arith.muli %while3A_105, %while3A_104 : i32
      %while3A_107 = arith.addi %while3A_99, %while3A_106 : i32
      %while3A_108 = arith.constant 1 : i32
      %while3A_109:2 = scf.for %while3A_266 = %while3A_99 to %while3A_107 step %while3A_108 iter_args(%while3A_267 = %while3A_100, %while3A_268 = %while3A_101) -> (i32, i32)  : i32 {
        %mul3A_269 = arith.constant 16 : i32
        %mul3A_270 = arith.muli %while3A_266, %mul3A_269 : i32
        %get3A_271 = arith.index_cast %mul3A_270 : i32 to index
        %get3A_272 = tpu.vector_load %arg8[%get3A_271] {strides = array<i32>} : memref<20496xi32, #tpu.memory_space<vmem>>, vector<16xi32>,
        %gather3A_273 = tpu.vector_load_idx %arg5[%get3A_272] : memref<20480xf32, #tpu.memory_space<vmem>>[vector<16xi32>], vector<16xf32>,
        %lt3A = arith.cmpf olt, %gather3A_273, %while3A_98#1 : vector<16xf32>
        %eq3A = arith.cmpf oeq, %gather3A_273, %while3A_98#1 : vector<16xf32>
        %swap3A_274 = arith.index_cast %while3A_267 : i32 to index
        %swap3A_275 = tpu.vector_load %arg9[%swap3A_274] masked %lt3A {strides = array<i32>} : memref<48xi32, #tpu.memory_space<vmem>>, vector<16xi32>, vector<16xi1>
        tpu.vector_store %arg9[%swap3A_274], %get3A_272 masked %lt3A {strides = array<i32>} : memref<48xi32, #tpu.memory_space<vmem>>, vector<16xi32>, vector<16xi1>
        %swap3A_276 = arith.index_cast %while3A_268 : i32 to index
        %swap3A_277 = tpu.vector_load %arg8[%swap3A_276] masked %eq3A {strides = array<i32>} : memref<20496xi32, #tpu.memory_space<vmem>>, vector<16xi32>, vector<16xi1>
        tpu.vector_store %arg8[%swap3A_276], %get3A_272 masked %eq3A {strides = array<i32>} : memref<20496xi32, #tpu.memory_space<vmem>>, vector<16xi32>, vector<16xi1>
        %all_reduce_population_count3A = tpu.all_reduce %lt3A {dim = 0 : i64, kind = #tpu.reduction_kind<sum>} : vector<16xi1> -> vector<16xi32>
        %slice3A = vector.extract_strided_slice %all_reduce_population_count3A {offsets = [0], sizes = [1], strides = [1]} : vector<16xi32> to vector<1xi32>
        %squeeze3A = vector.extract %slice3A[0] : i32 from vector<1xi32>
        %add3A_278 = arith.addi %while3A_267, %squeeze3A : i32
        %all_reduce_population_count3A_279 = tpu.all_reduce %eq3A {dim = 0 : i64, kind = #tpu.reduction_kind<sum>} : vector<16xi1> -> vector<16xi32>
        %slice3A_280 = vector.extract_strided_slice %all_reduce_population_count3A_279 {offsets = [0], sizes = [1], strides = [1]} : vector<16xi32> to vector<1xi32>
        %squeeze3A_281 = vector.extract %slice3A_280[0] : i32 from vector<1xi32>
        %add3A_282 = arith.addi %while3A_268, %squeeze3A_281 : i32
        scf.yield %add3A_278, %add3A_282 : i32, i32
      }
      %while3A_110 = arith.constant 1 : i32
      %while3A_111:2 = scf.for %while3A_266 = %while3A_107 to %while3A_103 step %while3A_110 iter_args(%while3A_267 = %while3A_109#0, %while3A_268 = %while3A_109#1) -> (i32, i32)  : i32 {
        %mul3A_269 = arith.constant 16 : i32
        %mul3A_270 = arith.muli %while3A_266, %mul3A_269 : i32
        %get3A_271 = arith.index_cast %mul3A_270 : i32 to index
        %get3A_272 = tpu.vector_load %arg8[%get3A_271] {strides = array<i32>} : memref<20496xi32, #tpu.memory_space<vmem>>, vector<16xi32>,
        %gather3A_273 = tpu.vector_load_idx %arg5[%get3A_272] : memref<20480xf32, #tpu.memory_space<vmem>>[vector<16xi32>], vector<16xf32>,
        %lt3A = arith.cmpf olt, %gather3A_273, %while3A_98#1 : vector<16xf32>
        %eq3A = arith.cmpf oeq, %gather3A_273, %while3A_98#1 : vector<16xf32>
        %swap3A_274 = arith.index_cast %while3A_267 : i32 to index
        %swap3A_275 = tpu.vector_load %arg9[%swap3A_274] masked %lt3A {strides = array<i32>} : memref<48xi32, #tpu.memory_space<vmem>>, vector<16xi32>, vector<16xi1>
        tpu.vector_store %arg9[%swap3A_274], %get3A_272 masked %lt3A {strides = array<i32>} : memref<48xi32, #tpu.memory_space<vmem>>, vector<16xi32>, vector<16xi1>
        %swap3A_276 = arith.index_cast %while3A_268 : i32 to index
        %swap3A_277 = tpu.vector_load %arg8[%swap3A_276] masked %eq3A {strides = array<i32>} : memref<20496xi32, #tpu.memory_space<vmem>>, vector<16xi32>, vector<16xi1>
        tpu.vector_store %arg8[%swap3A_276], %get3A_272 masked %eq3A {strides = array<i32>} : memref<20496xi32, #tpu.memory_space<vmem>>, vector<16xi32>, vector<16xi1>
        %all_reduce_population_count3A = tpu.all_reduce %lt3A {dim = 0 : i64, kind = #tpu.reduction_kind<sum>} : vector<16xi1> -> vector<16xi32>
        %slice3A = vector.extract_strided_slice %all_reduce_population_count3A {offsets = [0], sizes = [1], strides = [1]} : vector<16xi32> to vector<1xi32>
        %squeeze3A = vector.extract %slice3A[0] : i32 from vector<1xi32>
        %add3A_278 = arith.addi %while3A_267, %squeeze3A : i32
        %all_reduce_population_count3A_279 = tpu.all_reduce %eq3A {dim = 0 : i64, kind = #tpu.reduction_kind<sum>} : vector<16xi1> -> vector<16xi32>
        %slice3A_280 = vector.extract_strided_slice %all_reduce_population_count3A_279 {offsets = [0], sizes = [1], strides = [1]} : vector<16xi32> to vector<1xi32>
        %squeeze3A_281 = vector.extract %slice3A_280[0] : i32 from vector<1xi32>
        %add3A_282 = arith.addi %while3A_268, %squeeze3A_281 : i32
        scf.yield %add3A_278, %add3A_282 : i32, i32
      }
      %get3A = arith.constant 0 : index
      %get3A_112 = tpu.vector_load %arg8[%get3A] {strides = array<i32>} : memref<20496xi32, #tpu.memory_space<vmem>>, vector<16xi32>,
      %swap3A_113 = arith.index_cast %while3A_111#0 : i32 to index
      %swap3A_114 = tpu.vector_load %arg9[%swap3A_113] {strides = array<i32>} : memref<48xi32, #tpu.memory_space<vmem>>, vector<16xi32>,
      tpu.vector_store %arg9[%swap3A_113], %get3A_112 {strides = array<i32>} : memref<48xi32, #tpu.memory_space<vmem>>, vector<16xi32>,
      %get3A_115 = arith.constant 0 : index
      %get3A_116 = tpu.vector_load %arg9[%get3A_115] {strides = array<i32>} : memref<48xi32, #tpu.memory_space<vmem>>, vector<16xi32>,
      %swap3A_117 = arith.constant 0 : index
      %swap3A_118 = tpu.vector_load %arg10[%swap3A_117] {strides = array<i32>} : memref<16xi32, #tpu.memory_space<vmem>>, vector<16xi32>,
      tpu.vector_store %arg10[%swap3A_117], %get3A_116 {strides = array<i32>} : memref<16xi32, #tpu.memory_space<vmem>>, vector<16xi32>,
      %dma_start3A_119 = arith.constant 0 : i32
      %dma_start3A_120 = arith.constant 0 : i32
      %dma_start3A_121 = tpu.memref_slice %arg3[%dma_start3A_119, %dma_start3A_120] : memref<20000x512xf32, #tpu.memory_space<hbm>> -> memref<20000x512xf32, #tpu.memory_space<hbm>>
      tpu.enqueue_indirect_dma source(%dma_start3A_121 : memref<20000x512xf32, #tpu.memory_space<hbm>>) target(%arg12 : memref<16x512xf32, #tpu.memory_space<vmem>>) offsets(%arg10 : memref<16xi32, #tpu.memory_space<vmem>>) semaphore(%arg17 : memref<!tpu.dma_semaphore, #tpu.memory_space<semaphore_mem>>)
      %gt3A = arith.constant 0 : i32
      %gt3A_122 = arith.cmpi sgt, %scan3A_17, %gt3A : i32
      %convert_element_type3A = arith.extui %gt3A_122 : i1 to i32
      %cond3A = arith.constant 0 : i32
      %cond3A_123 = arith.cmpi ne, %convert_element_type3A, %cond3A : i32
      scf.if %cond3A_123 {
        %sub3A_266 = arith.constant 1 : i32
        %sub3A_267 = arith.subi %mul3A_20, %sub3A_266 : i32
        %dma_wait3A_268 = arith.constant 0 : i32
        %dma_wait3A_269 = arith.constant 0 : i32
        %dma_wait3A_270 = tpu.memref_slice %arg3[%dma_wait3A_268, %dma_wait3A_269] : memref<20000x512xf32, #tpu.memory_space<hbm>> -> memref<20000x512xf32, #tpu.memory_space<hbm>>
        tpu.wait_indirect_dma semaphore(%arg18 : memref<!tpu.dma_semaphore, #tpu.memory_space<semaphore_mem>>) src(%dma_wait3A_270 : memref<20000x512xf32, #tpu.memory_space<hbm>>) dst(%arg13 : memref<16x512xf32, #tpu.memory_space<vmem>>)
        %parallel_loop3A_271 = arith.constant 0 : i32
        %parallel_loop3A_272 = arith.constant 32 : i32
        %parallel_loop3A_273 = arith.constant 1 : i32
        scf.for %parallel_loop3A_274 = %parallel_loop3A_271 to %parallel_loop3A_272 step %parallel_loop3A_273  : i32 {
          %parallel_loop3A_275 = arith.constant 16 : i32
          %parallel_loop3A_276 = arith.muli %parallel_loop3A_274, %parallel_loop3A_275 : i32
          %parallel_loop3A_277 = arith.constant 0 : i32
          %parallel_loop3A_278 = arith.index_cast %parallel_loop3A_277 : i32 to index
          %parallel_loop3A_279 = arith.index_cast %parallel_loop3A_276 : i32 to index
          %parallel_loop3A_280 = tpu.vector_load %arg13[%parallel_loop3A_278, %parallel_loop3A_279] {strides = array<i32>} : memref<16x512xf32, #tpu.memory_space<vmem>>, vector<16xf32>,
          %parallel_loop3A_281 = arith.constant 16 : i32
          %parallel_loop3A_282 = arith.muli %parallel_loop3A_274, %parallel_loop3A_281 : i32
          %parallel_loop3A_283 = arith.constant 1 : i32
          %parallel_loop3A_284 = arith.index_cast %parallel_loop3A_283 : i32 to index
          %parallel_loop3A_285 = arith.index_cast %parallel_loop3A_282 : i32 to index
          %parallel_loop3A_286 = tpu.vector_load %arg13[%parallel_loop3A_284, %parallel_loop3A_285] {strides = array<i32>} : memref<16x512xf32, #tpu.memory_space<vmem>>, vector<16xf32>,
          %parallel_loop3A_287 = arith.constant 16 : i32
          %parallel_loop3A_288 = arith.muli %parallel_loop3A_274, %parallel_loop3A_287 : i32
          %parallel_loop3A_289 = arith.constant 2 : i32
          %parallel_loop3A_290 = arith.index_cast %parallel_loop3A_289 : i32 to index
          %parallel_loop3A_291 = arith.index_cast %parallel_loop3A_288 : i32 to index
          %parallel_loop3A_292 = tpu.vector_load %arg13[%parallel_loop3A_290, %parallel_loop3A_291] {strides = array<i32>} : memref<16x512xf32, #tpu.memory_space<vmem>>, vector<16xf32>,
          %parallel_loop3A_293 = arith.constant 16 : i32
          %parallel_loop3A_294 = arith.muli %parallel_loop3A_274, %parallel_loop3A_293 : i32
          %parallel_loop3A_295 = arith.constant 3 : i32
          %parallel_loop3A_296 = arith.index_cast %parallel_loop3A_295 : i32 to index
          %parallel_loop3A_297 = arith.index_cast %parallel_loop3A_294 : i32 to index
          %parallel_loop3A_298 = tpu.vector_load %arg13[%parallel_loop3A_296, %parallel_loop3A_297] {strides = array<i32>} : memref<16x512xf32, #tpu.memory_space<vmem>>, vector<16xf32>,
          %parallel_loop3A_299 = arith.constant 16 : i32
          %parallel_loop3A_300 = arith.muli %parallel_loop3A_274, %parallel_loop3A_299 : i32
          %parallel_loop3A_301 = arith.constant 4 : i32
          %parallel_loop3A_302 = arith.index_cast %parallel_loop3A_301 : i32 to index
          %parallel_loop3A_303 = arith.index_cast %parallel_loop3A_300 : i32 to index
          %parallel_loop3A_304 = tpu.vector_load %arg13[%parallel_loop3A_302, %parallel_loop3A_303] {strides = array<i32>} : memref<16x512xf32, #tpu.memory_space<vmem>>, vector<16xf32>,
          %parallel_loop3A_305 = arith.constant 16 : i32
          %parallel_loop3A_306 = arith.muli %parallel_loop3A_274, %parallel_loop3A_305 : i32
          %parallel_loop3A_307 = arith.constant 5 : i32
          %parallel_loop3A_308 = arith.index_cast %parallel_loop3A_307 : i32 to index
          %parallel_loop3A_309 = arith.index_cast %parallel_loop3A_306 : i32 to index
          %parallel_loop3A_310 = tpu.vector_load %arg13[%parallel_loop3A_308, %parallel_loop3A_309] {strides = array<i32>} : memref<16x512xf32, #tpu.memory_space<vmem>>, vector<16xf32>,
          %parallel_loop3A_311 = arith.constant 16 : i32
          %parallel_loop3A_312 = arith.muli %parallel_loop3A_274, %parallel_loop3A_311 : i32
          %parallel_loop3A_313 = arith.constant 6 : i32
          %parallel_loop3A_314 = arith.index_cast %parallel_loop3A_313 : i32 to index
          %parallel_loop3A_315 = arith.index_cast %parallel_loop3A_312 : i32 to index
          %parallel_loop3A_316 = tpu.vector_load %arg13[%parallel_loop3A_314, %parallel_loop3A_315] {strides = array<i32>} : memref<16x512xf32, #tpu.memory_space<vmem>>, vector<16xf32>,
          %parallel_loop3A_317 = arith.constant 16 : i32
          %parallel_loop3A_318 = arith.muli %parallel_loop3A_274, %parallel_loop3A_317 : i32
          %parallel_loop3A_319 = arith.constant 7 : i32
          %parallel_loop3A_320 = arith.index_cast %parallel_loop3A_319 : i32 to index
          %parallel_loop3A_321 = arith.index_cast %parallel_loop3A_318 : i32 to index
          %parallel_loop3A_322 = tpu.vector_load %arg13[%parallel_loop3A_320, %parallel_loop3A_321] {strides = array<i32>} : memref<16x512xf32, #tpu.memory_space<vmem>>, vector<16xf32>,
          %parallel_loop3A_323 = arith.constant 16 : i32
          %parallel_loop3A_324 = arith.muli %parallel_loop3A_274, %parallel_loop3A_323 : i32
          %parallel_loop3A_325 = arith.constant 8 : i32
          %parallel_loop3A_326 = arith.index_cast %parallel_loop3A_325 : i32 to index
          %parallel_loop3A_327 = arith.index_cast %parallel_loop3A_324 : i32 to index
          %parallel_loop3A_328 = tpu.vector_load %arg13[%parallel_loop3A_326, %parallel_loop3A_327] {strides = array<i32>} : memref<16x512xf32, #tpu.memory_space<vmem>>, vector<16xf32>,
          %parallel_loop3A_329 = arith.constant 16 : i32
          %parallel_loop3A_330 = arith.muli %parallel_loop3A_274, %parallel_loop3A_329 : i32
          %parallel_loop3A_331 = arith.constant 9 : i32
          %parallel_loop3A_332 = arith.index_cast %parallel_loop3A_331 : i32 to index
          %parallel_loop3A_333 = arith.index_cast %parallel_loop3A_330 : i32 to index
          %parallel_loop3A_334 = tpu.vector_load %arg13[%parallel_loop3A_332, %parallel_loop3A_333] {strides = array<i32>} : memref<16x512xf32, #tpu.memory_space<vmem>>, vector<16xf32>,
          %parallel_loop3A_335 = arith.constant 16 : i32
          %parallel_loop3A_336 = arith.muli %parallel_loop3A_274, %parallel_loop3A_335 : i32
          %parallel_loop3A_337 = arith.constant 10 : i32
          %parallel_loop3A_338 = arith.index_cast %parallel_loop3A_337 : i32 to index
          %parallel_loop3A_339 = arith.index_cast %parallel_loop3A_336 : i32 to index
          %parallel_loop3A_340 = tpu.vector_load %arg13[%parallel_loop3A_338, %parallel_loop3A_339] {strides = array<i32>} : memref<16x512xf32, #tpu.memory_space<vmem>>, vector<16xf32>,
          %parallel_loop3A_341 = arith.constant 16 : i32
          %parallel_loop3A_342 = arith.muli %parallel_loop3A_274, %parallel_loop3A_341 : i32
          %parallel_loop3A_343 = arith.constant 11 : i32
          %parallel_loop3A_344 = arith.index_cast %parallel_loop3A_343 : i32 to index
          %parallel_loop3A_345 = arith.index_cast %parallel_loop3A_342 : i32 to index
          %parallel_loop3A_346 = tpu.vector_load %arg13[%parallel_loop3A_344, %parallel_loop3A_345] {strides = array<i32>} : memref<16x512xf32, #tpu.memory_space<vmem>>, vector<16xf32>,
          %parallel_loop3A_347 = arith.constant 16 : i32
          %parallel_loop3A_348 = arith.muli %parallel_loop3A_274, %parallel_loop3A_347 : i32
          %parallel_loop3A_349 = arith.constant 12 : i32
          %parallel_loop3A_350 = arith.index_cast %parallel_loop3A_349 : i32 to index
          %parallel_loop3A_351 = arith.index_cast %parallel_loop3A_348 : i32 to index
          %parallel_loop3A_352 = tpu.vector_load %arg13[%parallel_loop3A_350, %parallel_loop3A_351] {strides = array<i32>} : memref<16x512xf32, #tpu.memory_space<vmem>>, vector<16xf32>,
          %parallel_loop3A_353 = arith.constant 16 : i32
          %parallel_loop3A_354 = arith.muli %parallel_loop3A_274, %parallel_loop3A_353 : i32
          %parallel_loop3A_355 = arith.constant 13 : i32
          %parallel_loop3A_356 = arith.index_cast %parallel_loop3A_355 : i32 to index
          %parallel_loop3A_357 = arith.index_cast %parallel_loop3A_354 : i32 to index
          %parallel_loop3A_358 = tpu.vector_load %arg13[%parallel_loop3A_356, %parallel_loop3A_357] {strides = array<i32>} : memref<16x512xf32, #tpu.memory_space<vmem>>, vector<16xf32>,
          %parallel_loop3A_359 = arith.constant 16 : i32
          %parallel_loop3A_360 = arith.muli %parallel_loop3A_274, %parallel_loop3A_359 : i32
          %parallel_loop3A_361 = arith.constant 14 : i32
          %parallel_loop3A_362 = arith.index_cast %parallel_loop3A_361 : i32 to index
          %parallel_loop3A_363 = arith.index_cast %parallel_loop3A_360 : i32 to index
          %parallel_loop3A_364 = tpu.vector_load %arg13[%parallel_loop3A_362, %parallel_loop3A_363] {strides = array<i32>} : memref<16x512xf32, #tpu.memory_space<vmem>>, vector<16xf32>,
          %parallel_loop3A_365 = arith.constant 16 : i32
          %parallel_loop3A_366 = arith.muli %parallel_loop3A_274, %parallel_loop3A_365 : i32
          %parallel_loop3A_367 = arith.constant 15 : i32
          %parallel_loop3A_368 = arith.index_cast %parallel_loop3A_367 : i32 to index
          %parallel_loop3A_369 = arith.index_cast %parallel_loop3A_366 : i32 to index
          %parallel_loop3A_370 = tpu.vector_load %arg13[%parallel_loop3A_368, %parallel_loop3A_369] {strides = array<i32>} : memref<16x512xf32, #tpu.memory_space<vmem>>, vector<16xf32>,
          %parallel_loop3A_371 = arith.maximumf %parallel_loop3A_280, %parallel_loop3A_286 : vector<16xf32>
          %parallel_loop3A_372 = arith.maximumf %parallel_loop3A_292, %parallel_loop3A_298 : vector<16xf32>
          %parallel_loop3A_373 = arith.maximumf %parallel_loop3A_304, %parallel_loop3A_310 : vector<16xf32>
          %parallel_loop3A_374 = arith.maximumf %parallel_loop3A_316, %parallel_loop3A_322 : vector<16xf32>
          %parallel_loop3A_375 = arith.maximumf %parallel_loop3A_328, %parallel_loop3A_334 : vector<16xf32>
          %parallel_loop3A_376 = arith.maximumf %parallel_loop3A_340, %parallel_loop3A_346 : vector<16xf32>
          %parallel_loop3A_377 = arith.maximumf %parallel_loop3A_352, %parallel_loop3A_358 : vector<16xf32>
          %parallel_loop3A_378 = arith.maximumf %parallel_loop3A_364, %parallel_loop3A_370 : vector<16xf32>
          %parallel_loop3A_379 = arith.maximumf %parallel_loop3A_371, %parallel_loop3A_372 : vector<16xf32>
          %parallel_loop3A_380 = arith.maximumf %parallel_loop3A_373, %parallel_loop3A_374 : vector<16xf32>
          %parallel_loop3A_381 = arith.maximumf %parallel_loop3A_375, %parallel_loop3A_376 : vector<16xf32>
          %parallel_loop3A_382 = arith.maximumf %parallel_loop3A_377, %parallel_loop3A_378 : vector<16xf32>
          %parallel_loop3A_383 = arith.maximumf %parallel_loop3A_379, %parallel_loop3A_380 : vector<16xf32>
          %parallel_loop3A_384 = arith.maximumf %parallel_loop3A_381, %parallel_loop3A_382 : vector<16xf32>
          %parallel_loop3A_385 = arith.maximumf %parallel_loop3A_383, %parallel_loop3A_384 : vector<16xf32>
          %parallel_loop3A_386 = arith.constant 512 : i32
          %parallel_loop3A_387 = arith.muli %sub3A_267, %parallel_loop3A_386 : i32
          %parallel_loop3A_388 = arith.constant 16 : i32
          %parallel_loop3A_389 = arith.muli %parallel_loop3A_274, %parallel_loop3A_388 : i32
          %parallel_loop3A_390 = arith.addi %parallel_loop3A_387, %parallel_loop3A_389 : i32
          %parallel_loop3A_391 = arith.index_cast %parallel_loop3A_390 : i32 to index
          %parallel_loop3A_392 = tpu.vector_load %arg14[%parallel_loop3A_391] {strides = array<i32>} : memref<40960xf32, #tpu.memory_space<vmem>>, vector<16xf32>,
          tpu.vector_store %arg14[%parallel_loop3A_391], %parallel_loop3A_385 {strides = array<i32>} : memref<40960xf32, #tpu.memory_space<vmem>>, vector<16xf32>,
        } {sc.loop_unroll_factor = 1 : i64, sc.parallel_access}
      } else {
      }
      %dma_wait3A_124 = arith.constant 0 : i32
      %dma_wait3A_125 = tpu.memref_slice %arg2[%add3A_23, %dma_wait3A_124] : memref<2560x20480xf32, #tpu.memory_space<hbm>> -> memref<1x20480xf32, #tpu.memory_space<hbm>>
      %dma_wait3A_126 = tpu.memref_squeeze %dma_wait3A_125 : memref<1x20480xf32, #tpu.memory_space<hbm>> -> memref<20480xf32, #tpu.memory_space<hbm>>
      %dma_wait3A_127 = arith.constant 0 : i32
      %dma_wait3A_128 = tpu.memref_slice %arg2[%add3A_23, %dma_wait3A_127] : memref<2560x20480xf32, #tpu.memory_space<hbm>> -> memref<1x20480xf32, #tpu.memory_space<hbm>>
      %dma_wait3A_129 = tpu.memref_squeeze %dma_wait3A_128 : memref<1x20480xf32, #tpu.memory_space<hbm>> -> memref<20480xf32, #tpu.memory_space<hbm>>
      tpu.wait_dma2 semaphore(%arg16 : memref<!tpu.dma_semaphore, #tpu.memory_space<semaphore_mem>>) src(%dma_wait3A_129 : memref<20480xf32, #tpu.memory_space<hbm>>) dst(%arg6 : memref<20480xf32, #tpu.memory_space<vmem>>)
      %add3A_130 = arith.addi %mul3A_2, %mul3A_20 : i32
      %add3A_131 = arith.constant 2 : i32
      %add3A_132 = arith.addi %add3A_130, %add3A_131 : i32
      %min3A_133 = arith.constant 2559 : i32
      %min3A_134 = arith.minsi %add3A_132, %min3A_133 : i32
      %dma_start3A_135 = arith.constant 0 : i32
      %dma_start3A_136 = tpu.memref_slice %arg2[%min3A_134, %dma_start3A_135] : memref<2560x20480xf32, #tpu.memory_space<hbm>> -> memref<1x20480xf32, #tpu.memory_space<hbm>>
      %dma_start3A_137 = tpu.memref_squeeze %dma_start3A_136 : memref<1x20480xf32, #tpu.memory_space<hbm>> -> memref<20480xf32, #tpu.memory_space<hbm>>
      %dma_start3A_138 = arith.constant 0 : i32
      %dma_start3A_139 = tpu.memref_slice %arg2[%min3A_134, %dma_start3A_138] : memref<2560x20480xf32, #tpu.memory_space<hbm>> -> memref<1x20480xf32, #tpu.memory_space<hbm>>
      %dma_start3A_140 = tpu.memref_squeeze %dma_start3A_139 : memref<1x20480xf32, #tpu.memory_space<hbm>> -> memref<20480xf32, #tpu.memory_space<hbm>>
      tpu.enqueue_dma source(%dma_start3A_140 : memref<20480xf32, #tpu.memory_space<hbm>>) target(%arg5 : memref<20480xf32, #tpu.memory_space<vmem>>) target_semaphore(%arg15 : memref<!tpu.dma_semaphore, #tpu.memory_space<semaphore_mem>>)
      %add3A_141 = arith.constant 1 : i32
      %add3A_142 = arith.addi %mul3A_20, %add3A_141 : i32
      %broadcast_in_dim3A_143 = arith.constant 3.000000e+38 : f32
      %broadcast_in_dim3A_144 = vector.broadcast %broadcast_in_dim3A_143 : f32 to vector<16xf32>
      %broadcast_in_dim3A_145 = arith.constant 3.000000e+38 : f32
      %broadcast_in_dim3A_146 = vector.broadcast %broadcast_in_dim3A_145 : f32 to vector<16xf32>
      %parallel_loop3A_147 = arith.constant 0 : i32
      %parallel_loop3A_148 = arith.constant 80 : i32
      %parallel_loop3A_149 = arith.constant 1 : i32
      %parallel_loop3A_150:2 = scf.for %parallel_loop3A_266 = %parallel_loop3A_147 to %parallel_loop3A_148 step %parallel_loop3A_149 iter_args(%parallel_loop3A_267 = %broadcast_in_dim3A_144, %parallel_loop3A_268 = %broadcast_in_dim3A_146) -> (vector<16xf32>, vector<16xf32>)  : i32 {
        %parallel_loop3A_269 = arith.constant 256 : i32
        %parallel_loop3A_270 = arith.muli %parallel_loop3A_266, %parallel_loop3A_269 : i32
        %parallel_loop3A_271 = arith.constant 0 : i32
        %parallel_loop3A_272 = arith.addi %parallel_loop3A_270, %parallel_loop3A_271 : i32
        %parallel_loop3A_273 = arith.index_cast %parallel_loop3A_272 : i32 to index
        %parallel_loop3A_274 = tpu.vector_load %arg6[%parallel_loop3A_273] {strides = array<i32>} : memref<20480xf32, #tpu.memory_space<vmem>>, vector<16xf32>,
        %parallel_loop3A_275 = arith.constant 16 : i32
        %parallel_loop3A_276 = arith.addi %parallel_loop3A_270, %parallel_loop3A_275 : i32
        %parallel_loop3A_277 = arith.index_cast %parallel_loop3A_276 : i32 to index
        %parallel_loop3A_278 = tpu.vector_load %arg6[%parallel_loop3A_277] {strides = array<i32>} : memref<20480xf32, #tpu.memory_space<vmem>>, vector<16xf32>,
        %parallel_loop3A_279 = arith.constant 32 : i32
        %parallel_loop3A_280 = arith.addi %parallel_loop3A_270, %parallel_loop3A_279 : i32
        %parallel_loop3A_281 = arith.index_cast %parallel_loop3A_280 : i32 to index
        %parallel_loop3A_282 = tpu.vector_load %arg6[%parallel_loop3A_281] {strides = array<i32>} : memref<20480xf32, #tpu.memory_space<vmem>>, vector<16xf32>,
        %parallel_loop3A_283 = arith.constant 48 : i32
        %parallel_loop3A_284 = arith.addi %parallel_loop3A_270, %parallel_loop3A_283 : i32
        %parallel_loop3A_285 = arith.index_cast %parallel_loop3A_284 : i32 to index
        %parallel_loop3A_286 = tpu.vector_load %arg6[%parallel_loop3A_285] {strides = array<i32>} : memref<20480xf32, #tpu.memory_space<vmem>>, vector<16xf32>,
        %parallel_loop3A_287 = arith.constant 64 : i32
        %parallel_loop3A_288 = arith.addi %parallel_loop3A_270, %parallel_loop3A_287 : i32
        %parallel_loop3A_289 = arith.index_cast %parallel_loop3A_288 : i32 to index
        %parallel_loop3A_290 = tpu.vector_load %arg6[%parallel_loop3A_289] {strides = array<i32>} : memref<20480xf32, #tpu.memory_space<vmem>>, vector<16xf32>,
        %parallel_loop3A_291 = arith.constant 80 : i32
        %parallel_loop3A_292 = arith.addi %parallel_loop3A_270, %parallel_loop3A_291 : i32
        %parallel_loop3A_293 = arith.index_cast %parallel_loop3A_292 : i32 to index
        %parallel_loop3A_294 = tpu.vector_load %arg6[%parallel_loop3A_293] {strides = array<i32>} : memref<20480xf32, #tpu.memory_space<vmem>>, vector<16xf32>,
        %parallel_loop3A_295 = arith.constant 96 : i32
        %parallel_loop3A_296 = arith.addi %parallel_loop3A_270, %parallel_loop3A_295 : i32
        %parallel_loop3A_297 = arith.index_cast %parallel_loop3A_296 : i32 to index
        %parallel_loop3A_298 = tpu.vector_load %arg6[%parallel_loop3A_297] {strides = array<i32>} : memref<20480xf32, #tpu.memory_space<vmem>>, vector<16xf32>,
        %parallel_loop3A_299 = arith.constant 112 : i32
        %parallel_loop3A_300 = arith.addi %parallel_loop3A_270, %parallel_loop3A_299 : i32
        %parallel_loop3A_301 = arith.index_cast %parallel_loop3A_300 : i32 to index
        %parallel_loop3A_302 = tpu.vector_load %arg6[%parallel_loop3A_301] {strides = array<i32>} : memref<20480xf32, #tpu.memory_space<vmem>>, vector<16xf32>,
        %parallel_loop3A_303 = arith.constant 128 : i32
        %parallel_loop3A_304 = arith.addi %parallel_loop3A_270, %parallel_loop3A_303 : i32
        %parallel_loop3A_305 = arith.index_cast %parallel_loop3A_304 : i32 to index
        %parallel_loop3A_306 = tpu.vector_load %arg6[%parallel_loop3A_305] {strides = array<i32>} : memref<20480xf32, #tpu.memory_space<vmem>>, vector<16xf32>,
        %parallel_loop3A_307 = arith.constant 144 : i32
        %parallel_loop3A_308 = arith.addi %parallel_loop3A_270, %parallel_loop3A_307 : i32
        %parallel_loop3A_309 = arith.index_cast %parallel_loop3A_308 : i32 to index
        %parallel_loop3A_310 = tpu.vector_load %arg6[%parallel_loop3A_309] {strides = array<i32>} : memref<20480xf32, #tpu.memory_space<vmem>>, vector<16xf32>,
        %parallel_loop3A_311 = arith.constant 160 : i32
        %parallel_loop3A_312 = arith.addi %parallel_loop3A_270, %parallel_loop3A_311 : i32
        %parallel_loop3A_313 = arith.index_cast %parallel_loop3A_312 : i32 to index
        %parallel_loop3A_314 = tpu.vector_load %arg6[%parallel_loop3A_313] {strides = array<i32>} : memref<20480xf32, #tpu.memory_space<vmem>>, vector<16xf32>,
        %parallel_loop3A_315 = arith.constant 176 : i32
        %parallel_loop3A_316 = arith.addi %parallel_loop3A_270, %parallel_loop3A_315 : i32
        %parallel_loop3A_317 = arith.index_cast %parallel_loop3A_316 : i32 to index
        %parallel_loop3A_318 = tpu.vector_load %arg6[%parallel_loop3A_317] {strides = array<i32>} : memref<20480xf32, #tpu.memory_space<vmem>>, vector<16xf32>,
        %parallel_loop3A_319 = arith.constant 192 : i32
        %parallel_loop3A_320 = arith.addi %parallel_loop3A_270, %parallel_loop3A_319 : i32
        %parallel_loop3A_321 = arith.index_cast %parallel_loop3A_320 : i32 to index
        %parallel_loop3A_322 = tpu.vector_load %arg6[%parallel_loop3A_321] {strides = array<i32>} : memref<20480xf32, #tpu.memory_space<vmem>>, vector<16xf32>,
        %parallel_loop3A_323 = arith.constant 208 : i32
        %parallel_loop3A_324 = arith.addi %parallel_loop3A_270, %parallel_loop3A_323 : i32
        %parallel_loop3A_325 = arith.index_cast %parallel_loop3A_324 : i32 to index
        %parallel_loop3A_326 = tpu.vector_load %arg6[%parallel_loop3A_325] {strides = array<i32>} : memref<20480xf32, #tpu.memory_space<vmem>>, vector<16xf32>,
        %parallel_loop3A_327 = arith.constant 224 : i32
        %parallel_loop3A_328 = arith.addi %parallel_loop3A_270, %parallel_loop3A_327 : i32
        %parallel_loop3A_329 = arith.index_cast %parallel_loop3A_328 : i32 to index
        %parallel_loop3A_330 = tpu.vector_load %arg6[%parallel_loop3A_329] {strides = array<i32>} : memref<20480xf32, #tpu.memory_space<vmem>>, vector<16xf32>,
        %parallel_loop3A_331 = arith.constant 240 : i32
        %parallel_loop3A_332 = arith.addi %parallel_loop3A_270, %parallel_loop3A_331 : i32
        %parallel_loop3A_333 = arith.index_cast %parallel_loop3A_332 : i32 to index
        %parallel_loop3A_334 = tpu.vector_load %arg6[%parallel_loop3A_333] {strides = array<i32>} : memref<20480xf32, #tpu.memory_space<vmem>>, vector<16xf32>,
        %parallel_loop3A_335 = arith.minimumf %parallel_loop3A_274, %parallel_loop3A_278 : vector<16xf32>
        %parallel_loop3A_336 = arith.minimumf %parallel_loop3A_282, %parallel_loop3A_286 : vector<16xf32>
        %parallel_loop3A_337 = arith.minimumf %parallel_loop3A_290, %parallel_loop3A_294 : vector<16xf32>
        %parallel_loop3A_338 = arith.minimumf %parallel_loop3A_298, %parallel_loop3A_302 : vector<16xf32>
        %parallel_loop3A_339 = arith.minimumf %parallel_loop3A_306, %parallel_loop3A_310 : vector<16xf32>
        %parallel_loop3A_340 = arith.minimumf %parallel_loop3A_314, %parallel_loop3A_318 : vector<16xf32>
        %parallel_loop3A_341 = arith.minimumf %parallel_loop3A_322, %parallel_loop3A_326 : vector<16xf32>
        %parallel_loop3A_342 = arith.minimumf %parallel_loop3A_330, %parallel_loop3A_334 : vector<16xf32>
        %parallel_loop3A_343 = arith.minimumf %parallel_loop3A_335, %parallel_loop3A_336 : vector<16xf32>
        %parallel_loop3A_344 = arith.minimumf %parallel_loop3A_337, %parallel_loop3A_338 : vector<16xf32>
        %parallel_loop3A_345 = arith.minimumf %parallel_loop3A_339, %parallel_loop3A_340 : vector<16xf32>
        %parallel_loop3A_346 = arith.minimumf %parallel_loop3A_341, %parallel_loop3A_342 : vector<16xf32>
        %parallel_loop3A_347 = arith.minimumf %parallel_loop3A_343, %parallel_loop3A_344 : vector<16xf32>
        %parallel_loop3A_348 = arith.minimumf %parallel_loop3A_345, %parallel_loop3A_346 : vector<16xf32>
        %parallel_loop3A_349 = arith.minimumf %parallel_loop3A_347, %parallel_loop3A_348 : vector<16xf32>
        %parallel_loop3A_350 = arith.constant 16 : i32
        %parallel_loop3A_351 = arith.muli %parallel_loop3A_266, %parallel_loop3A_350 : i32
        %parallel_loop3A_352 = arith.index_cast %parallel_loop3A_351 : i32 to index
        %parallel_loop3A_353 = tpu.vector_load %arg7[%parallel_loop3A_352] {strides = array<i32>} : memref<1280xf32, #tpu.memory_space<vmem>>, vector<16xf32>,
        tpu.vector_store %arg7[%parallel_loop3A_352], %parallel_loop3A_349 {strides = array<i32>} : memref<1280xf32, #tpu.memory_space<vmem>>, vector<16xf32>,
        %parallel_loop3A_354 = arith.minimumf %parallel_loop3A_267, %parallel_loop3A_347 : vector<16xf32>
        %parallel_loop3A_355 = arith.minimumf %parallel_loop3A_268, %parallel_loop3A_348 : vector<16xf32>
        scf.yield %parallel_loop3A_354, %parallel_loop3A_355 : vector<16xf32>, vector<16xf32>
      } {sc.loop_unroll_factor = 2 : i64, sc.parallel_access}
      %masked_sort3A_151 = arith.constant dense<true> : vector<16xi1>
      %masked_sort3A_152, %masked_sort3A_153, %masked_sort3A_154 = tpu.sort %parallel_loop3A_150#0, %iota3A masked %masked_sort3A_151 : (vector<16xf32>, vector<16xi32>, vector<16xi1>) -> (vector<16xi1>, vector<16xf32>, vector<16xi32>)
      %masked_sort3A_155 = arith.constant dense<true> : vector<16xi1>
      %masked_sort3A_156, %masked_sort3A_157, %masked_sort3A_158 = tpu.sort %parallel_loop3A_150#1, %iota3A masked %masked_sort3A_155 {descending = true} : (vector<16xf32>, vector<16xi32>, vector<16xi1>) -> (vector<16xi1>, vector<16xf32>, vector<16xi32>)
      %min3A_159 = arith.minimumf %masked_sort3A_153, %masked_sort3A_157 : vector<16xf32>
      %broadcast_in_dim3A_160 = arith.constant true
      %broadcast_in_dim3A_161 = vector.broadcast %broadcast_in_dim3A_160 : i1 to vector<16xi1>
      %masked_cummax3A_162 = tpu.scan <max>, %min3A_159 masked %broadcast_in_dim3A_161 : vector<16xf32>, vector<16xi1> -> vector<16xf32>
      %gather3A_163 = vector.shape_cast %broadcast_in_dim3A_4 : vector<16x1xi32> to vector<16xi32>
      %gather3A_164 = tpu.dynamic_gather %masked_cummax3A_162[%gather3A_163] in [0] : vector<16xf32>, vector<16xi32> -> vector<16xf32>
      %bitcast3A_165 = vector.bitcast %gather3A_164 : vector<16xf32> to vector<16xi32>
      %ge3A_166 = arith.constant 0.000000e+00 : f32
      %ge3A_167 = vector.broadcast %ge3A_166 : f32 to vector<16xf32>
      %ge3A_168 = arith.cmpf oge, %gather3A_164, %ge3A_167 : vector<16xf32>
      %add3A_169 = arith.constant 1 : i32
      %add3A_170 = vector.broadcast %add3A_169 : i32 to vector<16xi32>
      %add3A_171 = arith.addi %bitcast3A_165, %add3A_170 : vector<16xi32>
      %sub3A_172 = arith.constant 1 : i32
      %sub3A_173 = vector.broadcast %sub3A_172 : i32 to vector<16xi32>
      %sub3A_174 = arith.subi %bitcast3A_165, %sub3A_173 : vector<16xi32>
      %select_n3A_175 = arith.select %ge3A_168, %add3A_171, %sub3A_174 : vector<16xi1>, vector<16xi32>
      %bitcast3A_176 = vector.bitcast %select_n3A_175 : vector<16xi32> to vector<16xf32>
      %scan3A_177 = arith.constant 0 : i32
      %scan3A_178 = arith.constant 0 : i32
      %scan3A_179 = arith.constant 80 : i32
      %scan3A_180 = arith.addi %scan3A_178, %scan3A_179 : i32
      %scan3A_181 = arith.constant 1 : i32
      %scan3A_182 = scf.for %scan3A_266 = %scan3A_178 to %scan3A_180 step %scan3A_181 iter_args(%scan3A_267 = %scan3A_177) -> (i32)  : i32 {
        %mul3A_268 = arith.constant 16 : i32
        %mul3A_269 = arith.muli %scan3A_266, %mul3A_268 : i32
        %get3A_270 = arith.index_cast %mul3A_269 : i32 to index
        %get3A_271 = tpu.vector_load %arg7[%get3A_270] {strides = array<i32>} : memref<1280xf32, #tpu.memory_space<vmem>>, vector<16xf32>,
        %lt3A = arith.cmpf olt, %get3A_271, %bitcast3A_176 : vector<16xf32>
        %all_reduce_population_count3A = tpu.all_reduce %lt3A {dim = 0 : i64, kind = #tpu.reduction_kind<sum>} : vector<16xi1> -> vector<16xi32>
        %slice3A = vector.extract_strided_slice %all_reduce_population_count3A {offsets = [0], sizes = [1], strides = [1]} : vector<16xi32> to vector<1xi32>
        %squeeze3A = vector.extract %slice3A[0] : i32 from vector<1xi32>
        %gt3A_272 = arith.constant 0 : i32
        %gt3A_273 = arith.cmpi sgt, %squeeze3A, %gt3A_272 : i32
        %convert_element_type3A_274 = arith.extui %gt3A_273 : i1 to i32
        %cond3A_275 = arith.constant 0 : i32
        %cond3A_276 = arith.cmpi ne, %convert_element_type3A_274, %cond3A_275 : i32
        %cond3A_277 = scf.if %cond3A_276 -> (i32) {
          %mul3A_278 = arith.constant 256 : i32
          %mul3A_279 = arith.muli %scan3A_266, %mul3A_278 : i32
          %add3A_280 = arith.constant 0 : i32
          %add3A_281 = arith.addi %mul3A_279, %add3A_280 : i32
          %get3A_282 = arith.index_cast %add3A_281 : i32 to index
          %get3A_283 = tpu.vector_load %arg6[%get3A_282] {strides = array<i32>} : memref<20480xf32, #tpu.memory_space<vmem>>, vector<16xf32>,
          %lt3A_284 = arith.cmpf olt, %get3A_283, %bitcast3A_176 : vector<16xf32>
          %add3A_285 = arith.constant 0 : i32
          %add3A_286 = arith.addi %mul3A_279, %add3A_285 : i32
          %add3A_287 = vector.broadcast %add3A_286 : i32 to vector<16xi32>
          %add3A_288 = arith.addi %iota3A, %add3A_287 : vector<16xi32>
          %swap3A_289 = arith.index_cast %scan3A_267 : i32 to index
          %swap3A_290 = tpu.vector_load %arg8[%swap3A_289] masked %lt3A_284 {strides = array<i32>} : memref<20496xi32, #tpu.memory_space<vmem>>, vector<16xi32>, vector<16xi1>
          tpu.vector_store %arg8[%swap3A_289], %add3A_288 masked %lt3A_284 {strides = array<i32>} : memref<20496xi32, #tpu.memory_space<vmem>>, vector<16xi32>, vector<16xi1>
          %all_reduce_population_count3A_291 = tpu.all_reduce %lt3A_284 {dim = 0 : i64, kind = #tpu.reduction_kind<sum>} : vector<16xi1> -> vector<16xi32>
          %slice3A_292 = vector.extract_strided_slice %all_reduce_population_count3A_291 {offsets = [0], sizes = [1], strides = [1]} : vector<16xi32> to vector<1xi32>
          %squeeze3A_293 = vector.extract %slice3A_292[0] : i32 from vector<1xi32>
          %add3A_294 = arith.addi %scan3A_267, %squeeze3A_293 : i32
          %add3A_295 = arith.constant 16 : i32
          %add3A_296 = arith.addi %mul3A_279, %add3A_295 : i32
          %get3A_297 = arith.index_cast %add3A_296 : i32 to index
          %get3A_298 = tpu.vector_load %arg6[%get3A_297] {strides = array<i32>} : memref<20480xf32, #tpu.memory_space<vmem>>, vector<16xf32>,
          %lt3A_299 = arith.cmpf olt, %get3A_298, %bitcast3A_176 : vector<16xf32>
          %add3A_300 = arith.constant 16 : i32
          %add3A_301 = arith.addi %mul3A_279, %add3A_300 : i32
          %add3A_302 = vector.broadcast %add3A_301 : i32 to vector<16xi32>
          %add3A_303 = arith.addi %iota3A, %add3A_302 : vector<16xi32>
          %swap3A_304 = arith.index_cast %add3A_294 : i32 to index
          %swap3A_305 = tpu.vector_load %arg8[%swap3A_304] masked %lt3A_299 {strides = array<i32>} : memref<20496xi32, #tpu.memory_space<vmem>>, vector<16xi32>, vector<16xi1>
          tpu.vector_store %arg8[%swap3A_304], %add3A_303 masked %lt3A_299 {strides = array<i32>} : memref<20496xi32, #tpu.memory_space<vmem>>, vector<16xi32>, vector<16xi1>
          %all_reduce_population_count3A_306 = tpu.all_reduce %lt3A_299 {dim = 0 : i64, kind = #tpu.reduction_kind<sum>} : vector<16xi1> -> vector<16xi32>
          %slice3A_307 = vector.extract_strided_slice %all_reduce_population_count3A_306 {offsets = [0], sizes = [1], strides = [1]} : vector<16xi32> to vector<1xi32>
          %squeeze3A_308 = vector.extract %slice3A_307[0] : i32 from vector<1xi32>
          %add3A_309 = arith.addi %add3A_294, %squeeze3A_308 : i32
          %add3A_310 = arith.constant 32 : i32
          %add3A_311 = arith.addi %mul3A_279, %add3A_310 : i32
          %get3A_312 = arith.index_cast %add3A_311 : i32 to index
          %get3A_313 = tpu.vector_load %arg6[%get3A_312] {strides = array<i32>} : memref<20480xf32, #tpu.memory_space<vmem>>, vector<16xf32>,
          %lt3A_314 = arith.cmpf olt, %get3A_313, %bitcast3A_176 : vector<16xf32>
          %add3A_315 = arith.constant 32 : i32
          %add3A_316 = arith.addi %mul3A_279, %add3A_315 : i32
          %add3A_317 = vector.broadcast %add3A_316 : i32 to vector<16xi32>
          %add3A_318 = arith.addi %iota3A, %add3A_317 : vector<16xi32>
          %swap3A_319 = arith.index_cast %add3A_309 : i32 to index
          %swap3A_320 = tpu.vector_load %arg8[%swap3A_319] masked %lt3A_314 {strides = array<i32>} : memref<20496xi32, #tpu.memory_space<vmem>>, vector<16xi32>, vector<16xi1>
          tpu.vector_store %arg8[%swap3A_319], %add3A_318 masked %lt3A_314 {strides = array<i32>} : memref<20496xi32, #tpu.memory_space<vmem>>, vector<16xi32>, vector<16xi1>
          %all_reduce_population_count3A_321 = tpu.all_reduce %lt3A_314 {dim = 0 : i64, kind = #tpu.reduction_kind<sum>} : vector<16xi1> -> vector<16xi32>
          %slice3A_322 = vector.extract_strided_slice %all_reduce_population_count3A_321 {offsets = [0], sizes = [1], strides = [1]} : vector<16xi32> to vector<1xi32>
          %squeeze3A_323 = vector.extract %slice3A_322[0] : i32 from vector<1xi32>
          %add3A_324 = arith.addi %add3A_309, %squeeze3A_323 : i32
          %add3A_325 = arith.constant 48 : i32
          %add3A_326 = arith.addi %mul3A_279, %add3A_325 : i32
          %get3A_327 = arith.index_cast %add3A_326 : i32 to index
          %get3A_328 = tpu.vector_load %arg6[%get3A_327] {strides = array<i32>} : memref<20480xf32, #tpu.memory_space<vmem>>, vector<16xf32>,
          %lt3A_329 = arith.cmpf olt, %get3A_328, %bitcast3A_176 : vector<16xf32>
          %add3A_330 = arith.constant 48 : i32
          %add3A_331 = arith.addi %mul3A_279, %add3A_330 : i32
          %add3A_332 = vector.broadcast %add3A_331 : i32 to vector<16xi32>
          %add3A_333 = arith.addi %iota3A, %add3A_332 : vector<16xi32>
          %swap3A_334 = arith.index_cast %add3A_324 : i32 to index
          %swap3A_335 = tpu.vector_load %arg8[%swap3A_334] masked %lt3A_329 {strides = array<i32>} : memref<20496xi32, #tpu.memory_space<vmem>>, vector<16xi32>, vector<16xi1>
          tpu.vector_store %arg8[%swap3A_334], %add3A_333 masked %lt3A_329 {strides = array<i32>} : memref<20496xi32, #tpu.memory_space<vmem>>, vector<16xi32>, vector<16xi1>
          %all_reduce_population_count3A_336 = tpu.all_reduce %lt3A_329 {dim = 0 : i64, kind = #tpu.reduction_kind<sum>} : vector<16xi1> -> vector<16xi32>
          %slice3A_337 = vector.extract_strided_slice %all_reduce_population_count3A_336 {offsets = [0], sizes = [1], strides = [1]} : vector<16xi32> to vector<1xi32>
          %squeeze3A_338 = vector.extract %slice3A_337[0] : i32 from vector<1xi32>
          %add3A_339 = arith.addi %add3A_324, %squeeze3A_338 : i32
          %add3A_340 = arith.constant 64 : i32
          %add3A_341 = arith.addi %mul3A_279, %add3A_340 : i32
          %get3A_342 = arith.index_cast %add3A_341 : i32 to index
          %get3A_343 = tpu.vector_load %arg6[%get3A_342] {strides = array<i32>} : memref<20480xf32, #tpu.memory_space<vmem>>, vector<16xf32>,
          %lt3A_344 = arith.cmpf olt, %get3A_343, %bitcast3A_176 : vector<16xf32>
          %add3A_345 = arith.constant 64 : i32
          %add3A_346 = arith.addi %mul3A_279, %add3A_345 : i32
          %add3A_347 = vector.broadcast %add3A_346 : i32 to vector<16xi32>
          %add3A_348 = arith.addi %iota3A, %add3A_347 : vector<16xi32>
          %swap3A_349 = arith.index_cast %add3A_339 : i32 to index
          %swap3A_350 = tpu.vector_load %arg8[%swap3A_349] masked %lt3A_344 {strides = array<i32>} : memref<20496xi32, #tpu.memory_space<vmem>>, vector<16xi32>, vector<16xi1>
          tpu.vector_store %arg8[%swap3A_349], %add3A_348 masked %lt3A_344 {strides = array<i32>} : memref<20496xi32, #tpu.memory_space<vmem>>, vector<16xi32>, vector<16xi1>
          %all_reduce_population_count3A_351 = tpu.all_reduce %lt3A_344 {dim = 0 : i64, kind = #tpu.reduction_kind<sum>} : vector<16xi1> -> vector<16xi32>
          %slice3A_352 = vector.extract_strided_slice %all_reduce_population_count3A_351 {offsets = [0], sizes = [1], strides = [1]} : vector<16xi32> to vector<1xi32>
          %squeeze3A_353 = vector.extract %slice3A_352[0] : i32 from vector<1xi32>
          %add3A_354 = arith.addi %add3A_339, %squeeze3A_353 : i32
          %add3A_355 = arith.constant 80 : i32
          %add3A_356 = arith.addi %mul3A_279, %add3A_355 : i32
          %get3A_357 = arith.index_cast %add3A_356 : i32 to index
          %get3A_358 = tpu.vector_load %arg6[%get3A_357] {strides = array<i32>} : memref<20480xf32, #tpu.memory_space<vmem>>, vector<16xf32>,
          %lt3A_359 = arith.cmpf olt, %get3A_358, %bitcast3A_176 : vector<16xf32>
          %add3A_360 = arith.constant 80 : i32
          %add3A_361 = arith.addi %mul3A_279, %add3A_360 : i32
          %add3A_362 = vector.broadcast %add3A_361 : i32 to vector<16xi32>
          %add3A_363 = arith.addi %iota3A, %add3A_362 : vector<16xi32>
          %swap3A_364 = arith.index_cast %add3A_354 : i32 to index
          %swap3A_365 = tpu.vector_load %arg8[%swap3A_364] masked %lt3A_359 {strides = array<i32>} : memref<20496xi32, #tpu.memory_space<vmem>>, vector<16xi32>, vector<16xi1>
          tpu.vector_store %arg8[%swap3A_364], %add3A_363 masked %lt3A_359 {strides = array<i32>} : memref<20496xi32, #tpu.memory_space<vmem>>, vector<16xi32>, vector<16xi1>
          %all_reduce_population_count3A_366 = tpu.all_reduce %lt3A_359 {dim = 0 : i64, kind = #tpu.reduction_kind<sum>} : vector<16xi1> -> vector<16xi32>
          %slice3A_367 = vector.extract_strided_slice %all_reduce_population_count3A_366 {offsets = [0], sizes = [1], strides = [1]} : vector<16xi32> to vector<1xi32>
          %squeeze3A_368 = vector.extract %slice3A_367[0] : i32 from vector<1xi32>
          %add3A_369 = arith.addi %add3A_354, %squeeze3A_368 : i32
          %add3A_370 = arith.constant 96 : i32
          %add3A_371 = arith.addi %mul3A_279, %add3A_370 : i32
          %get3A_372 = arith.index_cast %add3A_371 : i32 to index
          %get3A_373 = tpu.vector_load %arg6[%get3A_372] {strides = array<i32>} : memref<20480xf32, #tpu.memory_space<vmem>>, vector<16xf32>,
          %lt3A_374 = arith.cmpf olt, %get3A_373, %bitcast3A_176 : vector<16xf32>
          %add3A_375 = arith.constant 96 : i32
          %add3A_376 = arith.addi %mul3A_279, %add3A_375 : i32
          %add3A_377 = vector.broadcast %add3A_376 : i32 to vector<16xi32>
          %add3A_378 = arith.addi %iota3A, %add3A_377 : vector<16xi32>
          %swap3A_379 = arith.index_cast %add3A_369 : i32 to index
          %swap3A_380 = tpu.vector_load %arg8[%swap3A_379] masked %lt3A_374 {strides = array<i32>} : memref<20496xi32, #tpu.memory_space<vmem>>, vector<16xi32>, vector<16xi1>
          tpu.vector_store %arg8[%swap3A_379], %add3A_378 masked %lt3A_374 {strides = array<i32>} : memref<20496xi32, #tpu.memory_space<vmem>>, vector<16xi32>, vector<16xi1>
          %all_reduce_population_count3A_381 = tpu.all_reduce %lt3A_374 {dim = 0 : i64, kind = #tpu.reduction_kind<sum>} : vector<16xi1> -> vector<16xi32>
          %slice3A_382 = vector.extract_strided_slice %all_reduce_population_count3A_381 {offsets = [0], sizes = [1], strides = [1]} : vector<16xi32> to vector<1xi32>
          %squeeze3A_383 = vector.extract %slice3A_382[0] : i32 from vector<1xi32>
          %add3A_384 = arith.addi %add3A_369, %squeeze3A_383 : i32
          %add3A_385 = arith.constant 112 : i32
          %add3A_386 = arith.addi %mul3A_279, %add3A_385 : i32
          %get3A_387 = arith.index_cast %add3A_386 : i32 to index
          %get3A_388 = tpu.vector_load %arg6[%get3A_387] {strides = array<i32>} : memref<20480xf32, #tpu.memory_space<vmem>>, vector<16xf32>,
          %lt3A_389 = arith.cmpf olt, %get3A_388, %bitcast3A_176 : vector<16xf32>
          %add3A_390 = arith.constant 112 : i32
          %add3A_391 = arith.addi %mul3A_279, %add3A_390 : i32
          %add3A_392 = vector.broadcast %add3A_391 : i32 to vector<16xi32>
          %add3A_393 = arith.addi %iota3A, %add3A_392 : vector<16xi32>
          %swap3A_394 = arith.index_cast %add3A_384 : i32 to index
          %swap3A_395 = tpu.vector_load %arg8[%swap3A_394] masked %lt3A_389 {strides = array<i32>} : memref<20496xi32, #tpu.memory_space<vmem>>, vector<16xi32>, vector<16xi1>
          tpu.vector_store %arg8[%swap3A_394], %add3A_393 masked %lt3A_389 {strides = array<i32>} : memref<20496xi32, #tpu.memory_space<vmem>>, vector<16xi32>, vector<16xi1>
          %all_reduce_population_count3A_396 = tpu.all_reduce %lt3A_389 {dim = 0 : i64, kind = #tpu.reduction_kind<sum>} : vector<16xi1> -> vector<16xi32>
          %slice3A_397 = vector.extract_strided_slice %all_reduce_population_count3A_396 {offsets = [0], sizes = [1], strides = [1]} : vector<16xi32> to vector<1xi32>
          %squeeze3A_398 = vector.extract %slice3A_397[0] : i32 from vector<1xi32>
          %add3A_399 = arith.addi %add3A_384, %squeeze3A_398 : i32
          %add3A_400 = arith.constant 128 : i32
          %add3A_401 = arith.addi %mul3A_279, %add3A_400 : i32
          %get3A_402 = arith.index_cast %add3A_401 : i32 to index
          %get3A_403 = tpu.vector_load %arg6[%get3A_402] {strides = array<i32>} : memref<20480xf32, #tpu.memory_space<vmem>>, vector<16xf32>,
          %lt3A_404 = arith.cmpf olt, %get3A_403, %bitcast3A_176 : vector<16xf32>
          %add3A_405 = arith.constant 128 : i32
          %add3A_406 = arith.addi %mul3A_279, %add3A_405 : i32
          %add3A_407 = vector.broadcast %add3A_406 : i32 to vector<16xi32>
          %add3A_408 = arith.addi %iota3A, %add3A_407 : vector<16xi32>
          %swap3A_409 = arith.index_cast %add3A_399 : i32 to index
          %swap3A_410 = tpu.vector_load %arg8[%swap3A_409] masked %lt3A_404 {strides = array<i32>} : memref<20496xi32, #tpu.memory_space<vmem>>, vector<16xi32>, vector<16xi1>
          tpu.vector_store %arg8[%swap3A_409], %add3A_408 masked %lt3A_404 {strides = array<i32>} : memref<20496xi32, #tpu.memory_space<vmem>>, vector<16xi32>, vector<16xi1>
          %all_reduce_population_count3A_411 = tpu.all_reduce %lt3A_404 {dim = 0 : i64, kind = #tpu.reduction_kind<sum>} : vector<16xi1> -> vector<16xi32>
          %slice3A_412 = vector.extract_strided_slice %all_reduce_population_count3A_411 {offsets = [0], sizes = [1], strides = [1]} : vector<16xi32> to vector<1xi32>
          %squeeze3A_413 = vector.extract %slice3A_412[0] : i32 from vector<1xi32>
          %add3A_414 = arith.addi %add3A_399, %squeeze3A_413 : i32
          %add3A_415 = arith.constant 144 : i32
          %add3A_416 = arith.addi %mul3A_279, %add3A_415 : i32
          %get3A_417 = arith.index_cast %add3A_416 : i32 to index
          %get3A_418 = tpu.vector_load %arg6[%get3A_417] {strides = array<i32>} : memref<20480xf32, #tpu.memory_space<vmem>>, vector<16xf32>,
          %lt3A_419 = arith.cmpf olt, %get3A_418, %bitcast3A_176 : vector<16xf32>
          %add3A_420 = arith.constant 144 : i32
          %add3A_421 = arith.addi %mul3A_279, %add3A_420 : i32
          %add3A_422 = vector.broadcast %add3A_421 : i32 to vector<16xi32>
          %add3A_423 = arith.addi %iota3A, %add3A_422 : vector<16xi32>
          %swap3A_424 = arith.index_cast %add3A_414 : i32 to index
          %swap3A_425 = tpu.vector_load %arg8[%swap3A_424] masked %lt3A_419 {strides = array<i32>} : memref<20496xi32, #tpu.memory_space<vmem>>, vector<16xi32>, vector<16xi1>
          tpu.vector_store %arg8[%swap3A_424], %add3A_423 masked %lt3A_419 {strides = array<i32>} : memref<20496xi32, #tpu.memory_space<vmem>>, vector<16xi32>, vector<16xi1>
          %all_reduce_population_count3A_426 = tpu.all_reduce %lt3A_419 {dim = 0 : i64, kind = #tpu.reduction_kind<sum>} : vector<16xi1> -> vector<16xi32>
          %slice3A_427 = vector.extract_strided_slice %all_reduce_population_count3A_426 {offsets = [0], sizes = [1], strides = [1]} : vector<16xi32> to vector<1xi32>
          %squeeze3A_428 = vector.extract %slice3A_427[0] : i32 from vector<1xi32>
          %add3A_429 = arith.addi %add3A_414, %squeeze3A_428 : i32
          %add3A_430 = arith.constant 160 : i32
          %add3A_431 = arith.addi %mul3A_279, %add3A_430 : i32
          %get3A_432 = arith.index_cast %add3A_431 : i32 to index
          %get3A_433 = tpu.vector_load %arg6[%get3A_432] {strides = array<i32>} : memref<20480xf32, #tpu.memory_space<vmem>>, vector<16xf32>,
          %lt3A_434 = arith.cmpf olt, %get3A_433, %bitcast3A_176 : vector<16xf32>
          %add3A_435 = arith.constant 160 : i32
          %add3A_436 = arith.addi %mul3A_279, %add3A_435 : i32
          %add3A_437 = vector.broadcast %add3A_436 : i32 to vector<16xi32>
          %add3A_438 = arith.addi %iota3A, %add3A_437 : vector<16xi32>
          %swap3A_439 = arith.index_cast %add3A_429 : i32 to index
          %swap3A_440 = tpu.vector_load %arg8[%swap3A_439] masked %lt3A_434 {strides = array<i32>} : memref<20496xi32, #tpu.memory_space<vmem>>, vector<16xi32>, vector<16xi1>
          tpu.vector_store %arg8[%swap3A_439], %add3A_438 masked %lt3A_434 {strides = array<i32>} : memref<20496xi32, #tpu.memory_space<vmem>>, vector<16xi32>, vector<16xi1>
          %all_reduce_population_count3A_441 = tpu.all_reduce %lt3A_434 {dim = 0 : i64, kind = #tpu.reduction_kind<sum>} : vector<16xi1> -> vector<16xi32>
          %slice3A_442 = vector.extract_strided_slice %all_reduce_population_count3A_441 {offsets = [0], sizes = [1], strides = [1]} : vector<16xi32> to vector<1xi32>
          %squeeze3A_443 = vector.extract %slice3A_442[0] : i32 from vector<1xi32>
          %add3A_444 = arith.addi %add3A_429, %squeeze3A_443 : i32
          %add3A_445 = arith.constant 176 : i32
          %add3A_446 = arith.addi %mul3A_279, %add3A_445 : i32
          %get3A_447 = arith.index_cast %add3A_446 : i32 to index
          %get3A_448 = tpu.vector_load %arg6[%get3A_447] {strides = array<i32>} : memref<20480xf32, #tpu.memory_space<vmem>>, vector<16xf32>,
          %lt3A_449 = arith.cmpf olt, %get3A_448, %bitcast3A_176 : vector<16xf32>
          %add3A_450 = arith.constant 176 : i32
          %add3A_451 = arith.addi %mul3A_279, %add3A_450 : i32
          %add3A_452 = vector.broadcast %add3A_451 : i32 to vector<16xi32>
          %add3A_453 = arith.addi %iota3A, %add3A_452 : vector<16xi32>
          %swap3A_454 = arith.index_cast %add3A_444 : i32 to index
          %swap3A_455 = tpu.vector_load %arg8[%swap3A_454] masked %lt3A_449 {strides = array<i32>} : memref<20496xi32, #tpu.memory_space<vmem>>, vector<16xi32>, vector<16xi1>
          tpu.vector_store %arg8[%swap3A_454], %add3A_453 masked %lt3A_449 {strides = array<i32>} : memref<20496xi32, #tpu.memory_space<vmem>>, vector<16xi32>, vector<16xi1>
          %all_reduce_population_count3A_456 = tpu.all_reduce %lt3A_449 {dim = 0 : i64, kind = #tpu.reduction_kind<sum>} : vector<16xi1> -> vector<16xi32>
          %slice3A_457 = vector.extract_strided_slice %all_reduce_population_count3A_456 {offsets = [0], sizes = [1], strides = [1]} : vector<16xi32> to vector<1xi32>
          %squeeze3A_458 = vector.extract %slice3A_457[0] : i32 from vector<1xi32>
          %add3A_459 = arith.addi %add3A_444, %squeeze3A_458 : i32
          %add3A_460 = arith.constant 192 : i32
          %add3A_461 = arith.addi %mul3A_279, %add3A_460 : i32
          %get3A_462 = arith.index_cast %add3A_461 : i32 to index
          %get3A_463 = tpu.vector_load %arg6[%get3A_462] {strides = array<i32>} : memref<20480xf32, #tpu.memory_space<vmem>>, vector<16xf32>,
          %lt3A_464 = arith.cmpf olt, %get3A_463, %bitcast3A_176 : vector<16xf32>
          %add3A_465 = arith.constant 192 : i32
          %add3A_466 = arith.addi %mul3A_279, %add3A_465 : i32
          %add3A_467 = vector.broadcast %add3A_466 : i32 to vector<16xi32>
          %add3A_468 = arith.addi %iota3A, %add3A_467 : vector<16xi32>
          %swap3A_469 = arith.index_cast %add3A_459 : i32 to index
          %swap3A_470 = tpu.vector_load %arg8[%swap3A_469] masked %lt3A_464 {strides = array<i32>} : memref<20496xi32, #tpu.memory_space<vmem>>, vector<16xi32>, vector<16xi1>
          tpu.vector_store %arg8[%swap3A_469], %add3A_468 masked %lt3A_464 {strides = array<i32>} : memref<20496xi32, #tpu.memory_space<vmem>>, vector<16xi32>, vector<16xi1>
          %all_reduce_population_count3A_471 = tpu.all_reduce %lt3A_464 {dim = 0 : i64, kind = #tpu.reduction_kind<sum>} : vector<16xi1> -> vector<16xi32>
          %slice3A_472 = vector.extract_strided_slice %all_reduce_population_count3A_471 {offsets = [0], sizes = [1], strides = [1]} : vector<16xi32> to vector<1xi32>
          %squeeze3A_473 = vector.extract %slice3A_472[0] : i32 from vector<1xi32>
          %add3A_474 = arith.addi %add3A_459, %squeeze3A_473 : i32
          %add3A_475 = arith.constant 208 : i32
          %add3A_476 = arith.addi %mul3A_279, %add3A_475 : i32
          %get3A_477 = arith.index_cast %add3A_476 : i32 to index
          %get3A_478 = tpu.vector_load %arg6[%get3A_477] {strides = array<i32>} : memref<20480xf32, #tpu.memory_space<vmem>>, vector<16xf32>,
          %lt3A_479 = arith.cmpf olt, %get3A_478, %bitcast3A_176 : vector<16xf32>
          %add3A_480 = arith.constant 208 : i32
          %add3A_481 = arith.addi %mul3A_279, %add3A_480 : i32
          %add3A_482 = vector.broadcast %add3A_481 : i32 to vector<16xi32>
          %add3A_483 = arith.addi %iota3A, %add3A_482 : vector<16xi32>
          %swap3A_484 = arith.index_cast %add3A_474 : i32 to index
          %swap3A_485 = tpu.vector_load %arg8[%swap3A_484] masked %lt3A_479 {strides = array<i32>} : memref<20496xi32, #tpu.memory_space<vmem>>, vector<16xi32>, vector<16xi1>
          tpu.vector_store %arg8[%swap3A_484], %add3A_483 masked %lt3A_479 {strides = array<i32>} : memref<20496xi32, #tpu.memory_space<vmem>>, vector<16xi32>, vector<16xi1>
          %all_reduce_population_count3A_486 = tpu.all_reduce %lt3A_479 {dim = 0 : i64, kind = #tpu.reduction_kind<sum>} : vector<16xi1> -> vector<16xi32>
          %slice3A_487 = vector.extract_strided_slice %all_reduce_population_count3A_486 {offsets = [0], sizes = [1], strides = [1]} : vector<16xi32> to vector<1xi32>
          %squeeze3A_488 = vector.extract %slice3A_487[0] : i32 from vector<1xi32>
          %add3A_489 = arith.addi %add3A_474, %squeeze3A_488 : i32
          %add3A_490 = arith.constant 224 : i32
          %add3A_491 = arith.addi %mul3A_279, %add3A_490 : i32
          %get3A_492 = arith.index_cast %add3A_491 : i32 to index
          %get3A_493 = tpu.vector_load %arg6[%get3A_492] {strides = array<i32>} : memref<20480xf32, #tpu.memory_space<vmem>>, vector<16xf32>,
          %lt3A_494 = arith.cmpf olt, %get3A_493, %bitcast3A_176 : vector<16xf32>
          %add3A_495 = arith.constant 224 : i32
          %add3A_496 = arith.addi %mul3A_279, %add3A_495 : i32
          %add3A_497 = vector.broadcast %add3A_496 : i32 to vector<16xi32>
          %add3A_498 = arith.addi %iota3A, %add3A_497 : vector<16xi32>
          %swap3A_499 = arith.index_cast %add3A_489 : i32 to index
          %swap3A_500 = tpu.vector_load %arg8[%swap3A_499] masked %lt3A_494 {strides = array<i32>} : memref<20496xi32, #tpu.memory_space<vmem>>, vector<16xi32>, vector<16xi1>
          tpu.vector_store %arg8[%swap3A_499], %add3A_498 masked %lt3A_494 {strides = array<i32>} : memref<20496xi32, #tpu.memory_space<vmem>>, vector<16xi32>, vector<16xi1>
          %all_reduce_population_count3A_501 = tpu.all_reduce %lt3A_494 {dim = 0 : i64, kind = #tpu.reduction_kind<sum>} : vector<16xi1> -> vector<16xi32>
          %slice3A_502 = vector.extract_strided_slice %all_reduce_population_count3A_501 {offsets = [0], sizes = [1], strides = [1]} : vector<16xi32> to vector<1xi32>
          %squeeze3A_503 = vector.extract %slice3A_502[0] : i32 from vector<1xi32>
          %add3A_504 = arith.addi %add3A_489, %squeeze3A_503 : i32
          %add3A_505 = arith.constant 240 : i32
          %add3A_506 = arith.addi %mul3A_279, %add3A_505 : i32
          %get3A_507 = arith.index_cast %add3A_506 : i32 to index
          %get3A_508 = tpu.vector_load %arg6[%get3A_507] {strides = array<i32>} : memref<20480xf32, #tpu.memory_space<vmem>>, vector<16xf32>,
          %lt3A_509 = arith.cmpf olt, %get3A_508, %bitcast3A_176 : vector<16xf32>
          %add3A_510 = arith.constant 240 : i32
          %add3A_511 = arith.addi %mul3A_279, %add3A_510 : i32
          %add3A_512 = vector.broadcast %add3A_511 : i32 to vector<16xi32>
          %add3A_513 = arith.addi %iota3A, %add3A_512 : vector<16xi32>
          %swap3A_514 = arith.index_cast %add3A_504 : i32 to index
          %swap3A_515 = tpu.vector_load %arg8[%swap3A_514] masked %lt3A_509 {strides = array<i32>} : memref<20496xi32, #tpu.memory_space<vmem>>, vector<16xi32>, vector<16xi1>
          tpu.vector_store %arg8[%swap3A_514], %add3A_513 masked %lt3A_509 {strides = array<i32>} : memref<20496xi32, #tpu.memory_space<vmem>>, vector<16xi32>, vector<16xi1>
          %all_reduce_population_count3A_516 = tpu.all_reduce %lt3A_509 {dim = 0 : i64, kind = #tpu.reduction_kind<sum>} : vector<16xi1> -> vector<16xi32>
          %slice3A_517 = vector.extract_strided_slice %all_reduce_population_count3A_516 {offsets = [0], sizes = [1], strides = [1]} : vector<16xi32> to vector<1xi32>
          %squeeze3A_518 = vector.extract %slice3A_517[0] : i32 from vector<1xi32>
          %add3A_519 = arith.addi %add3A_504, %squeeze3A_518 : i32
          scf.yield %add3A_519 : i32
        } else {
          scf.yield %scan3A_267 : i32
        }
        scf.yield %cond3A_277 : i32
      }
      %scan3A_183 = arith.constant 80 : i32
      %broadcast_in_dim3A_184 = arith.constant 20479 : i32
      %broadcast_in_dim3A_185 = vector.broadcast %broadcast_in_dim3A_184 : i32 to vector<16xi32>
      %swap3A_186 = arith.index_cast %scan3A_182 : i32 to index
      %swap3A_187 = tpu.vector_load %arg8[%swap3A_186] {strides = array<i32>} : memref<20496xi32, #tpu.memory_space<vmem>>, vector<16xi32>,
      tpu.vector_store %arg8[%swap3A_186], %broadcast_in_dim3A_185 {strides = array<i32>} : memref<20496xi32, #tpu.memory_space<vmem>>, vector<16xi32>,
      %broadcast_in_dim3A_188 = arith.constant 3.000000e+38 : f32
      %broadcast_in_dim3A_189 = vector.broadcast %broadcast_in_dim3A_188 : f32 to vector<16xf32>
      %broadcast_in_dim3A_190 = arith.constant 3.000000e+38 : f32
      %broadcast_in_dim3A_191 = vector.broadcast %broadcast_in_dim3A_190 : f32 to vector<16xf32>
      %add3A_192 = arith.constant 15 : i32
      %add3A_193 = arith.addi %scan3A_182, %add3A_192 : i32
      %jit3A_194 = arith.constant 16 : i32
      %div3A_195 = arith.divsi %add3A_193, %jit3A_194 : i32
      %sign3A_196 = arith.constant 0 : i32
      %sign3A_197 = arith.cmpi sgt, %add3A_193, %sign3A_196 : i32
      %sign3A_198 = arith.extui %sign3A_197 : i1 to i32
      %sign3A_199 = arith.constant 0 : i32
      %sign3A_200 = arith.cmpi slt, %add3A_193, %sign3A_199 : i32
      %sign3A_201 = arith.extui %sign3A_200 : i1 to i32
      %sign3A_202 = arith.subi %sign3A_198, %sign3A_201 : i32
      %sign3A_203 = arith.constant 0 : i32
      %sign3A_204 = arith.cmpi sgt, %jit3A_194, %sign3A_203 : i32
      %sign3A_205 = arith.extui %sign3A_204 : i1 to i32
      %sign3A_206 = arith.constant 0 : i32
      %sign3A_207 = arith.cmpi slt, %jit3A_194, %sign3A_206 : i32
      %sign3A_208 = arith.extui %sign3A_207 : i1 to i32
      %sign3A_209 = arith.subi %sign3A_205, %sign3A_208 : i32
      %ne3A_210 = arith.cmpi ne, %sign3A_202, %sign3A_209 : i32
      %rem3A_211 = arith.remsi %add3A_193, %jit3A_194 : i32
      %ne3A_212 = arith.constant 0 : i32
      %ne3A_213 = arith.cmpi ne, %rem3A_211, %ne3A_212 : i32
      %and3A_214 = arith.andi %ne3A_210, %ne3A_213 : i1
      %sub3A_215 = arith.constant 1 : i32
      %sub3A_216 = arith.subi %div3A_195, %sub3A_215 : i32
      %select_n3A_217 = arith.select %and3A_214, %sub3A_216, %div3A_195 : i32
      %while3A_218 = arith.constant 0 : i32
      %while3A_219 = arith.subi %select_n3A_217, %while3A_218 : i32
      %while3A_220 = arith.addi %while3A_218, %while3A_219 : i32
      %while3A_221 = arith.constant 1 : i32
      %while3A_222 = arith.divsi %while3A_219, %while3A_221 : i32
      %while3A_223 = arith.muli %while3A_222, %while3A_221 : i32
      %while3A_224 = arith.addi %while3A_218, %while3A_223 : i32
      %while3A_225 = arith.constant 1 : i32
      %while3A_226:2 = scf.for %while3A_266 = %while3A_218 to %while3A_224 step %while3A_225 iter_args(%while3A_267 = %broadcast_in_dim3A_189, %while3A_268 = %broadcast_in_dim3A_191) -> (vector<16xf32>, vector<16xf32>)  : i32 {
        %mul3A_269 = arith.constant 16 : i32
        %mul3A_270 = arith.muli %while3A_266, %mul3A_269 : i32
        %get3A_271 = arith.index_cast %mul3A_270 : i32 to index
        %get3A_272 = tpu.vector_load %arg8[%get3A_271] {strides = array<i32>} : memref<20496xi32, #tpu.memory_space<vmem>>, vector<16xi32>,
        %gather3A_273 = tpu.vector_load_idx %arg6[%get3A_272] : memref<20480xf32, #tpu.memory_space<vmem>>[vector<16xi32>], vector<16xf32>,
        %lt3A = arith.cmpf olt, %gather3A_273, %while3A_268 : vector<16xf32>
        %all_reduce_population_count3A = tpu.all_reduce %lt3A {dim = 0 : i64, kind = #tpu.reduction_kind<sum>} : vector<16xi1> -> vector<16xi32>
        %slice3A = vector.extract_strided_slice %all_reduce_population_count3A {offsets = [0], sizes = [1], strides = [1]} : vector<16xi32> to vector<1xi32>
        %squeeze3A = vector.extract %slice3A[0] : i32 from vector<1xi32>
        %gt3A_274 = arith.constant 0 : i32
        %gt3A_275 = arith.cmpi sgt, %squeeze3A, %gt3A_274 : i32
        %convert_element_type3A_276 = arith.extui %gt3A_275 : i1 to i32
        %cond3A_277 = arith.constant 0 : i32
        %cond3A_278 = arith.cmpi ne, %convert_element_type3A_276, %cond3A_277 : i32
        %cond3A_279:2 = scf.if %cond3A_278 -> (vector<16xf32>, vector<16xf32>) {
          %masked_sort3A_280 = arith.constant dense<true> : vector<16xi1>
          %masked_sort3A_281, %masked_sort3A_282, %masked_sort3A_283 = tpu.sort %gather3A_273, %get3A_272 masked %masked_sort3A_280 {descending = true} : (vector<16xf32>, vector<16xi32>, vector<16xi1>) -> (vector<16xi1>, vector<16xf32>, vector<16xi32>)
          %min3A_284 = arith.minimumf %while3A_267, %masked_sort3A_282 : vector<16xf32>
          %masked_sort3A_285 = arith.constant dense<true> : vector<16xi1>
          %masked_sort3A_286, %masked_sort3A_287, %masked_sort3A_288 = tpu.sort %min3A_284, %iota3A masked %masked_sort3A_285 : (vector<16xf32>, vector<16xi32>, vector<16xi1>) -> (vector<16xi1>, vector<16xf32>, vector<16xi32>)
          %gather3A_289 = vector.shape_cast %broadcast_in_dim3A_4 : vector<16x1xi32> to vector<16xi32>
          %gather3A_290 = tpu.dynamic_gather %masked_sort3A_287[%gather3A_289] in [0] : vector<16xf32>, vector<16xi32> -> vector<16xf32>
          scf.yield %masked_sort3A_287, %gather3A_290 : vector<16xf32>, vector<16xf32>
        } else {
          scf.yield %while3A_267, %while3A_268 : vector<16xf32>, vector<16xf32>
        }
        scf.yield %cond3A_279#0, %cond3A_279#1 : vector<16xf32>, vector<16xf32>
      }
      %while3A_227 = arith.constant 1 : i32
      %while3A_228:2 = scf.for %while3A_266 = %while3A_224 to %while3A_220 step %while3A_227 iter_args(%while3A_267 = %while3A_226#0, %while3A_268 = %while3A_226#1) -> (vector<16xf32>, vector<16xf32>)  : i32 {
        %mul3A_269 = arith.constant 16 : i32
        %mul3A_270 = arith.muli %while3A_266, %mul3A_269 : i32
        %get3A_271 = arith.index_cast %mul3A_270 : i32 to index
        %get3A_272 = tpu.vector_load %arg8[%get3A_271] {strides = array<i32>} : memref<20496xi32, #tpu.memory_space<vmem>>, vector<16xi32>,
        %gather3A_273 = tpu.vector_load_idx %arg6[%get3A_272] : memref<20480xf32, #tpu.memory_space<vmem>>[vector<16xi32>], vector<16xf32>,
        %lt3A = arith.cmpf olt, %gather3A_273, %while3A_268 : vector<16xf32>
        %all_reduce_population_count3A = tpu.all_reduce %lt3A {dim = 0 : i64, kind = #tpu.reduction_kind<sum>} : vector<16xi1> -> vector<16xi32>
        %slice3A = vector.extract_strided_slice %all_reduce_population_count3A {offsets = [0], sizes = [1], strides = [1]} : vector<16xi32> to vector<1xi32>
        %squeeze3A = vector.extract %slice3A[0] : i32 from vector<1xi32>
        %gt3A_274 = arith.constant 0 : i32
        %gt3A_275 = arith.cmpi sgt, %squeeze3A, %gt3A_274 : i32
        %convert_element_type3A_276 = arith.extui %gt3A_275 : i1 to i32
        %cond3A_277 = arith.constant 0 : i32
        %cond3A_278 = arith.cmpi ne, %convert_element_type3A_276, %cond3A_277 : i32
        %cond3A_279:2 = scf.if %cond3A_278 -> (vector<16xf32>, vector<16xf32>) {
          %masked_sort3A_280 = arith.constant dense<true> : vector<16xi1>
          %masked_sort3A_281, %masked_sort3A_282, %masked_sort3A_283 = tpu.sort %gather3A_273, %get3A_272 masked %masked_sort3A_280 {descending = true} : (vector<16xf32>, vector<16xi32>, vector<16xi1>) -> (vector<16xi1>, vector<16xf32>, vector<16xi32>)
          %min3A_284 = arith.minimumf %while3A_267, %masked_sort3A_282 : vector<16xf32>
          %masked_sort3A_285 = arith.constant dense<true> : vector<16xi1>
          %masked_sort3A_286, %masked_sort3A_287, %masked_sort3A_288 = tpu.sort %min3A_284, %iota3A masked %masked_sort3A_285 : (vector<16xf32>, vector<16xi32>, vector<16xi1>) -> (vector<16xi1>, vector<16xf32>, vector<16xi32>)
          %gather3A_289 = vector.shape_cast %broadcast_in_dim3A_4 : vector<16x1xi32> to vector<16xi32>
          %gather3A_290 = tpu.dynamic_gather %masked_sort3A_287[%gather3A_289] in [0] : vector<16xf32>, vector<16xi32> -> vector<16xf32>
          scf.yield %masked_sort3A_287, %gather3A_290 : vector<16xf32>, vector<16xf32>
        } else {
          scf.yield %while3A_267, %while3A_268 : vector<16xf32>, vector<16xf32>
        }
        scf.yield %cond3A_279#0, %cond3A_279#1 : vector<16xf32>, vector<16xf32>
      }
      %while3A_229 = arith.constant 0 : i32
      %while3A_230 = arith.constant 0 : i32
      %while3A_231 = arith.constant 0 : i32
      %while3A_232 = arith.subi %select_n3A_217, %while3A_229 : i32
      %while3A_233 = arith.addi %while3A_229, %while3A_232 : i32
      %while3A_234 = arith.constant 1 : i32
      %while3A_235 = arith.divsi %while3A_232, %while3A_234 : i32
      %while3A_236 = arith.muli %while3A_235, %while3A_234 : i32
      %while3A_237 = arith.addi %while3A_229, %while3A_236 : i32
      %while3A_238 = arith.constant 1 : i32
      %while3A_239:2 = scf.for %while3A_266 = %while3A_229 to %while3A_237 step %while3A_238 iter_args(%while3A_267 = %while3A_230, %while3A_268 = %while3A_231) -> (i32, i32)  : i32 {
        %mul3A_269 = arith.constant 16 : i32
        %mul3A_270 = arith.muli %while3A_266, %mul3A_269 : i32
        %get3A_271 = arith.index_cast %mul3A_270 : i32 to index
        %get3A_272 = tpu.vector_load %arg8[%get3A_271] {strides = array<i32>} : memref<20496xi32, #tpu.memory_space<vmem>>, vector<16xi32>,
        %gather3A_273 = tpu.vector_load_idx %arg6[%get3A_272] : memref<20480xf32, #tpu.memory_space<vmem>>[vector<16xi32>], vector<16xf32>,
        %lt3A = arith.cmpf olt, %gather3A_273, %while3A_228#1 : vector<16xf32>
        %eq3A = arith.cmpf oeq, %gather3A_273, %while3A_228#1 : vector<16xf32>
        %swap3A_274 = arith.index_cast %while3A_267 : i32 to index
        %swap3A_275 = tpu.vector_load %arg9[%swap3A_274] masked %lt3A {strides = array<i32>} : memref<48xi32, #tpu.memory_space<vmem>>, vector<16xi32>, vector<16xi1>
        tpu.vector_store %arg9[%swap3A_274], %get3A_272 masked %lt3A {strides = array<i32>} : memref<48xi32, #tpu.memory_space<vmem>>, vector<16xi32>, vector<16xi1>
        %swap3A_276 = arith.index_cast %while3A_268 : i32 to index
        %swap3A_277 = tpu.vector_load %arg8[%swap3A_276] masked %eq3A {strides = array<i32>} : memref<20496xi32, #tpu.memory_space<vmem>>, vector<16xi32>, vector<16xi1>
        tpu.vector_store %arg8[%swap3A_276], %get3A_272 masked %eq3A {strides = array<i32>} : memref<20496xi32, #tpu.memory_space<vmem>>, vector<16xi32>, vector<16xi1>
        %all_reduce_population_count3A = tpu.all_reduce %lt3A {dim = 0 : i64, kind = #tpu.reduction_kind<sum>} : vector<16xi1> -> vector<16xi32>
        %slice3A = vector.extract_strided_slice %all_reduce_population_count3A {offsets = [0], sizes = [1], strides = [1]} : vector<16xi32> to vector<1xi32>
        %squeeze3A = vector.extract %slice3A[0] : i32 from vector<1xi32>
        %add3A_278 = arith.addi %while3A_267, %squeeze3A : i32
        %all_reduce_population_count3A_279 = tpu.all_reduce %eq3A {dim = 0 : i64, kind = #tpu.reduction_kind<sum>} : vector<16xi1> -> vector<16xi32>
        %slice3A_280 = vector.extract_strided_slice %all_reduce_population_count3A_279 {offsets = [0], sizes = [1], strides = [1]} : vector<16xi32> to vector<1xi32>
        %squeeze3A_281 = vector.extract %slice3A_280[0] : i32 from vector<1xi32>
        %add3A_282 = arith.addi %while3A_268, %squeeze3A_281 : i32
        scf.yield %add3A_278, %add3A_282 : i32, i32
      }
      %while3A_240 = arith.constant 1 : i32
      %while3A_241:2 = scf.for %while3A_266 = %while3A_237 to %while3A_233 step %while3A_240 iter_args(%while3A_267 = %while3A_239#0, %while3A_268 = %while3A_239#1) -> (i32, i32)  : i32 {
        %mul3A_269 = arith.constant 16 : i32
        %mul3A_270 = arith.muli %while3A_266, %mul3A_269 : i32
        %get3A_271 = arith.index_cast %mul3A_270 : i32 to index
        %get3A_272 = tpu.vector_load %arg8[%get3A_271] {strides = array<i32>} : memref<20496xi32, #tpu.memory_space<vmem>>, vector<16xi32>,
        %gather3A_273 = tpu.vector_load_idx %arg6[%get3A_272] : memref<20480xf32, #tpu.memory_space<vmem>>[vector<16xi32>], vector<16xf32>,
        %lt3A = arith.cmpf olt, %gather3A_273, %while3A_228#1 : vector<16xf32>
        %eq3A = arith.cmpf oeq, %gather3A_273, %while3A_228#1 : vector<16xf32>
        %swap3A_274 = arith.index_cast %while3A_267 : i32 to index
        %swap3A_275 = tpu.vector_load %arg9[%swap3A_274] masked %lt3A {strides = array<i32>} : memref<48xi32, #tpu.memory_space<vmem>>, vector<16xi32>, vector<16xi1>
        tpu.vector_store %arg9[%swap3A_274], %get3A_272 masked %lt3A {strides = array<i32>} : memref<48xi32, #tpu.memory_space<vmem>>, vector<16xi32>, vector<16xi1>
        %swap3A_276 = arith.index_cast %while3A_268 : i32 to index
        %swap3A_277 = tpu.vector_load %arg8[%swap3A_276] masked %eq3A {strides = array<i32>} : memref<20496xi32, #tpu.memory_space<vmem>>, vector<16xi32>, vector<16xi1>
        tpu.vector_store %arg8[%swap3A_276], %get3A_272 masked %eq3A {strides = array<i32>} : memref<20496xi32, #tpu.memory_space<vmem>>, vector<16xi32>, vector<16xi1>
        %all_reduce_population_count3A = tpu.all_reduce %lt3A {dim = 0 : i64, kind = #tpu.reduction_kind<sum>} : vector<16xi1> -> vector<16xi32>
        %slice3A = vector.extract_strided_slice %all_reduce_population_count3A {offsets = [0], sizes = [1], strides = [1]} : vector<16xi32> to vector<1xi32>
        %squeeze3A = vector.extract %slice3A[0] : i32 from vector<1xi32>
        %add3A_278 = arith.addi %while3A_267, %squeeze3A : i32
        %all_reduce_population_count3A_279 = tpu.all_reduce %eq3A {dim = 0 : i64, kind = #tpu.reduction_kind<sum>} : vector<16xi1> -> vector<16xi32>
        %slice3A_280 = vector.extract_strided_slice %all_reduce_population_count3A_279 {offsets = [0], sizes = [1], strides = [1]} : vector<16xi32> to vector<1xi32>
        %squeeze3A_281 = vector.extract %slice3A_280[0] : i32 from vector<1xi32>
        %add3A_282 = arith.addi %while3A_268, %squeeze3A_281 : i32
        scf.yield %add3A_278, %add3A_282 : i32, i32
      }
      %get3A_242 = arith.constant 0 : index
      %get3A_243 = tpu.vector_load %arg8[%get3A_242] {strides = array<i32>} : memref<20496xi32, #tpu.memory_space<vmem>>, vector<16xi32>,
      %swap3A_244 = arith.index_cast %while3A_241#0 : i32 to index
      %swap3A_245 = tpu.vector_load %arg9[%swap3A_244] {strides = array<i32>} : memref<48xi32, #tpu.memory_space<vmem>>, vector<16xi32>,
      tpu.vector_store %arg9[%swap3A_244], %get3A_243 {strides = array<i32>} : memref<48xi32, #tpu.memory_space<vmem>>, vector<16xi32>,
      %get3A_246 = arith.constant 0 : index
      %get3A_247 = tpu.vector_load %arg9[%get3A_246] {strides = array<i32>} : memref<48xi32, #tpu.memory_space<vmem>>, vector<16xi32>,
      %swap3A_248 = arith.constant 0 : index
      %swap3A_249 = tpu.vector_load %arg11[%swap3A_248] {strides = array<i32>} : memref<16xi32, #tpu.memory_space<vmem>>, vector<16xi32>,
      tpu.vector_store %arg11[%swap3A_248], %get3A_247 {strides = array<i32>} : memref<16xi32, #tpu.memory_space<vmem>>, vector<16xi32>,
      %dma_start3A_250 = arith.constant 0 : i32
      %dma_start3A_251 = arith.constant 0 : i32
      %dma_start3A_252 = tpu.memref_slice %arg3[%dma_start3A_250, %dma_start3A_251] : memref<20000x512xf32, #tpu.memory_space<hbm>> -> memref<20000x512xf32, #tpu.memory_space<hbm>>
      tpu.enqueue_indirect_dma source(%dma_start3A_252 : memref<20000x512xf32, #tpu.memory_space<hbm>>) target(%arg13 : memref<16x512xf32, #tpu.memory_space<vmem>>) offsets(%arg11 : memref<16xi32, #tpu.memory_space<vmem>>) semaphore(%arg18 : memref<!tpu.dma_semaphore, #tpu.memory_space<semaphore_mem>>)
      %dma_wait3A_253 = arith.constant 0 : i32
      %dma_wait3A_254 = arith.constant 0 : i32
      %dma_wait3A_255 = tpu.memref_slice %arg3[%dma_wait3A_253, %dma_wait3A_254] : memref<20000x512xf32, #tpu.memory_space<hbm>> -> memref<20000x512xf32, #tpu.memory_space<hbm>>
      tpu.wait_indirect_dma semaphore(%arg17 : memref<!tpu.dma_semaphore, #tpu.memory_space<semaphore_mem>>) src(%dma_wait3A_255 : memref<20000x512xf32, #tpu.memory_space<hbm>>) dst(%arg12 : memref<16x512xf32, #tpu.memory_space<vmem>>)
      %parallel_loop3A_256 = arith.constant 0 : i32
      %parallel_loop3A_257 = arith.constant 32 : i32
      %parallel_loop3A_258 = arith.constant 1 : i32
      scf.for %parallel_loop3A_266 = %parallel_loop3A_256 to %parallel_loop3A_257 step %parallel_loop3A_258  : i32 {
        %parallel_loop3A_267 = arith.constant 16 : i32
        %parallel_loop3A_268 = arith.muli %parallel_loop3A_266, %parallel_loop3A_267 : i32
        %parallel_loop3A_269 = arith.constant 0 : i32
        %parallel_loop3A_270 = arith.index_cast %parallel_loop3A_269 : i32 to index
        %parallel_loop3A_271 = arith.index_cast %parallel_loop3A_268 : i32 to index
        %parallel_loop3A_272 = tpu.vector_load %arg12[%parallel_loop3A_270, %parallel_loop3A_271] {strides = array<i32>} : memref<16x512xf32, #tpu.memory_space<vmem>>, vector<16xf32>,
        %parallel_loop3A_273 = arith.constant 16 : i32
        %parallel_loop3A_274 = arith.muli %parallel_loop3A_266, %parallel_loop3A_273 : i32
        %parallel_loop3A_275 = arith.constant 1 : i32
        %parallel_loop3A_276 = arith.index_cast %parallel_loop3A_275 : i32 to index
        %parallel_loop3A_277 = arith.index_cast %parallel_loop3A_274 : i32 to index
        %parallel_loop3A_278 = tpu.vector_load %arg12[%parallel_loop3A_276, %parallel_loop3A_277] {strides = array<i32>} : memref<16x512xf32, #tpu.memory_space<vmem>>, vector<16xf32>,
        %parallel_loop3A_279 = arith.constant 16 : i32
        %parallel_loop3A_280 = arith.muli %parallel_loop3A_266, %parallel_loop3A_279 : i32
        %parallel_loop3A_281 = arith.constant 2 : i32
        %parallel_loop3A_282 = arith.index_cast %parallel_loop3A_281 : i32 to index
        %parallel_loop3A_283 = arith.index_cast %parallel_loop3A_280 : i32 to index
        %parallel_loop3A_284 = tpu.vector_load %arg12[%parallel_loop3A_282, %parallel_loop3A_283] {strides = array<i32>} : memref<16x512xf32, #tpu.memory_space<vmem>>, vector<16xf32>,
        %parallel_loop3A_285 = arith.constant 16 : i32
        %parallel_loop3A_286 = arith.muli %parallel_loop3A_266, %parallel_loop3A_285 : i32
        %parallel_loop3A_287 = arith.constant 3 : i32
        %parallel_loop3A_288 = arith.index_cast %parallel_loop3A_287 : i32 to index
        %parallel_loop3A_289 = arith.index_cast %parallel_loop3A_286 : i32 to index
        %parallel_loop3A_290 = tpu.vector_load %arg12[%parallel_loop3A_288, %parallel_loop3A_289] {strides = array<i32>} : memref<16x512xf32, #tpu.memory_space<vmem>>, vector<16xf32>,
        %parallel_loop3A_291 = arith.constant 16 : i32
        %parallel_loop3A_292 = arith.muli %parallel_loop3A_266, %parallel_loop3A_291 : i32
        %parallel_loop3A_293 = arith.constant 4 : i32
        %parallel_loop3A_294 = arith.index_cast %parallel_loop3A_293 : i32 to index
        %parallel_loop3A_295 = arith.index_cast %parallel_loop3A_292 : i32 to index
        %parallel_loop3A_296 = tpu.vector_load %arg12[%parallel_loop3A_294, %parallel_loop3A_295] {strides = array<i32>} : memref<16x512xf32, #tpu.memory_space<vmem>>, vector<16xf32>,
        %parallel_loop3A_297 = arith.constant 16 : i32
        %parallel_loop3A_298 = arith.muli %parallel_loop3A_266, %parallel_loop3A_297 : i32
        %parallel_loop3A_299 = arith.constant 5 : i32
        %parallel_loop3A_300 = arith.index_cast %parallel_loop3A_299 : i32 to index
        %parallel_loop3A_301 = arith.index_cast %parallel_loop3A_298 : i32 to index
        %parallel_loop3A_302 = tpu.vector_load %arg12[%parallel_loop3A_300, %parallel_loop3A_301] {strides = array<i32>} : memref<16x512xf32, #tpu.memory_space<vmem>>, vector<16xf32>,
        %parallel_loop3A_303 = arith.constant 16 : i32
        %parallel_loop3A_304 = arith.muli %parallel_loop3A_266, %parallel_loop3A_303 : i32
        %parallel_loop3A_305 = arith.constant 6 : i32
        %parallel_loop3A_306 = arith.index_cast %parallel_loop3A_305 : i32 to index
        %parallel_loop3A_307 = arith.index_cast %parallel_loop3A_304 : i32 to index
        %parallel_loop3A_308 = tpu.vector_load %arg12[%parallel_loop3A_306, %parallel_loop3A_307] {strides = array<i32>} : memref<16x512xf32, #tpu.memory_space<vmem>>, vector<16xf32>,
        %parallel_loop3A_309 = arith.constant 16 : i32
        %parallel_loop3A_310 = arith.muli %parallel_loop3A_266, %parallel_loop3A_309 : i32
        %parallel_loop3A_311 = arith.constant 7 : i32
        %parallel_loop3A_312 = arith.index_cast %parallel_loop3A_311 : i32 to index
        %parallel_loop3A_313 = arith.index_cast %parallel_loop3A_310 : i32 to index
        %parallel_loop3A_314 = tpu.vector_load %arg12[%parallel_loop3A_312, %parallel_loop3A_313] {strides = array<i32>} : memref<16x512xf32, #tpu.memory_space<vmem>>, vector<16xf32>,
        %parallel_loop3A_315 = arith.constant 16 : i32
        %parallel_loop3A_316 = arith.muli %parallel_loop3A_266, %parallel_loop3A_315 : i32
        %parallel_loop3A_317 = arith.constant 8 : i32
        %parallel_loop3A_318 = arith.index_cast %parallel_loop3A_317 : i32 to index
        %parallel_loop3A_319 = arith.index_cast %parallel_loop3A_316 : i32 to index
        %parallel_loop3A_320 = tpu.vector_load %arg12[%parallel_loop3A_318, %parallel_loop3A_319] {strides = array<i32>} : memref<16x512xf32, #tpu.memory_space<vmem>>, vector<16xf32>,
        %parallel_loop3A_321 = arith.constant 16 : i32
        %parallel_loop3A_322 = arith.muli %parallel_loop3A_266, %parallel_loop3A_321 : i32
        %parallel_loop3A_323 = arith.constant 9 : i32
        %parallel_loop3A_324 = arith.index_cast %parallel_loop3A_323 : i32 to index
        %parallel_loop3A_325 = arith.index_cast %parallel_loop3A_322 : i32 to index
        %parallel_loop3A_326 = tpu.vector_load %arg12[%parallel_loop3A_324, %parallel_loop3A_325] {strides = array<i32>} : memref<16x512xf32, #tpu.memory_space<vmem>>, vector<16xf32>,
        %parallel_loop3A_327 = arith.constant 16 : i32
        %parallel_loop3A_328 = arith.muli %parallel_loop3A_266, %parallel_loop3A_327 : i32
        %parallel_loop3A_329 = arith.constant 10 : i32
        %parallel_loop3A_330 = arith.index_cast %parallel_loop3A_329 : i32 to index
        %parallel_loop3A_331 = arith.index_cast %parallel_loop3A_328 : i32 to index
        %parallel_loop3A_332 = tpu.vector_load %arg12[%parallel_loop3A_330, %parallel_loop3A_331] {strides = array<i32>} : memref<16x512xf32, #tpu.memory_space<vmem>>, vector<16xf32>,
        %parallel_loop3A_333 = arith.constant 16 : i32
        %parallel_loop3A_334 = arith.muli %parallel_loop3A_266, %parallel_loop3A_333 : i32
        %parallel_loop3A_335 = arith.constant 11 : i32
        %parallel_loop3A_336 = arith.index_cast %parallel_loop3A_335 : i32 to index
        %parallel_loop3A_337 = arith.index_cast %parallel_loop3A_334 : i32 to index
        %parallel_loop3A_338 = tpu.vector_load %arg12[%parallel_loop3A_336, %parallel_loop3A_337] {strides = array<i32>} : memref<16x512xf32, #tpu.memory_space<vmem>>, vector<16xf32>,
        %parallel_loop3A_339 = arith.constant 16 : i32
        %parallel_loop3A_340 = arith.muli %parallel_loop3A_266, %parallel_loop3A_339 : i32
        %parallel_loop3A_341 = arith.constant 12 : i32
        %parallel_loop3A_342 = arith.index_cast %parallel_loop3A_341 : i32 to index
        %parallel_loop3A_343 = arith.index_cast %parallel_loop3A_340 : i32 to index
        %parallel_loop3A_344 = tpu.vector_load %arg12[%parallel_loop3A_342, %parallel_loop3A_343] {strides = array<i32>} : memref<16x512xf32, #tpu.memory_space<vmem>>, vector<16xf32>,
        %parallel_loop3A_345 = arith.constant 16 : i32
        %parallel_loop3A_346 = arith.muli %parallel_loop3A_266, %parallel_loop3A_345 : i32
        %parallel_loop3A_347 = arith.constant 13 : i32
        %parallel_loop3A_348 = arith.index_cast %parallel_loop3A_347 : i32 to index
        %parallel_loop3A_349 = arith.index_cast %parallel_loop3A_346 : i32 to index
        %parallel_loop3A_350 = tpu.vector_load %arg12[%parallel_loop3A_348, %parallel_loop3A_349] {strides = array<i32>} : memref<16x512xf32, #tpu.memory_space<vmem>>, vector<16xf32>,
        %parallel_loop3A_351 = arith.constant 16 : i32
        %parallel_loop3A_352 = arith.muli %parallel_loop3A_266, %parallel_loop3A_351 : i32
        %parallel_loop3A_353 = arith.constant 14 : i32
        %parallel_loop3A_354 = arith.index_cast %parallel_loop3A_353 : i32 to index
        %parallel_loop3A_355 = arith.index_cast %parallel_loop3A_352 : i32 to index
        %parallel_loop3A_356 = tpu.vector_load %arg12[%parallel_loop3A_354, %parallel_loop3A_355] {strides = array<i32>} : memref<16x512xf32, #tpu.memory_space<vmem>>, vector<16xf32>,
        %parallel_loop3A_357 = arith.constant 16 : i32
        %parallel_loop3A_358 = arith.muli %parallel_loop3A_266, %parallel_loop3A_357 : i32
        %parallel_loop3A_359 = arith.constant 15 : i32
        %parallel_loop3A_360 = arith.index_cast %parallel_loop3A_359 : i32 to index
        %parallel_loop3A_361 = arith.index_cast %parallel_loop3A_358 : i32 to index
        %parallel_loop3A_362 = tpu.vector_load %arg12[%parallel_loop3A_360, %parallel_loop3A_361] {strides = array<i32>} : memref<16x512xf32, #tpu.memory_space<vmem>>, vector<16xf32>,
        %parallel_loop3A_363 = arith.maximumf %parallel_loop3A_272, %parallel_loop3A_278 : vector<16xf32>
        %parallel_loop3A_364 = arith.maximumf %parallel_loop3A_284, %parallel_loop3A_290 : vector<16xf32>
        %parallel_loop3A_365 = arith.maximumf %parallel_loop3A_296, %parallel_loop3A_302 : vector<16xf32>
        %parallel_loop3A_366 = arith.maximumf %parallel_loop3A_308, %parallel_loop3A_314 : vector<16xf32>
        %parallel_loop3A_367 = arith.maximumf %parallel_loop3A_320, %parallel_loop3A_326 : vector<16xf32>
        %parallel_loop3A_368 = arith.maximumf %parallel_loop3A_332, %parallel_loop3A_338 : vector<16xf32>
        %parallel_loop3A_369 = arith.maximumf %parallel_loop3A_344, %parallel_loop3A_350 : vector<16xf32>
        %parallel_loop3A_370 = arith.maximumf %parallel_loop3A_356, %parallel_loop3A_362 : vector<16xf32>
        %parallel_loop3A_371 = arith.maximumf %parallel_loop3A_363, %parallel_loop3A_364 : vector<16xf32>
        %parallel_loop3A_372 = arith.maximumf %parallel_loop3A_365, %parallel_loop3A_366 : vector<16xf32>
        %parallel_loop3A_373 = arith.maximumf %parallel_loop3A_367, %parallel_loop3A_368 : vector<16xf32>
        %parallel_loop3A_374 = arith.maximumf %parallel_loop3A_369, %parallel_loop3A_370 : vector<16xf32>
        %parallel_loop3A_375 = arith.maximumf %parallel_loop3A_371, %parallel_loop3A_372 : vector<16xf32>
        %parallel_loop3A_376 = arith.maximumf %parallel_loop3A_373, %parallel_loop3A_374 : vector<16xf32>
        %parallel_loop3A_377 = arith.maximumf %parallel_loop3A_375, %parallel_loop3A_376 : vector<16xf32>
        %parallel_loop3A_378 = arith.constant 512 : i32
        %parallel_loop3A_379 = arith.muli %mul3A_20, %parallel_loop3A_378 : i32
        %parallel_loop3A_380 = arith.constant 16 : i32
        %parallel_loop3A_381 = arith.muli %parallel_loop3A_266, %parallel_loop3A_380 : i32
        %parallel_loop3A_382 = arith.addi %parallel_loop3A_379, %parallel_loop3A_381 : i32
        %parallel_loop3A_383 = arith.index_cast %parallel_loop3A_382 : i32 to index
        %parallel_loop3A_384 = tpu.vector_load %arg14[%parallel_loop3A_383] {strides = array<i32>} : memref<40960xf32, #tpu.memory_space<vmem>>, vector<16xf32>,
        tpu.vector_store %arg14[%parallel_loop3A_383], %parallel_loop3A_377 {strides = array<i32>} : memref<40960xf32, #tpu.memory_space<vmem>>, vector<16xf32>,
      } {sc.loop_unroll_factor = 1 : i64, sc.parallel_access}
      %dma_wait3A_259 = arith.constant 0 : i32
      %dma_wait3A_260 = tpu.memref_slice %arg2[%min3A_134, %dma_wait3A_259] : memref<2560x20480xf32, #tpu.memory_space<hbm>> -> memref<1x20480xf32, #tpu.memory_space<hbm>>
      %dma_wait3A_261 = tpu.memref_squeeze %dma_wait3A_260 : memref<1x20480xf32, #tpu.memory_space<hbm>> -> memref<20480xf32, #tpu.memory_space<hbm>>
      %dma_wait3A_262 = arith.constant 0 : i32
      %dma_wait3A_263 = tpu.memref_slice %arg2[%min3A_134, %dma_wait3A_262] : memref<2560x20480xf32, #tpu.memory_space<hbm>> -> memref<1x20480xf32, #tpu.memory_space<hbm>>
      %dma_wait3A_264 = tpu.memref_squeeze %dma_wait3A_263 : memref<1x20480xf32, #tpu.memory_space<hbm>> -> memref<20480xf32, #tpu.memory_space<hbm>>
      tpu.wait_dma2 semaphore(%arg15 : memref<!tpu.dma_semaphore, #tpu.memory_space<semaphore_mem>>) src(%dma_wait3A_264 : memref<20480xf32, #tpu.memory_space<hbm>>) dst(%arg5 : memref<20480xf32, #tpu.memory_space<vmem>>)
      %scan3A_265 = arith.constant 0 : i32
      scf.yield %scan3A_265 : i32
    }
    %scan3A_10 = arith.constant 40 : i32
    %dma_wait3A = arith.constant 0 : i32
    %dma_wait3A_11 = arith.constant 0 : i32
    %dma_wait3A_12 = tpu.memref_slice %arg3[%dma_wait3A, %dma_wait3A_11] : memref<20000x512xf32, #tpu.memory_space<hbm>> -> memref<20000x512xf32, #tpu.memory_space<hbm>>
    tpu.wait_indirect_dma semaphore(%arg18 : memref<!tpu.dma_semaphore, #tpu.memory_space<semaphore_mem>>) src(%dma_wait3A_12 : memref<20000x512xf32, #tpu.memory_space<hbm>>) dst(%arg13 : memref<16x512xf32, #tpu.memory_space<vmem>>)
    %parallel_loop3A = arith.constant 0 : i32
    %parallel_loop3A_13 = arith.constant 32 : i32
    %parallel_loop3A_14 = arith.constant 1 : i32
    scf.for %parallel_loop3A_17 = %parallel_loop3A to %parallel_loop3A_13 step %parallel_loop3A_14  : i32 {
      %parallel_loop3A_18 = arith.constant 16 : i32
      %parallel_loop3A_19 = arith.muli %parallel_loop3A_17, %parallel_loop3A_18 : i32
      %parallel_loop3A_20 = arith.constant 0 : i32
      %parallel_loop3A_21 = arith.index_cast %parallel_loop3A_20 : i32 to index
      %parallel_loop3A_22 = arith.index_cast %parallel_loop3A_19 : i32 to index
      %parallel_loop3A_23 = tpu.vector_load %arg13[%parallel_loop3A_21, %parallel_loop3A_22] {strides = array<i32>} : memref<16x512xf32, #tpu.memory_space<vmem>>, vector<16xf32>,
      %parallel_loop3A_24 = arith.constant 16 : i32
      %parallel_loop3A_25 = arith.muli %parallel_loop3A_17, %parallel_loop3A_24 : i32
      %parallel_loop3A_26 = arith.constant 1 : i32
      %parallel_loop3A_27 = arith.index_cast %parallel_loop3A_26 : i32 to index
      %parallel_loop3A_28 = arith.index_cast %parallel_loop3A_25 : i32 to index
      %parallel_loop3A_29 = tpu.vector_load %arg13[%parallel_loop3A_27, %parallel_loop3A_28] {strides = array<i32>} : memref<16x512xf32, #tpu.memory_space<vmem>>, vector<16xf32>,
      %parallel_loop3A_30 = arith.constant 16 : i32
      %parallel_loop3A_31 = arith.muli %parallel_loop3A_17, %parallel_loop3A_30 : i32
      %parallel_loop3A_32 = arith.constant 2 : i32
      %parallel_loop3A_33 = arith.index_cast %parallel_loop3A_32 : i32 to index
      %parallel_loop3A_34 = arith.index_cast %parallel_loop3A_31 : i32 to index
      %parallel_loop3A_35 = tpu.vector_load %arg13[%parallel_loop3A_33, %parallel_loop3A_34] {strides = array<i32>} : memref<16x512xf32, #tpu.memory_space<vmem>>, vector<16xf32>,
      %parallel_loop3A_36 = arith.constant 16 : i32
      %parallel_loop3A_37 = arith.muli %parallel_loop3A_17, %parallel_loop3A_36 : i32
      %parallel_loop3A_38 = arith.constant 3 : i32
      %parallel_loop3A_39 = arith.index_cast %parallel_loop3A_38 : i32 to index
      %parallel_loop3A_40 = arith.index_cast %parallel_loop3A_37 : i32 to index
      %parallel_loop3A_41 = tpu.vector_load %arg13[%parallel_loop3A_39, %parallel_loop3A_40] {strides = array<i32>} : memref<16x512xf32, #tpu.memory_space<vmem>>, vector<16xf32>,
      %parallel_loop3A_42 = arith.constant 16 : i32
      %parallel_loop3A_43 = arith.muli %parallel_loop3A_17, %parallel_loop3A_42 : i32
      %parallel_loop3A_44 = arith.constant 4 : i32
      %parallel_loop3A_45 = arith.index_cast %parallel_loop3A_44 : i32 to index
      %parallel_loop3A_46 = arith.index_cast %parallel_loop3A_43 : i32 to index
      %parallel_loop3A_47 = tpu.vector_load %arg13[%parallel_loop3A_45, %parallel_loop3A_46] {strides = array<i32>} : memref<16x512xf32, #tpu.memory_space<vmem>>, vector<16xf32>,
      %parallel_loop3A_48 = arith.constant 16 : i32
      %parallel_loop3A_49 = arith.muli %parallel_loop3A_17, %parallel_loop3A_48 : i32
      %parallel_loop3A_50 = arith.constant 5 : i32
      %parallel_loop3A_51 = arith.index_cast %parallel_loop3A_50 : i32 to index
      %parallel_loop3A_52 = arith.index_cast %parallel_loop3A_49 : i32 to index
      %parallel_loop3A_53 = tpu.vector_load %arg13[%parallel_loop3A_51, %parallel_loop3A_52] {strides = array<i32>} : memref<16x512xf32, #tpu.memory_space<vmem>>, vector<16xf32>,
      %parallel_loop3A_54 = arith.constant 16 : i32
      %parallel_loop3A_55 = arith.muli %parallel_loop3A_17, %parallel_loop3A_54 : i32
      %parallel_loop3A_56 = arith.constant 6 : i32
      %parallel_loop3A_57 = arith.index_cast %parallel_loop3A_56 : i32 to index
      %parallel_loop3A_58 = arith.index_cast %parallel_loop3A_55 : i32 to index
      %parallel_loop3A_59 = tpu.vector_load %arg13[%parallel_loop3A_57, %parallel_loop3A_58] {strides = array<i32>} : memref<16x512xf32, #tpu.memory_space<vmem>>, vector<16xf32>,
      %parallel_loop3A_60 = arith.constant 16 : i32
      %parallel_loop3A_61 = arith.muli %parallel_loop3A_17, %parallel_loop3A_60 : i32
      %parallel_loop3A_62 = arith.constant 7 : i32
      %parallel_loop3A_63 = arith.index_cast %parallel_loop3A_62 : i32 to index
      %parallel_loop3A_64 = arith.index_cast %parallel_loop3A_61 : i32 to index
      %parallel_loop3A_65 = tpu.vector_load %arg13[%parallel_loop3A_63, %parallel_loop3A_64] {strides = array<i32>} : memref<16x512xf32, #tpu.memory_space<vmem>>, vector<16xf32>,
      %parallel_loop3A_66 = arith.constant 16 : i32
      %parallel_loop3A_67 = arith.muli %parallel_loop3A_17, %parallel_loop3A_66 : i32
      %parallel_loop3A_68 = arith.constant 8 : i32
      %parallel_loop3A_69 = arith.index_cast %parallel_loop3A_68 : i32 to index
      %parallel_loop3A_70 = arith.index_cast %parallel_loop3A_67 : i32 to index
      %parallel_loop3A_71 = tpu.vector_load %arg13[%parallel_loop3A_69, %parallel_loop3A_70] {strides = array<i32>} : memref<16x512xf32, #tpu.memory_space<vmem>>, vector<16xf32>,
      %parallel_loop3A_72 = arith.constant 16 : i32
      %parallel_loop3A_73 = arith.muli %parallel_loop3A_17, %parallel_loop3A_72 : i32
      %parallel_loop3A_74 = arith.constant 9 : i32
      %parallel_loop3A_75 = arith.index_cast %parallel_loop3A_74 : i32 to index
      %parallel_loop3A_76 = arith.index_cast %parallel_loop3A_73 : i32 to index
      %parallel_loop3A_77 = tpu.vector_load %arg13[%parallel_loop3A_75, %parallel_loop3A_76] {strides = array<i32>} : memref<16x512xf32, #tpu.memory_space<vmem>>, vector<16xf32>,
      %parallel_loop3A_78 = arith.constant 16 : i32
      %parallel_loop3A_79 = arith.muli %parallel_loop3A_17, %parallel_loop3A_78 : i32
      %parallel_loop3A_80 = arith.constant 10 : i32
      %parallel_loop3A_81 = arith.index_cast %parallel_loop3A_80 : i32 to index
      %parallel_loop3A_82 = arith.index_cast %parallel_loop3A_79 : i32 to index
      %parallel_loop3A_83 = tpu.vector_load %arg13[%parallel_loop3A_81, %parallel_loop3A_82] {strides = array<i32>} : memref<16x512xf32, #tpu.memory_space<vmem>>, vector<16xf32>,
      %parallel_loop3A_84 = arith.constant 16 : i32
      %parallel_loop3A_85 = arith.muli %parallel_loop3A_17, %parallel_loop3A_84 : i32
      %parallel_loop3A_86 = arith.constant 11 : i32
      %parallel_loop3A_87 = arith.index_cast %parallel_loop3A_86 : i32 to index
      %parallel_loop3A_88 = arith.index_cast %parallel_loop3A_85 : i32 to index
      %parallel_loop3A_89 = tpu.vector_load %arg13[%parallel_loop3A_87, %parallel_loop3A_88] {strides = array<i32>} : memref<16x512xf32, #tpu.memory_space<vmem>>, vector<16xf32>,
      %parallel_loop3A_90 = arith.constant 16 : i32
      %parallel_loop3A_91 = arith.muli %parallel_loop3A_17, %parallel_loop3A_90 : i32
      %parallel_loop3A_92 = arith.constant 12 : i32
      %parallel_loop3A_93 = arith.index_cast %parallel_loop3A_92 : i32 to index
      %parallel_loop3A_94 = arith.index_cast %parallel_loop3A_91 : i32 to index
      %parallel_loop3A_95 = tpu.vector_load %arg13[%parallel_loop3A_93, %parallel_loop3A_94] {strides = array<i32>} : memref<16x512xf32, #tpu.memory_space<vmem>>, vector<16xf32>,
      %parallel_loop3A_96 = arith.constant 16 : i32
      %parallel_loop3A_97 = arith.muli %parallel_loop3A_17, %parallel_loop3A_96 : i32
      %parallel_loop3A_98 = arith.constant 13 : i32
      %parallel_loop3A_99 = arith.index_cast %parallel_loop3A_98 : i32 to index
      %parallel_loop3A_100 = arith.index_cast %parallel_loop3A_97 : i32 to index
      %parallel_loop3A_101 = tpu.vector_load %arg13[%parallel_loop3A_99, %parallel_loop3A_100] {strides = array<i32>} : memref<16x512xf32, #tpu.memory_space<vmem>>, vector<16xf32>,
      %parallel_loop3A_102 = arith.constant 16 : i32
      %parallel_loop3A_103 = arith.muli %parallel_loop3A_17, %parallel_loop3A_102 : i32
      %parallel_loop3A_104 = arith.constant 14 : i32
      %parallel_loop3A_105 = arith.index_cast %parallel_loop3A_104 : i32 to index
      %parallel_loop3A_106 = arith.index_cast %parallel_loop3A_103 : i32 to index
      %parallel_loop3A_107 = tpu.vector_load %arg13[%parallel_loop3A_105, %parallel_loop3A_106] {strides = array<i32>} : memref<16x512xf32, #tpu.memory_space<vmem>>, vector<16xf32>,
      %parallel_loop3A_108 = arith.constant 16 : i32
      %parallel_loop3A_109 = arith.muli %parallel_loop3A_17, %parallel_loop3A_108 : i32
      %parallel_loop3A_110 = arith.constant 15 : i32
      %parallel_loop3A_111 = arith.index_cast %parallel_loop3A_110 : i32 to index
      %parallel_loop3A_112 = arith.index_cast %parallel_loop3A_109 : i32 to index
      %parallel_loop3A_113 = tpu.vector_load %arg13[%parallel_loop3A_111, %parallel_loop3A_112] {strides = array<i32>} : memref<16x512xf32, #tpu.memory_space<vmem>>, vector<16xf32>,
      %parallel_loop3A_114 = arith.maximumf %parallel_loop3A_23, %parallel_loop3A_29 : vector<16xf32>
      %parallel_loop3A_115 = arith.maximumf %parallel_loop3A_35, %parallel_loop3A_41 : vector<16xf32>
      %parallel_loop3A_116 = arith.maximumf %parallel_loop3A_47, %parallel_loop3A_53 : vector<16xf32>
      %parallel_loop3A_117 = arith.maximumf %parallel_loop3A_59, %parallel_loop3A_65 : vector<16xf32>
      %parallel_loop3A_118 = arith.maximumf %parallel_loop3A_71, %parallel_loop3A_77 : vector<16xf32>
      %parallel_loop3A_119 = arith.maximumf %parallel_loop3A_83, %parallel_loop3A_89 : vector<16xf32>
      %parallel_loop3A_120 = arith.maximumf %parallel_loop3A_95, %parallel_loop3A_101 : vector<16xf32>
      %parallel_loop3A_121 = arith.maximumf %parallel_loop3A_107, %parallel_loop3A_113 : vector<16xf32>
      %parallel_loop3A_122 = arith.maximumf %parallel_loop3A_114, %parallel_loop3A_115 : vector<16xf32>
      %parallel_loop3A_123 = arith.maximumf %parallel_loop3A_116, %parallel_loop3A_117 : vector<16xf32>
      %parallel_loop3A_124 = arith.maximumf %parallel_loop3A_118, %parallel_loop3A_119 : vector<16xf32>
      %parallel_loop3A_125 = arith.maximumf %parallel_loop3A_120, %parallel_loop3A_121 : vector<16xf32>
      %parallel_loop3A_126 = arith.maximumf %parallel_loop3A_122, %parallel_loop3A_123 : vector<16xf32>
      %parallel_loop3A_127 = arith.maximumf %parallel_loop3A_124, %parallel_loop3A_125 : vector<16xf32>
      %parallel_loop3A_128 = arith.maximumf %parallel_loop3A_126, %parallel_loop3A_127 : vector<16xf32>
      %parallel_loop3A_129 = arith.constant 16 : i32
      %parallel_loop3A_130 = arith.muli %parallel_loop3A_17, %parallel_loop3A_129 : i32
      %parallel_loop3A_131 = arith.constant 40448 : i32
      %parallel_loop3A_132 = arith.addi %parallel_loop3A_131, %parallel_loop3A_130 : i32
      %parallel_loop3A_133 = arith.index_cast %parallel_loop3A_132 : i32 to index
      %parallel_loop3A_134 = tpu.vector_load %arg14[%parallel_loop3A_133] {strides = array<i32>} : memref<40960xf32, #tpu.memory_space<vmem>>, vector<16xf32>,
      tpu.vector_store %arg14[%parallel_loop3A_133], %parallel_loop3A_128 {strides = array<i32>} : memref<40960xf32, #tpu.memory_space<vmem>>, vector<16xf32>,
    } {sc.loop_unroll_factor = 1 : i64, sc.parallel_access}
    %mul3A_15 = arith.constant 512 : i32
    %mul3A_16 = arith.muli %mul3A_2, %mul3A_15 : i32
    "tpu.region"() ({
      %run_scoped3A = tpu.sem_alloc : memref<!tpu.dma_semaphore, #tpu.memory_space<semaphore_mem>>
      %dma_start3A = tpu.memref_slice %arg4[%mul3A_16] : memref<1310720xf32, #tpu.memory_space<hbm>> -> memref<40960xf32, #tpu.memory_space<hbm>>
      %dma_start3A_17 = tpu.memref_slice %arg4[%mul3A_16] : memref<1310720xf32, #tpu.memory_space<hbm>> -> memref<40960xf32, #tpu.memory_space<hbm>>
      tpu.enqueue_dma source(%arg14 : memref<40960xf32, #tpu.memory_space<vmem>>) target(%dma_start3A_17 : memref<40960xf32, #tpu.memory_space<hbm>>) target_semaphore(%run_scoped3A : memref<!tpu.dma_semaphore, #tpu.memory_space<semaphore_mem>>)
      %dma_wait3A_18 = tpu.memref_slice %arg4[%mul3A_16] : memref<1310720xf32, #tpu.memory_space<hbm>> -> memref<40960xf32, #tpu.memory_space<hbm>>
      %dma_wait3A_19 = tpu.memref_slice %arg4[%mul3A_16] : memref<1310720xf32, #tpu.memory_space<hbm>> -> memref<40960xf32, #tpu.memory_space<hbm>>
      tpu.wait_dma2 semaphore(%run_scoped3A : memref<!tpu.dma_semaphore, #tpu.memory_space<semaphore_mem>>) src(%arg14 : memref<40960xf32, #tpu.memory_space<vmem>>) dst(%dma_wait3A_19 : memref<40960xf32, #tpu.memory_space<hbm>>)
      tpu.yield
    }) : () -> ()
    return
  }
}

module attributes {stable_mosaic.version = 14 : i64} {
  func.func @_proj_body(%arg0: i32, %arg1: memref<400x256xf32, #tpu.memory_space<vmem>>, %arg2: memref<256x512xf32, #tpu.memory_space<vmem>>, %arg3: memref<1x256xf32, #tpu.memory_space<vmem>>, %arg4: memref<1x256xf32, #tpu.memory_space<vmem>>, %arg5: memref<400x512xf32, #tpu.memory_space<vmem>>) attributes {dimension_semantics = [#tpu.dimension_semantics<arbitrary>], iteration_bounds = array<i64: 50>, scalar_prefetch = 0 : i64, scratch_operands = 0 : i64, tpu.core_type = #tpu.core_type<tc>, window_params = [{transform_indices = @transform_0, window_bounds = array<i64: 400, 256>}, {pipeline_mode = #tpu.pipeline_mode<synchronous>, transform_indices = @transform_1, window_bounds = array<i64: 256, 512>}, {pipeline_mode = #tpu.pipeline_mode<synchronous>, transform_indices = @transform_2, window_bounds = array<i64: 1, 256>}, {pipeline_mode = #tpu.pipeline_mode<synchronous>, transform_indices = @transform_3, window_bounds = array<i64: 1, 256>}, {transform_indices = @transform_4, window_bounds = array<i64: 400, 512>}]} {
    %get3A = arith.constant 0 : index
    %get3A_0 = arith.constant 0 : index
    %get3A_1 = vector.load %arg1[%get3A, %get3A_0] : memref<400x256xf32, #tpu.memory_space<vmem>>, vector<400x256xf32>
    %reduce_sum3A = arith.constant dense<0.000000e+00> : vector<400xf32>
    %reduce_sum3A_2 = vector.multi_reduction <add>, %get3A_1, %reduce_sum3A [1] : vector<400x256xf32> to vector<400xf32>
    %broadcast_in_dim3A = vector.shape_cast %reduce_sum3A_2 : vector<400xf32> to vector<400x1xf32>
    %div3A = arith.constant 2.560000e+02 : f32
    %div3A_3 = vector.broadcast %div3A : f32 to vector<400x1xf32>
    %div3A_4 = arith.divf %broadcast_in_dim3A, %div3A_3 : vector<400x1xf32>
    %sub3A = vector.broadcast %div3A_4 : vector<400x1xf32> to vector<400x256xf32>
    %sub3A_5 = arith.subf %get3A_1, %sub3A : vector<400x256xf32>
    %mul3A = arith.mulf %sub3A_5, %sub3A_5 : vector<400x256xf32>
    %reduce_sum3A_6 = arith.constant dense<0.000000e+00> : vector<400xf32>
    %reduce_sum3A_7 = vector.multi_reduction <add>, %mul3A, %reduce_sum3A_6 [1] : vector<400x256xf32> to vector<400xf32>
    %broadcast_in_dim3A_8 = vector.shape_cast %reduce_sum3A_7 : vector<400xf32> to vector<400x1xf32>
    %div3A_9 = arith.constant 2.560000e+02 : f32
    %div3A_10 = vector.broadcast %div3A_9 : f32 to vector<400x1xf32>
    %div3A_11 = arith.divf %broadcast_in_dim3A_8, %div3A_10 : vector<400x1xf32>
    %add3A = arith.constant 9.99999974E-6 : f32
    %add3A_12 = vector.broadcast %add3A : f32 to vector<400x1xf32>
    %add3A_13 = arith.addf %div3A_11, %add3A_12 : vector<400x1xf32>
    %rsqrt3A = math.rsqrt %add3A_13 : vector<400x1xf32>
    %mul3A_14 = vector.broadcast %rsqrt3A : vector<400x1xf32> to vector<400x256xf32>
    %mul3A_15 = arith.mulf %sub3A_5, %mul3A_14 : vector<400x256xf32>
    %get3A_16 = arith.constant 0 : index
    %get3A_17 = arith.constant 0 : index
    %get3A_18 = vector.load %arg3[%get3A_16, %get3A_17] : memref<1x256xf32, #tpu.memory_space<vmem>>, vector<1x256xf32>
    %mul3A_19 = vector.broadcast %get3A_18 : vector<1x256xf32> to vector<400x256xf32>
    %mul3A_20 = arith.mulf %mul3A_15, %mul3A_19 : vector<400x256xf32>
    %get3A_21 = arith.constant 0 : index
    %get3A_22 = arith.constant 0 : index
    %get3A_23 = vector.load %arg4[%get3A_21, %get3A_22] : memref<1x256xf32, #tpu.memory_space<vmem>>, vector<1x256xf32>
    %add3A_24 = vector.broadcast %get3A_23 : vector<1x256xf32> to vector<400x256xf32>
    %add3A_25 = arith.addf %mul3A_20, %add3A_24 : vector<400x256xf32>
    %get3A_26 = arith.constant 0 : index
    %get3A_27 = arith.constant 0 : index
    %get3A_28 = vector.load %arg2[%get3A_26, %get3A_27] : memref<256x512xf32, #tpu.memory_space<vmem>>, vector<256x512xf32>
    %dot_general3A = arith.constant dense<0.000000e+00> : vector<400x512xf32>
    %dot_general3A_29 = tpu.matmul %add3A_25, %get3A_28, %dot_general3A {dimension_numbers = #tpu.dot_dimension_numbers<[1], [0], [0], [1], [0, 0, 1, 1], [], []>, transpose_lhs_hint = false} : vector<400x256xf32>, vector<256x512xf32>, vector<400x512xf32> -> vector<400x512xf32>
    %swap3A = arith.constant 0 : index
    %swap3A_30 = arith.constant 0 : index
    %swap3A_31 = vector.load %arg5[%swap3A, %swap3A_30] : memref<400x512xf32, #tpu.memory_space<vmem>>, vector<400x512xf32>
    tpu.vector_store %arg5[%swap3A, %swap3A_30], %dot_general3A_29 {strides = array<i32>} : memref<400x512xf32, #tpu.memory_space<vmem>>, vector<400x512xf32>,
    return
  }
  func.func @transform_0(%arg0: i32) -> (i32, i32) {
    %c0_i32 = arith.constant 0 : i32
    %c0_i32_0 = arith.constant 0 : i32
    return %arg0, %c0_i32 : i32, i32
  }
  func.func @transform_1(%arg0: i32) -> (i32, i32) {
    %c0_i32 = arith.constant 0 : i32
    %c0_i32_0 = arith.constant 0 : i32
    %c0_i32_1 = arith.constant 0 : i32
    return %c0_i32, %c0_i32_0 : i32, i32
  }
  func.func @transform_2(%arg0: i32) -> (i32, i32) {
    %c0_i32 = arith.constant 0 : i32
    %c0_i32_0 = arith.constant 0 : i32
    %c0_i32_1 = arith.constant 0 : i32
    return %c0_i32, %c0_i32_0 : i32, i32
  }
  func.func @transform_3(%arg0: i32) -> (i32, i32) {
    %c0_i32 = arith.constant 0 : i32
    %c0_i32_0 = arith.constant 0 : i32
    %c0_i32_1 = arith.constant 0 : i32
    return %c0_i32, %c0_i32_0 : i32, i32
  }
  func.func @transform_4(%arg0: i32) -> (i32, i32) {
    %c0_i32 = arith.constant 0 : i32
    %c0_i32_0 = arith.constant 0 : i32
    return %arg0, %c0_i32 : i32, i32
  }
}

module attributes {stable_mosaic.version = 14 : i64} {
  func.func @_d2_body(%arg0: i32, %arg1: i32, %arg2: memref<512x3xf32, #tpu.memory_space<vmem>>, %arg3: memref<3x2048xf32, #tpu.memory_space<vmem>>, %arg4: memref<512x1xf32, #tpu.memory_space<vmem>>, %arg5: memref<1x2048xf32, #tpu.memory_space<vmem>>, %arg6: memref<512x2048xf32, #tpu.memory_space<vmem>>) attributes {dimension_semantics = [#tpu.dimension_semantics<arbitrary>, #tpu.dimension_semantics<arbitrary>], iteration_bounds = array<i64: 5, 10>, scalar_prefetch = 0 : i64, scratch_operands = 0 : i64, tpu.core_type = #tpu.core_type<tc>, window_params = [{transform_indices = @transform_0, window_bounds = array<i64: 512, 3>}, {transform_indices = @transform_1, window_bounds = array<i64: 3, 2048>}, {transform_indices = @transform_2, window_bounds = array<i64: 512, 1>}, {transform_indices = @transform_3, window_bounds = array<i64: 1, 2048>}, {transform_indices = @transform_4, window_bounds = array<i64: 512, 2048>}]} {
    %get3A = arith.constant 0 : index
    %get3A_0 = arith.constant 0 : index
    %get3A_1 = vector.load %arg4[%get3A, %get3A_0] : memref<512x1xf32, #tpu.memory_space<vmem>>, vector<512x1xf32>
    %get3A_2 = arith.constant 0 : index
    %get3A_3 = arith.constant 0 : index
    %get3A_4 = vector.load %arg2[%get3A_2, %get3A_3] : memref<512x3xf32, #tpu.memory_space<vmem>>, vector<512x3xf32>
    %get3A_5 = arith.constant 0 : index
    %get3A_6 = arith.constant 0 : index
    %get3A_7 = vector.load %arg3[%get3A_5, %get3A_6] : memref<3x2048xf32, #tpu.memory_space<vmem>>, vector<3x2048xf32>
    %dot_general3A = arith.constant dense<0.000000e+00> : vector<512x2048xf32>
    %dot_general3A_8 = tpu.matmul %get3A_4, %get3A_7, %dot_general3A {dimension_numbers = #tpu.dot_dimension_numbers<[1], [0], [0], [1], [0, 0, 1, 1], [], []>, transpose_lhs_hint = false} : vector<512x3xf32>, vector<3x2048xf32>, vector<512x2048xf32> -> vector<512x2048xf32>
    %mul3A = arith.constant 2.000000e+00 : f32
    %mul3A_9 = vector.broadcast %mul3A : f32 to vector<512x2048xf32>
    %mul3A_10 = arith.mulf %mul3A_9, %dot_general3A_8 : vector<512x2048xf32>
    %sub3A = vector.broadcast %get3A_1 : vector<512x1xf32> to vector<512x2048xf32>
    %sub3A_11 = arith.subf %sub3A, %mul3A_10 : vector<512x2048xf32>
    %get3A_12 = arith.constant 0 : index
    %get3A_13 = arith.constant 0 : index
    %get3A_14 = vector.load %arg5[%get3A_12, %get3A_13] : memref<1x2048xf32, #tpu.memory_space<vmem>>, vector<1x2048xf32>
    %add3A = vector.broadcast %get3A_14 : vector<1x2048xf32> to vector<512x2048xf32>
    %add3A_15 = arith.addf %sub3A_11, %add3A : vector<512x2048xf32>
    %swap3A = arith.constant 0 : index
    %swap3A_16 = arith.constant 0 : index
    %swap3A_17 = vector.load %arg6[%swap3A, %swap3A_16] : memref<512x2048xf32, #tpu.memory_space<vmem>>, vector<512x2048xf32>
    tpu.vector_store %arg6[%swap3A, %swap3A_16], %add3A_15 {strides = array<i32>} : memref<512x2048xf32, #tpu.memory_space<vmem>>, vector<512x2048xf32>,
    return
  }
  func.func @transform_0(%arg0: i32, %arg1: i32) -> (i32, i32) {
    %c0_i32 = arith.constant 0 : i32
    %c0_i32_0 = arith.constant 0 : i32
    return %arg0, %c0_i32 : i32, i32
  }
  func.func @transform_1(%arg0: i32, %arg1: i32) -> (i32, i32) {
    %c0_i32 = arith.constant 0 : i32
    %c0_i32_0 = arith.constant 0 : i32
    return %c0_i32, %arg1 : i32, i32
  }
  func.func @transform_2(%arg0: i32, %arg1: i32) -> (i32, i32) {
    %c0_i32 = arith.constant 0 : i32
    %c0_i32_0 = arith.constant 0 : i32
    return %arg0, %c0_i32 : i32, i32
  }
  func.func @transform_3(%arg0: i32, %arg1: i32) -> (i32, i32) {
    %c0_i32 = arith.constant 0 : i32
    %c0_i32_0 = arith.constant 0 : i32
    return %c0_i32, %arg1 : i32, i32
  }
  func.func @transform_4(%arg0: i32, %arg1: i32) -> (i32, i32) {
    %c0_i32 = arith.constant 0 : i32
    return %arg0, %arg1 : i32, i32
  }
}

</mosaic_0001>

<sc_bundles>
// kernel: kernel.5.cloned.1.call-start
scs
__scs_entry_jumppad:
0x0: {  	(pc) =	sbr.rel $0x88, $3  }
0x1: {  	(tag) =	ssettag $0x0;
	lr =	simm.s32 $0x1  }
0x2: {  	[smem:$0x3F9B] =	sst lr;
	_ =	strace $0xD0000000  }
0x3: {  	_ = 	snop  }
0x4: {  	_ = 	snop  }
0x5: {  	_ = 	snop  }
0x6: {  	_ = 	snop  }
0x7: {  	_ = 	snop  }
__scs_overlays_trampoline_lowered:
0x8: {  	[smem:$0x3FAA] =	sst s0  }
0x9: {  	[smem:$0x3FAB] =	sst s1  }
0xa: {  	[smem:$0x3FAC] =	sst s2  }
0xb: {  	[smem:$0x3FAD] =	sst s3  }
0xc: {  	[smem:$0x3FAE] =	sst s4  }
0xd: {  	[smem:$0x3FAF] =	sst s5  }
0xe: {  	[smem:$0x3FB0] =	sst s6  }
0xf: {  	[smem:$0x3FB1] =	sst s7  }
0x10: {  	[smem:$0x3FB2] =	sst s8  }
0x11: {  	[smem:$0x3FB3] =	sst s9;
	s0 =	simm.s32 @!p0 $0x0  }
0x12: {  	s1 =	sld [smem:$0x3F99];
	s0 =	simm.s32 @p0 $0x1  }
0x13: {  	[smem:$0x3FB4] =	sst s0;
	s0 =	simm.s32 @!p1 $0x0  }
0x14: {  	s2 =	sld [smem:$0x3F98];
	s0 =	simm.s32 @p1 $0x1  }
0x15: {  	[smem:$0x3FB5] =	sst s0;
	s0 =	simm.s32 @!p2 $0x0  }
0x16: {  	s3 =	sld [smem:$0x3FDB];
	s0 =	simm.s32 @p2 $0x1  }
0x17: {  	s4 =	simm.s32 $0x1BF5;
	[smem:$0x3FB7] =	sst s0  }
0x18: {  	s0 =	sld [smem:$0x3F9A];
	_ =	swait.ge [sflag:s4], $0x0  }
0x19: {  	s7 =	sld [smem:$0x3F9B]  }
0x1a: {  	s8 =	sadd.s32 $0xFFFFE003, lr  }
0x1b: {  	s9 =	sadd.s32 $0xFFFFFEF7, lr;
	s5 =	simm.s32 $0xFFFFFFFF;
	p2 =	slt.u32 s8, $0xFFFFF086  }
0x1c: {  	p1 =	slt.u32 s9, $0xF7A;
	s5 =	simm.s32 @!p2 $0x0  }
0x1d: {  	s5 =	simm.s32 @p1 $0x1;
	p0 =	seq.s32 s7, s2  }
0x1e: {  	s7 =	smul.u32 @!p0 $0xF7A, s2;
	p2 =	seq.s32 @!p0 s5, $0x0  }
0x1f: {  	s9 =	smul.u32 $0xF7A, s1;
	s8 =	simm.s32 @!p0 $0x1BF5;
	p2 =	por !p2, p0  }
0x20: {  	[sflag:s8] =	ssyncset.s32 @!p0 $0xFFFFF086;
	s6 =	sadd.s32 @!p0 s3, s7;
	s7 =	simm.s32 @!p0 $0x108  }
0x21: {  	s3 =	sadd.s32 s3, s9;
	s6 =	sadd.s32 @!p0 $0x88, s6;
	s7 =	simm.s32 @p2 $0x1082  }
0x22: {  	[simem:s7], [sflag:s8] =	dma.local @!p0 [hbm:s6], $0xF7A  }
0x23: {  	s9 =	sor.u32 $0xD0000000, s2;
	s6 =	simm.s32 $0x108;
	_ =	swait.ge @!p0 [sflag:s8], $0x0  }
0x24: {  	s3 =	sadd.s32 $0x88, s3;
	s6 =	simm.s32 @!p1 $0x1082;
	[sflag:s4] =	ssyncset.s32 $0xFFFFF086  }
0x25: {  	[simem:s6], [sflag:s4] =	dma.local [hbm:s3], $0xF7A  }
0x26: {  	[smem:$0x3F9B] =	sst s1;
	(tag) =	ssettag s2;
	_ =	strace s9  }
0x27: {  	s1 =	sld [smem:$0x3FAB]  }
0x28: {  	s2 =	sld [smem:$0x3FAC]  }
0x29: {  	s4 =	sld [smem:$0x3FAE]  }
0x2a: {  	p0 =	seq.s32 s5, $0x0;
	s5 =	sld [smem:$0x3FAF]  }
0x2b: {  	s6 =	sld [smem:$0x3FB0]  }
0x2c: {  	s7 =	sld [smem:$0x3FB1]  }
0x2d: {  	s3 =	simm.s32 $0x108;
	s8 =	sld [smem:$0x3FB2]  }
0x2e: {  	s3 =	simm.s32 @!p0 $0x1082;
	s9 =	sld [smem:$0x3FB3]  }
0x2f: {  	lr =	sadd.s32 s0, s3;
	s0 =	sld [smem:$0x3FAA]  }
0x30: {  	s3 =	sld [smem:$0x3FAD]  }
0x31: {  	[smem:$0x3FB6] =	sst s10  }
0x32: {  	s10 =	sld [smem:$0x3FB4];
	_ =	sdelay $0x3  }
0x33: {  	p0 =	seq.s32 s10, $0x1;
	s10 =	sld [smem:$0x3FB6];
	_ =	sdelay $0x3  }
0x34: {  	[smem:$0x3FB6] =	sst s10  }
0x35: {  	s10 =	sld [smem:$0x3FB5];
	_ =	sdelay $0x3  }
0x36: {  	p1 =	seq.s32 s10, $0x1;
	s10 =	sld [smem:$0x3FB6];
	_ =	sdelay $0x3  }
0x37: {  	[smem:$0x3FB6] =	sst s10  }
0x38: {  	s10 =	sld [smem:$0x3FB7]  }
0x39: {  	_ = 	snop;
	(pc) =	sbr.ind lr, $3  }
0x3a: {  	_ = 	snop  }
0x3b: {  	_ = 	snop  }
0x3c: {  	p2 =	seq.s32 s10, $0x1;
	s10 =	sld [smem:$0x3FB6]  }
0x3d: {  	_ =	shalt  }
0x3e: {  	_ =	shalt  }
0x3f: {  	_ =	shalt  }
0x40: {  	_ =	shalt  }
0x41: {  	_ =	shalt  }
0x42: {  	_ =	shalt  }
0x43: {  	_ =	shalt  }
0x44: {  	_ =	shalt  }
0x45: {  	_ =	shalt  }
0x46: {  	_ =	shalt  }
0x47: {  	_ =	shalt  }
0x48: {  	_ =	shalt  }
0x49: {  	_ =	shalt  }
0x4a: {  	_ =	shalt  }
0x4b: {  	_ =	shalt  }
0x4c: {  	_ =	shalt  }
0x4d: {  	_ =	shalt  }
0x4e: {  	_ =	shalt  }
0x4f: {  	_ =	shalt  }
0x50: {  	_ =	shalt  }
0x51: {  	_ =	shalt  }
0x52: {  	_ =	shalt  }
0x53: {  	_ =	shalt  }
0x54: {  	_ =	shalt  }
0x55: {  	_ =	shalt  }
0x56: {  	_ =	shalt  }
0x57: {  	_ =	shalt  }
0x58: {  	_ =	shalt  }
0x59: {  	_ =	shalt  }
0x5a: {  	_ =	shalt  }
0x5b: {  	_ =	shalt  }
0x5c: {  	_ =	shalt  }
0x5d: {  	_ =	shalt  }
0x5e: {  	_ =	shalt  }
0x5f: {  	_ =	shalt  }
0x60: {  	_ =	shalt  }
0x61: {  	_ =	shalt  }
0x62: {  	_ =	shalt  }
0x63: {  	_ =	shalt  }
0x64: {  	_ =	shalt  }
0x65: {  	_ =	shalt  }
0x66: {  	_ =	shalt  }
0x67: {  	_ =	shalt  }
0x68: {  	_ =	shalt  }
0x69: {  	_ =	shalt  }
0x6a: {  	_ =	shalt  }
0x6b: {  	_ =	shalt  }
0x6c: {  	_ =	shalt  }
0x6d: {  	_ =	shalt  }
0x6e: {  	_ =	shalt  }
0x6f: {  	_ =	shalt  }
0x70: {  	_ =	shalt  }
0x71: {  	_ =	shalt  }
0x72: {  	_ =	shalt  }
0x73: {  	_ =	shalt  }
0x74: {  	_ =	shalt  }
0x75: {  	_ =	shalt  }
0x76: {  	_ =	shalt  }
0x77: {  	_ =	shalt  }
0x78: {  	_ =	shalt  }
0x79: {  	_ =	shalt  }
0x7a: {  	_ =	shalt  }
0x7b: {  	_ =	shalt  }
0x7c: {  	_ =	shalt  }
0x7d: {  	_ =	shalt  }
0x7e: {  	_ =	shalt  }
0x7f: {  	_ =	shalt  }
0x80: {  	_ =	shalt  }
0x81: {  	_ =	shalt  }
0x82: {  	_ =	shalt  }
0x83: {  	_ =	shalt  }
0x84: {  	_ =	shalt  }
0x85: {  	_ =	shalt  }
0x86: {  	_ =	shalt  }
0x87: {  	_ =	shalt  }
.Lfunc_end0:
.L_simem_size_0:
called_computation_lowered:
.L_overlay_start_0:
0x88: {  	s2 =	sld [smem:$0x3FD9]  }
0x89: {  	s3 =	sld [smem:$0x3FFE];
	_ =	sdelay $0x1  }
0x8a: {  	s1 =	srdreg.scid  }
0x8b: {  	s0 =	sand.u32 $0x1, s1  }
0x8c: {  	s16 =	sshll.u32 s0, $0xA;
	s2 =	sadd.s32 s3, s2  }
0x8d: {  	s2 =	sadd.s32 s2, s16  }
0x8e: {  	[smem:$0x3FC2] =	sst s2  }
0x8f: {  	_ = 	snop  }
0x90: {  	(tm) =	ssettm $0x1  }
0x91: {  	s17 =	sld [smem:$0x3FFB];
	_ =	sdelay $0x3  }
0x92: {  	_ =	strace s17  }
0x93: {  	s2 =	sld [smem:$0x3FFC];
	_ =	sdelay $0x3  }
0x94: {  	_ =	strace s2  }
0x95: {  	s2 =	sld [smem:$0x3FFD];
	_ =	sdelay $0x3  }
0x96: {  	_ =	strace s2  }
0x97: {  	_ =	strace $0x8FFFFFFF  }
0x98: {  	s18 =	sld [smem:$0x3FDB];
	_ =	sdelay $0x1  }
0x99: {  	s19 =	simm.s32 $_scs_section_size  }
0x9a: {  	s4 =	simm.s32 $_size__tile_overlayer_lowered;
	s5 =	simm.s32 $_tile_overlayer_lowered  }
0x9b: {  	s22 =	simm.s32 $0x1BFF;
	s21 =	sshll.u32 s5, $0x1;
	s2 =	sadd.s32 s19, s18  }
0x9c: {  	s6 =	simm.s32 $0x0;
	s20 =	sshll.u32 s4, $0x1;
	s4 =	sadd.s32 s21, s2  }
0x9d: {  	[timem:s6], [sflag:s22] =	dma.local [hbm:s4], s20  }
0x9e: {  	_ =	swait.ge [sflag:s22], s20  }
0x9f: {  	s3 =	ssub.s32 $0x0, s20;
	[sflag:s22] =	ssyncset.done $0x0  }
0xa0: {  	[sflag:s22] =	ssyncadd.s32 s3;
	_ =	sdelay $0x1  }
0xa1: {  	s23 =	simm.s32 $0x1B8B  }
0xa2: {  	_ =	swait.ge [sflag:s23], $0x1  }
0xa3: {  	[sflag:s23] =	ssyncset.done $0x0  }
0xa4: {  	s25 =	simm.s32 $0x1B8E;
	s24 =	sld [smem:$0x3FFE];
	[sflag:s23] =	ssyncadd.s32 $0xFFFFFFFF  }
0xa5: {  	s26 =	simm.s32 $execute0_lowered;
	[smem:$0x3FD2] =	sst s25  }
0xa6: {  	s4 =	sshll.u32 s26, $0x1;
	_ =	strace $0x80000046;
	[dreg:$0x1] =	wrdreg $0xFFFFFFFF  }
0xa7: {  	s28 =	simm.s32 $_size_execute0_lowered;
	s2 =	sadd.s32 s2, s4;
	[dreg:$0x0] =	wrdreg $0x0  }
0xa8: {  	s4 =	sshll.u32 s28, $0x1;
	[dreg:$0x2] =	wrdreg s2  }
0xa9: {  	[dreg:$0x3] =	wrdreg s4  }
0xaa: {  	[dreg:$0x4] =	wrdreg $0xC0  }
0xab: {  	_ =	task [dreg:s6], $0x5FFFF  }
0xac: {  	[dreg:$0x1] =	wrdreg $0xFFFFFFFF  }
0xad: {  	[dreg:$0x0] =	wrdreg $0x60  }
0xae: {  	[dreg:$0x2] =	wrdreg s24  }
0xaf: {  	[dreg:$0x3] =	wrdreg $0x9  }
0xb0: {  	_ =	task.clear_ibuf [dreg:s6], $0x4FFFF;
	_ =	strace $0x90000046  }
0xb1: {  	s29 =	simm.s32 $0x9;
	_ =	strace $0x80000048  }
0xb2: {  	_ =	swait.ge [sflag:s29], $0x1  }
0xb3: {  	[sflag:s29] =	ssyncadd.s32 $0xFFFFFFFF  }
0xb4: {  	_ =	strace $0x90000048  }
0xb5: {  	_ =	sfence  }
0xb6: {  	s30 =	sld [smem:$0x0];
	_ =	sdelay $0x2  }
0xb7: {  	s31 =	sshll.u32 s1, $0xD;
	s1 =	sshrl.u32 s1, $0x2  }
0xb8: {  	s3 =	sand.u32 $0x4000, s31;
	s1 =	sadd.s32 s1, s30  }
0xb9: {  	s0 =	sor.u32 s3, s0;
	s1 =	sshll.u32 s1, $0x11  }
0xba: {  	s0 =	sor.u32 s1, s0  }
0xbb: {  	s0 =	sadd.s32 $0x8F2B, s0  }
0xbc: {  	[sflag:s0] =	ssyncadd.remote.s32 $0x1  }
0xbd: {  	_ =	sfence.sel $0xFFFF  }
0xbe: {  	[dreg:$0x0] =	wrdreg $0xFFFFFFFF;
	(pc) =	sbr.abs _section_cstart, $3  }
0xbf: {  	[dreg:$0x1] =	wrdreg $0xFFFFFFFF  }
0xc0: {  	_ =	task.clear_ibuf [dreg:s6], $0x2FFFF;
	_ =	strace $0x9FFFFFFF  }
0xc1: {  	(tm) =	ssettm $0x7FFFFFFF  }
tec
execute0_lowered:
.L_overlay_start_1:
0x0: {  	(tag) =	ssettag $0x1  }
0x1: {  	s0 =	srdreg.scid  }
0x2: {  	s1 =	stileid.u32;
	s6 =	rddreg [dreg:$0x0];
	s3 =	simm.s32 $0x0  }
0x3: {  	s10 =	simm.s32 $0x80;
	s11 =	simm.s32 $0x400;
	s13 =	simm.s32 $0x5000  }
0x4: {  	s14 =	simm.s32 $0x1;
	s15 =	simm.s32 $0xF700;
	s16 =	simm.s32 $0xFF00  }
0x5: {  	s17 =	simm.s32 $0x10700;
	s18 =	simm.s32 $0x10F00;
	s19 =	simm.s32 $0x2  }
0x6: {  	s20 =	simm.s32 $0x11700;
	s21 =	simm.s32 $0x11F00;
	s22 =	simm.s32 $0x12700  }
0x7: {  	s23 =	simm.s32 $0x12F00;
	s0 =	sand.u32 $0x1, s0;
	s1 =	sshll.u32 s1, $0x1  }
0x8: {  	s24 =	simm.s32 $0x3;
	s25 =	simm.s32 $0x4;
	s1 =	sor.u32 s0, s1  }
0x9: {  	[smem:$0x7FF] =	sst s3;
	s0 =	ssub.s32 $0x2, s0;
	s2 =	smul.u32 $0x50, s1  }
0xa: {  	s5 =	sadd.s32 $0x400, s6;
	s1 =	smul.u32 $0x1400, s1;
	s8 =	sshrl.u32 s0, $0x1  }
0xb: {  	_ =	strace $0x80000047;
	s0 =	ssub.s32 s0, s8;
	s4 =	sshrl.u32 s2, $0x3  }
0xc: {  	s1 =	sadd.s32 s1, s6;
	s0 =	smax.u32 s0, $0x1;
	s7 =	smul.u32 $0x5000, s4  }
0xd: {  	v0 =	vlaneseq.u32;
	v1 =	vimm.s32 $0xF;
	v2 =	vimm.s32 $0xFFFFFFFF;
	s4 =	sadd.s32 $0x138C00, s6;
	s1 =	sadd.s32 $0x778C00, s1;
	[dreg:$0x4] =	wrdreg s0  }
0xe: {  	v3 =	vimm.s32 $0x4FFF;
	vm0 =	vmmov $0xffff;
	v5 =	vshrl.u32 v0, $0x3;
	[dreg:$0x3] =	wrdreg s1;
	s1 =	simm.s32 $0x5;
	s7 =	sadd.s32 s4, s7  }
0xf: {  	v4 =	vand.u32 $0x7, v0;
	v6 =	vor.u32 $0x8, v0;
	v5 =	vmul.u32 $0x8, v5;
	[dreg:$0x2] =	wrdreg s7;
	s7 =	sadd.s32 $0x500, s6;
	s6 =	simm.s32 $0x0  }
.LBB2_1:
0x10: {  	[dreg:$0x5] =	wrdreg s6  }
0x11: {  	s0 =	rddreg [dreg:$0x2]  }
0x12: {  	[tilespmem:s3], [sflag:$0x5] =	stream.strided.gather [hbm4b:s0+s10], $0x5000, s11, s10, $0x38;
	[tilespmem:$0x1D700] =	vst v63  }
0x13: {  	_ =	swait.ge [sflag:s1], $0x5000  }
0x14: {  	[sflag:s1] =	ssyncset.done $0x0  }
0x15: {  	s29 =	simm.s32 $0x0;
	[sflag:s1] =	ssyncadd.s32 $0xFFFFB000  }
.LBB2_2:
0x16: {  	s0 =	sshll.u32 s29, $0x1  }
0x17: {  	s30 =	sadd.s32 s2, s0  }
0x18: {  	s0 =	sshrl.u32 s30, $0x3  }
0x19: {  	s1 =	sshll.u32 s29, $0x8;
	s0 =	smul.u32 $0x28000, s0  }
0x1a: {  	s1 =	sand.u32 $0x300, s1  }
0x1b: {  	s0 =	sor.u32 s0, s1  }
0x1c: {  	s0 =	sor.u32 $0x80, s0  }
0x1d: {  	s0 =	sshrl.u32 s0, $0x3  }
0x1e: {  	s28 =	simm.s32 $0x100;
	s0 =	sadd.s32 s4, s0  }
0x1f: {  	[tilespmem:s13], [sflag:$0x2] =	stream.strided.gather [hbm4b:s0+s10], $0x5000, s11, s10, $0x38;
	[tilespmem:$0x1D700] =	vst v63  }
0x20: {  	v7 =	vld [tilespmem:s28+$0x30]  }
0x21: {  	v10 =	vld [tilespmem:s28+$0xFFFFFF00]  }
0x22: {  	v14 =	vld [tilespmem:s28+$0xFFFFFF10]  }
0x23: {  	v8 =	vld [tilespmem:s28+$0xF0]  }
0x24: {  	v16 =	vld [tilespmem:s28+$0xFFFFFF30]  }
0x25: {  	v17 =	vld [tilespmem:s28+$0xFFFFFF20]  }
0x26: {  	v18 =	vld [tilespmem:s28+$0xFFFFFF40]  }
0x27: {  	v9 =	vld [tilespmem:s28+$0xE0]  }
0x28: {  	v22 =	vld [tilespmem:s28+$0xD0]  }
0x29: {  	v19 =	vld [tilespmem:s28+$0xFFFFFF50]  }
0x2a: {  	v15 =	vld [tilespmem:s28+$0xFFFFFF60]  }
0x2b: {  	v23 =	vld [tilespmem:s28+$0x70]  }
0x2c: {  	v20 =	vld [tilespmem:s28+$0xFFFFFF70]  }
0x2d: {  	v24 =	vld [tilespmem:s28+$0xC0]  }
0x2e: {  	v25 =	vld [tilespmem:s28+$0x60]  }
0x2f: {  	v11 =	vld [tilespmem:s28+$0xFFFFFF80]  }
0x30: {  	v21 =	vld [tilespmem:s28+$0xFFFFFF90]  }
0x31: {  	v26 =	vld [tilespmem:s28+$0xFFFFFFA0]  }
0x32: {  	v27 =	vld [tilespmem:s28+$0xFFFFFFF0]  }
0x33: {  	v28 =	vld [tilespmem:s28+$0xFFFFFFE0]  }
0x34: {  	v29 =	vld [tilespmem:s28+$0xFFFFFFB0]  }
0x35: {  	v12 =	vld [tilespmem:s28+$0x50]  }
0x36: {  	v30 =	vld [tilespmem:s28+$0xFFFFFFC0]  }
0x37: {  	v31 =	vld [tilespmem:s28+$0xFFFFFFD0]  }
0x38: {  	v13 =	vld [tilespmem:s28+$0x10]  }
0x39: {  	v9 =	vmin.f32 v9, v8;
	v8 =	vmin.f32 v11, v21;
	v11 =	vld [tilespmem:s28+$0x80]  }
0x3a: {  	v21 =	vmin.f32 v15, v20;
	v27 =	vmin.f32 v28, v27;
	v20 =	vmin.f32 v26, v29;
	v15 =	vld [tilespmem:s28+$0xB0]  }
0x3b: {  	v18 =	vmin.f32 v18, v19;
	v16 =	vmin.f32 v17, v16;
	v19 =	vld [tilespmem:s28+$0x40];
	v10 =	vmin.f32 v10, v14  }
0x3c: {  	v14 =	vmin.f32 v30, v31;
	v26 =	vmin.f32 v8, v20;
	v8 =	vimm.f32 $3.000000010e+38;
	v20 =	vld [tilespmem:s28+$0x20]  }
0x3d: {  	v16 =	vmin.f32 v10, v16;
	v17 =	vmin.f32 v18, v21;
	v14 =	vmin.f32 v14, v27;
	v21 =	vld [tilespmem:s28+$0x0]  }
0x3e: {  	s31 =	simm.s32 $0x0;
	v10 =	vmin.f32 v24, v22;
	v22 =	vld [tilespmem:s28+$0xA0];
	v17 =	vmin.f32 v16, v17;
	v18 =	vmin.f32 v26, v14  }
0x3f: {  	s26 =	simm.s32 $0x300;
	s1 =	simm.s32 $0xA010;
	s0 =	simm.s32 $0xA010;
	v14 =	vmin.f32 v25, v23;
	v23 =	vld [tilespmem:s28+$0x90];
	v16 =	vmin.f32 v17, v18;
	v17 =	vmin.f32 v8, v17  }
.LBB2_3:
0x40: {  	v24 =	vld [tilespmem:s26+$0x30];
	s31 =	sadd.s32 $0x2, s31;
	v12 =	vmin.f32 v19, v12;
	s1 =	sadd.s32 $0x20, s1  }
0x41: {  	v25 =	vld [tilespmem:s26+$0xFFFFFF00];
	p0 =	slt.u32 s31, $0x4E;
	v7 =	vmin.f32 v20, v7  }
0x42: {  	v20 =	vld [tilespmem:s26+$0xFFFFFF10];
	v13 =	vmin.f32 v21, v13  }
0x43: {  	v19 =	vld [tilespmem:s26+$0xF0];
	v15 =	vmin.f32 v22, v15;
	v13 =	vmin.f32 v13, v7  }
0x44: {  	v9 =	vmin.f32 v10, v9;
	v12 =	vmin.f32 v12, v14;
	v21 =	vld [tilespmem:s26+$0xFFFFFF30];
	v11 =	vmin.f32 v11, v23  }
0x45: {  	v8 =	vmin.f32 v8, v18;
	v22 =	vld [tilespmem:s26+$0xFFFFFF20];
	v10 =	vmin.f32 v11, v15;
	v11 =	vmin.f32 v13, v12;
	v7 =	vmovc v24  }
0x46: {  	v15 =	vld [tilespmem:s26+$0xFFFFFF40];
	[tilespmem:s0+$0xFFFFFFF0] =	vst v16;
	v9 =	vmin.f32 v10, v9;
	v17 =	vmin.f32 v17, v11  }
0x47: {  	v10 =	vld [tilespmem:s26+$0xE0];
	v11 =	vmin.f32 v11, v9;
	v8 =	vmin.f32 v8, v9  }
0x48: {  	v12 =	vld [tilespmem:s26+$0xD0];
	[tilespmem:s0+$0x0] =	vst v11;
	s0 =	smov.u32 s1  }
0x49: {  	v11 =	vld [tilespmem:s26+$0xFFFFFF50]  }
0x4a: {  	v13 =	vld [tilespmem:s26+$0xFFFFFF60]  }
0x4b: {  	v14 =	vld [tilespmem:s26+$0x70]  }
0x4c: {  	v16 =	vld [tilespmem:s26+$0xFFFFFF70];
	v9 =	vmin.f32 v10, v19  }
0x4d: {  	v10 =	vld [tilespmem:s26+$0xC0]  }
0x4e: {  	v18 =	vld [tilespmem:s26+$0x60]  }
0x4f: {  	v19 =	vld [tilespmem:s26+$0xFFFFFF80]  }
0x50: {  	v23 =	vld [tilespmem:s26+$0xFFFFFF90]  }
0x51: {  	v24 =	vld [tilespmem:s26+$0xFFFFFFA0]  }
0x52: {  	v26 =	vld [tilespmem:s26+$0xFFFFFFF0];
	v10 =	vmin.f32 v10, v12  }
0x53: {  	v27 =	vld [tilespmem:s26+$0xFFFFFFE0];
	v14 =	vmin.f32 v18, v14  }
0x54: {  	v18 =	vld [tilespmem:s26+$0xFFFFFFB0]  }
0x55: {  	v19 =	vmin.f32 v19, v23;
	v12 =	vld [tilespmem:s26+$0x50]  }
0x56: {  	v23 =	vld [tilespmem:s26+$0xFFFFFFC0]  }
0x57: {  	v16 =	vmin.f32 v13, v16;
	v28 =	vld [tilespmem:s26+$0xFFFFFFD0]  }
0x58: {  	v26 =	vmin.f32 v27, v26;
	v13 =	vld [tilespmem:s26+$0x10]  }
0x59: {  	v27 =	vmin.f32 v15, v11;
	v15 =	vmin.f32 v24, v18;
	v11 =	vld [tilespmem:s26+$0x80]  }
0x5a: {  	v18 =	vmin.f32 v19, v15;
	v15 =	vld [tilespmem:s26+$0xB0]  }
.Ltmp0:
0x5b: {  	v21 =	vmin.f32 v22, v21;
	v19 =	vld [tilespmem:s26+$0x40];
	(pc) =	sbr.rel @p0 .LBB2_3-.Ltmp0, $4  }
0x5c: {  	v22 =	vmin.f32 v25, v20;
	v23 =	vmin.f32 v23, v28;
	v20 =	vld [tilespmem:s26+$0x20]  }
0x5d: {  	v22 =	vmin.f32 v22, v21;
	v16 =	vmin.f32 v27, v16;
	v23 =	vmin.f32 v23, v26;
	v21 =	vld [tilespmem:s26+$0x0]  }
0x5e: {  	v24 =	vmin.f32 v22, v16;
	v18 =	vmin.f32 v18, v23;
	v22 =	vld [tilespmem:s26+$0xA0]  }
0x5f: {  	v17 =	vmin.f32 v17, v24;
	v16 =	vmin.f32 v24, v18;
	v23 =	vld [tilespmem:s26+$0x90];
	s26 =	sadd.s32 $0x200, s26  }
0x60: {  	_ =	sdelay $0x1  }
0x61: {  	v12 =	vmin.f32 v19, v12  }
0x62: {  	v7 =	vmin.f32 v20, v7;
	v12 =	vmin.f32 v12, v14;
	v13 =	vmin.f32 v21, v13  }
0x63: {  	v15 =	vmin.f32 v22, v15;
	v7 =	vmin.f32 v13, v7;
	v11 =	vmin.f32 v11, v23  }
0x64: {  	v9 =	vmin.f32 v10, v9;
	v7 =	vmin.f32 v7, v12;
	v60 =	vmin.f32 v11, v15  }
0x65: {  	v8 =	vmin.f32 v8, v18;
	v61 =	vmin.f32 v17, v7;
	v9 =	vmin.f32 v60, v9  }
0x66: {  	(xrf1) =	vsort.ascd.msk.f32 $0xffff, v61, v0;
	v8 =	vmin.f32 v8, v9  }
0x67: {  	(xrf1) =	vsort.dscd.msk.f32 $0xffff, v8, v0;
	_ =	sdelay $0xc  }
0x68: {  	v8, _, _ =	vpop (xrf1)  }
0x69: {  	v62, _, _ =	vpop (xrf1)  }
0x6a: {  	v8 =	vmin.f32 v8, v62  }
0x6b: {  	(xrf0) =	vmax.scan.msk.f32 $0xffff, v8;
	_ =	sdelay $0x5  }
0x6c: {  	v8, _, _ =	vpop (xrf0)  }
.Ltmp1:
0x6d: {  	v8 =	vperm.xlane v8, v1;
	(pc) =	sbr.rel .LBB2_5-.Ltmp1, $4  }
0x6e: {  	_ = 	snop  }
0x6f: {  	vm1 =	vge.f32 v8, $0.0e+00  }
0x70: {  	[tilespmem:s0+$0xFFFFFFF0] =	vst v16;
	s6 =	simm.s32 $0x0;
	v7 =	vmin.f32 v7, v9;
	v63 =	vsel vm1, $0x1, v2  }
0x71: {  	s31 =	simm.s32 $0xF0;
	s1 =	simm.s32 $0xA000;
	[tilespmem:s0+$0x0] =	vst v7;
	s0 =	simm.s32 $0x80;
	v7 =	vadd.s32 v8, v63  }
.LBB2_7:
0x72: {  	s31 =	sadd.s32 $0x100, s31  }
0x73: {  	p0 =	sne.s32 s31, $0x50F0  }
.Ltmp2:
0x74: {  	_ = 	snop;
	(pc) =	sbr.rel @!p0 .LBB2_8-.Ltmp2, $2  }
0x75: {  	_ =	sdelay $0x2  }
0x76: {  	s1 =	sadd.s32 $0x10, s1;
	s0 =	sadd.s32 $0x100, s0  }
.LBB2_5:
0x77: {  	v8 =	vld [tilespmem:s1+$0x0];
	_ =	sdelay $0x4  }
0x78: {  	vm1 =	vlt.f32 v8, v7  }
0x79: {  	v8 =	vmpcnt.ones.xlane vm1;
	_ =	sdelay $0x1  }
0x7a: {  	(v2sf) =	vpush v8, $0x0;
	_ =	sdelay $0xe  }
0x7b: {  	s8 =	spop (v2sf)  }
0x7c: {  	p0 =	slt.s32 s8, $0x1  }
.Ltmp3:
0x7d: {  	_ = 	snop;
	(pc) =	sbr.rel @p0 .LBB2_7-.Ltmp3, $1  }
0x7e: {  	_ =	sdelay $0x3  }
0x7f: {  	v8 =	vld [tilespmem:s0+$0xFFFFFF80];
	_ =	sdelay $0x3  }
0x80: {  	s8 =	sadd.s32 $0xFFFFFF10, s31  }
0x81: {  	vm1 =	vlt.f32 v8, v7;
	v8 =	vor.u32 s8, v0  }
0x82: {  	[tilespmem:s6+$0xA500] =	vst.msk vm1, v8;
	v8 =	vmpcnt.ones.xlane vm1  }
0x83: {  	v9 =	vld [tilespmem:s0+$0xFFFFFF90]  }
0x84: {  	(v2sf) =	vpush v8, $0x0;
	_ =	sdelay $0x3  }
0x85: {  	vm1 =	vlt.f32 v9, v7  }
0x86: {  	v8 =	vmpcnt.ones.xlane vm1;
	_ =	sdelay $0x1  }
0x87: {  	(v2sf) =	vpush v8, $0x0;
	_ =	sdelay $0x7  }
0x88: {  	s26 =	sadd.s32 $0xFFFFFF20, s31;
	s28 =	spop (v2sf)  }
0x89: {  	v8 =	vor.u32 s26, v0;
	s8 =	sadd.s32 s6, s28  }
0x8a: {  	[tilespmem:s8+$0xA500] =	vst.msk vm1, v8  }
0x8b: {  	v8 =	vld [tilespmem:s0+$0xFFFFFFA0];
	_ =	sdelay $0x3  }
0x8c: {  	s12 =	sadd.s32 $0xFFFFFF30, s31;
	s9 =	spop (v2sf)  }
0x8d: {  	s6 =	sadd.s32 s8, s9;
	vm1 =	vlt.f32 v8, v7;
	v8 =	vor.u32 s12, v0  }
0x8e: {  	[tilespmem:s6+$0xA500] =	vst.msk vm1, v8;
	v8 =	vmpcnt.ones.xlane vm1  }
0x8f: {  	v57 =	vld [tilespmem:s0+$0xFFFFFFB0]  }
0x90: {  	(v2sf) =	vpush v8, $0x0;
	_ =	sdelay $0x3  }
0x91: {  	vm1 =	vlt.f32 v57, v7  }
0x92: {  	v8 =	vmpcnt.ones.xlane vm1;
	_ =	sdelay $0x1  }
0x93: {  	(v2sf) =	vpush v8, $0x0;
	_ =	sdelay $0x7  }
0x94: {  	s28 =	sadd.s32 $0xFFFFFF40, s31;
	s26 =	spop (v2sf)  }
0x95: {  	v8 =	vor.u32 s28, v0;
	s6 =	sadd.s32 s6, s26  }
0x96: {  	[tilespmem:s6+$0xA500] =	vst.msk vm1, v8  }
0x97: {  	v8 =	vld [tilespmem:s0+$0xFFFFFFC0];
	_ =	sdelay $0x3  }
0x98: {  	s12 =	sadd.s32 $0xFFFFFF50, s31;
	s9 =	spop (v2sf)  }
0x99: {  	s6 =	sadd.s32 s6, s9;
	vm1 =	vlt.f32 v8, v7;
	v8 =	vor.u32 s12, v0  }
0x9a: {  	[tilespmem:s6+$0xA500] =	vst.msk vm1, v8;
	v8 =	vmpcnt.ones.xlane vm1  }
0x9b: {  	v58 =	vld [tilespmem:s0+$0xFFFFFFD0]  }
0x9c: {  	(v2sf) =	vpush v8, $0x0;
	_ =	sdelay $0x3  }
0x9d: {  	vm1 =	vlt.f32 v58, v7  }
0x9e: {  	v8 =	vmpcnt.ones.xlane vm1;
	_ =	sdelay $0x1  }
0x9f: {  	(v2sf) =	vpush v8, $0x0;
	_ =	sdelay $0x7  }
0xa0: {  	s28 =	sadd.s32 $0xFFFFFF60, s31;
	s26 =	spop (v2sf)  }
0xa1: {  	v8 =	vor.u32 s28, v0;
	s6 =	sadd.s32 s6, s26  }
0xa2: {  	[tilespmem:s6+$0xA500] =	vst.msk vm1, v8  }
0xa3: {  	v8 =	vld [tilespmem:s0+$0xFFFFFFE0];
	_ =	sdelay $0x3  }
0xa4: {  	s12 =	sadd.s32 $0xFFFFFF70, s31;
	s9 =	spop (v2sf)  }
0xa5: {  	s6 =	sadd.s32 s6, s9;
	vm1 =	vlt.f32 v8, v7;
	v8 =	vor.u32 s12, v0  }
0xa6: {  	[tilespmem:s6+$0xA500] =	vst.msk vm1, v8;
	v8 =	vmpcnt.ones.xlane vm1  }
0xa7: {  	v59 =	vld [tilespmem:s0+$0xFFFFFFF0]  }
0xa8: {  	(v2sf) =	vpush v8, $0x0;
	_ =	sdelay $0x3  }
0xa9: {  	vm1 =	vlt.f32 v59, v7  }
0xaa: {  	v8 =	vmpcnt.ones.xlane vm1;
	_ =	sdelay $0x1  }
0xab: {  	(v2sf) =	vpush v8, $0x0;
	_ =	sdelay $0x7  }
0xac: {  	s28 =	sadd.s32 $0xFFFFFF80, s31;
	s26 =	spop (v2sf)  }
0xad: {  	v8 =	vor.u32 s28, v0;
	s6 =	sadd.s32 s6, s26  }
0xae: {  	[tilespmem:s6+$0xA500] =	vst.msk vm1, v8  }
0xaf: {  	v8 =	vld [tilespmem:s0+$0x0];
	_ =	sdelay $0x3  }
0xb0: {  	s12 =	sadd.s32 $0xFFFFFF90, s31;
	s9 =	spop (v2sf)  }
0xb1: {  	s6 =	sadd.s32 s6, s9;
	vm1 =	vlt.f32 v8, v7;
	v8 =	vor.u32 s12, v0  }
0xb2: {  	[tilespmem:s6+$0xA500] =	vst.msk vm1, v8;
	v8 =	vmpcnt.ones.xlane vm1  }
0xb3: {  	v60 =	vld [tilespmem:s0+$0x10]  }
0xb4: {  	(v2sf) =	vpush v8, $0x0;
	_ =	sdelay $0x3  }
0xb5: {  	vm1 =	vlt.f32 v60, v7  }
0xb6: {  	v8 =	vmpcnt.ones.xlane vm1;
	_ =	sdelay $0x1  }
0xb7: {  	(v2sf) =	vpush v8, $0x0;
	_ =	sdelay $0x7  }
0xb8: {  	s28 =	sadd.s32 $0xFFFFFFA0, s31;
	s26 =	spop (v2sf)  }
0xb9: {  	v8 =	vor.u32 s28, v0;
	s6 =	sadd.s32 s6, s26  }
0xba: {  	[tilespmem:s6+$0xA500] =	vst.msk vm1, v8  }
0xbb: {  	v8 =	vld [tilespmem:s0+$0x20];
	_ =	sdelay $0x3  }
0xbc: {  	s12 =	sadd.s32 $0xFFFFFFB0, s31;
	s9 =	spop (v2sf)  }
0xbd: {  	s6 =	sadd.s32 s6, s9;
	vm1 =	vlt.f32 v8, v7;
	v8 =	vor.u32 s12, v0  }
0xbe: {  	[tilespmem:s6+$0xA500] =	vst.msk vm1, v8;
	v8 =	vmpcnt.ones.xlane vm1  }
0xbf: {  	v61 =	vld [tilespmem:s0+$0x30]  }
0xc0: {  	(v2sf) =	vpush v8, $0x0;
	_ =	sdelay $0x3  }
0xc1: {  	vm1 =	vlt.f32 v61, v7  }
0xc2: {  	v8 =	vmpcnt.ones.xlane vm1;
	_ =	sdelay $0x1  }
0xc3: {  	(v2sf) =	vpush v8, $0x0;
	_ =	sdelay $0x7  }
0xc4: {  	s28 =	sadd.s32 $0xFFFFFFC0, s31;
	s26 =	spop (v2sf)  }
0xc5: {  	v8 =	vor.u32 s28, v0;
	s6 =	sadd.s32 s6, s26  }
0xc6: {  	[tilespmem:s6+$0xA500] =	vst.msk vm1, v8  }
0xc7: {  	v8 =	vld [tilespmem:s0+$0x40];
	_ =	sdelay $0x3  }
0xc8: {  	s12 =	sadd.s32 $0xFFFFFFD0, s31;
	s9 =	spop (v2sf)  }
0xc9: {  	s6 =	sadd.s32 s6, s9;
	vm1 =	vlt.f32 v8, v7;
	v8 =	vor.u32 s12, v0  }
0xca: {  	[tilespmem:s6+$0xA500] =	vst.msk vm1, v8;
	v8 =	vmpcnt.ones.xlane vm1  }
0xcb: {  	v62 =	vld [tilespmem:s0+$0x50]  }
0xcc: {  	(v2sf) =	vpush v8, $0x0;
	_ =	sdelay $0x3  }
0xcd: {  	vm1 =	vlt.f32 v62, v7  }
0xce: {  	v8 =	vmpcnt.ones.xlane vm1;
	_ =	sdelay $0x1  }
0xcf: {  	(v2sf) =	vpush v8, $0x0;
	_ =	sdelay $0x7  }
0xd0: {  	s28 =	sadd.s32 $0xFFFFFFE0, s31;
	s26 =	spop (v2sf)  }
0xd1: {  	v8 =	vor.u32 s28, v0;
	s6 =	sadd.s32 s6, s26  }
0xd2: {  	[tilespmem:s6+$0xA500] =	vst.msk vm1, v8  }
0xd3: {  	v8 =	vld [tilespmem:s0+$0x60];
	_ =	sdelay $0x3  }
0xd4: {  	s12 =	sadd.s32 $0xFFFFFFF0, s31;
	s9 =	spop (v2sf)  }
0xd5: {  	s6 =	sadd.s32 s6, s9;
	vm1 =	vlt.f32 v8, v7;
	v8 =	vor.u32 s12, v0  }
0xd6: {  	[tilespmem:s6+$0xA500] =	vst.msk vm1, v8  }
0xd7: {  	v8 =	vld [tilespmem:s0+$0x70];
	_ =	sdelay $0x4  }
0xd8: {  	v63 =	vmpcnt.ones.xlane vm1;
	vm1 =	vlt.f32 v8, v7  }
0xd9: {  	v8 =	vmpcnt.ones.xlane vm1  }
0xda: {  	(v2sf) =	vpush v63, $0x0  }
0xdb: {  	(v2sf) =	vpush v8, $0x0;
	_ =	sdelay $0xb  }
.Ltmp4:
0xdc: {  	_ = 	snop;
	(pc) =	sbr.rel .LBB2_7-.Ltmp4, $4  }
0xdd: {  	_ = 	snop  }
0xde: {  	s26 =	spop (v2sf)  }
0xdf: {  	v8 =	vor.u32 s31, v0;
	s6 =	sadd.s32 s6, s26;
	s28 =	spop (v2sf)  }
0xe0: {  	[tilespmem:s6+$0xA500] =	vst.msk vm1, v8;
	s6 =	sadd.s32 s6, s28  }
.LBB2_8:
0xe1: {  	s0 =	sadd.s32 $0xF, s6  }
0xe2: {  	s1 =	sand.u32 $0xF, s0  }
0xe3: {  	s31 =	sshra.s32 s0, $0x1F;
	p1 =	slt.s32 s0, $0x1;
	p0 =	sne.s32 s1, $0x0  }
0xe4: {  	s1 =	sshrl.u32 s31, $0x1C;
	p0 =	por !p1, !p0  }
0xe5: {  	s0 =	sadd.s32 s1, s0;
	s1 =	simm.s32 $0x1;
	p0 =	por !p0, !p0  }
0xe6: {  	s0 =	sshra.s32 s0, $0x4;
	s1 =	simm.s32 @!p0 $0x0  }
0xe7: {  	s0 =	ssub.s32 s0, s1  }
0xe8: {  	p0 =	slt.s32 s0, $0x1  }
.Ltmp5:
0xe9: {  	_ = 	snop;
	(pc) =	sbr.rel @p0 .LBB2_9-.Ltmp5, $2  }
0xea: {  	_ =	sdelay $0x2  }
0xeb: {  	[tilespmem:s6+$0xA500] =	vst v3;
	v7 =	vimm.f32 $3.000000010e+38;
	s1 =	simm.s32 $0xA500  }
0xec: {  	v8 =	vld [tilespmem:s1+$0x0];
	_ =	sdelay $0x7  }
0xed: {  	v9 =	vld.idx.msk [tilespmem:v8+s3+$0x0], $0xffff;
	_ =	sdelay $0x4  }
0xee: {  	vm1 =	vlt.f32 v9, v7  }
0xef: {  	v10 =	vmpcnt.ones.xlane vm1;
	_ =	sdelay $0x1  }
0xf0: {  	(v2sf) =	vpush v10, $0x0;
	_ =	sdelay $0xe  }
0xf1: {  	s6 =	spop (v2sf)  }
0xf2: {  	p1 =	slt.s32 s6, $0x1  }
0xf3: {  	(xrf1) =	vsort.dscd.msk.f32 @!p1 $0xffff, v9, v8;
	_ =	sdelay $0xc  }
0xf4: {  	s26 =	sadd.s32 $0xFFFFFFFF, s0  }
0xf5: {  	p0 =	sne.s32 s26, $0x0;
	v8, _, _ =	vpop @!p1 (xrf1)  }
.Ltmp6:
0xf6: {  	v9 =	vlaneseq.u32 @!p1;
	v8 =	vmin.f32 @!p1 v7, v8;
	(pc) =	sbr.rel @!p0 .LBB2_12-.Ltmp6, $2  }
0xf7: {  	(xrf1) =	vsort.ascd.msk.f32 @!p1 $0xffff, v8, v9;
	_ =	sdelay $0x2  }
0xf8: {  	s31 =	sadd.s32 $0x10, s1;
	v8 =	vimm.f32 $3.000000010e+38  }
.LBB2_11:
0xf9: {  	v9 =	vld [tilespmem:s31+$0x0];
	s26 =	sadd.s32 $0xFFFFFFFF, s26  }
0xfa: {  	p0 =	sne.s32 s26, $0x0;
	_ =	sdelay $0x6  }
0xfb: {  	v10 =	vld.idx.msk [tilespmem:v9+s3+$0x0], $0xffff;
	_ =	sdelay $0x1  }
0xfc: {  	v11 =	vimm.s32 @!p1 $0xF;
	v12, _, _ =	vpop @!p1 (xrf1)  }
0xfd: {  	v11 =	vperm.xlane @!p1 v12, v11;
	v8 =	vpsel p1, v8, v12;
	_ =	sdelay $0x1  }
0xfe: {  	v7 =	vpsel p1, v7, v11  }
0xff: {  	vm1 =	vlt.f32 v10, v7  }
0x100: {  	v11 =	vmpcnt.ones.xlane vm1;
	_ =	sdelay $0x1  }
0x101: {  	(v2sf) =	vpush v11, $0x0;
	_ =	sdelay $0xe  }
0x102: {  	s6 =	spop (v2sf)  }
0x103: {  	p1 =	slt.s32 s6, $0x1  }
0x104: {  	(xrf1) =	vsort.dscd.msk.f32 @!p1 $0xffff, v10, v9;
	_ =	sdelay $0xd  }
0x105: {  	v9, _, _ =	vpop @!p1 (xrf1)  }
.Ltmp7:
0x106: {  	v10 =	vlaneseq.u32 @!p1;
	v9 =	vmin.f32 @!p1 v8, v9;
	(pc) =	sbr.rel @p0 .LBB2_11-.Ltmp7, $2  }
0x107: {  	(xrf1) =	vsort.ascd.msk.f32 @!p1 $0xffff, v9, v10;
	_ =	sdelay $0x2  }
0x108: {  	s31 =	sadd.s32 $0x10, s31  }
.LBB2_12:
0x109: {  	_ =	sdelay $0x7  }
0x10a: {  	p2 =	sne.s32 s0, $0x1  }
.Ltmp8:
0x10b: {  	_ = 	snop;
	(pc) =	sbr.rel @!p2 .LBB2_13-.Ltmp8, $3  }
0x10c: {  	v8 =	vimm.s32 @!p1 $0xF;
	v9, _, _ =	vpop @!p1 (xrf1)  }
0x10d: {  	v8 =	vperm.xlane @!p1 v9, v8;
	_ =	sdelay $0x1  }
0x10e: {  	s26 =	simm.s32 $0x0;
	s0 =	sadd.s32 $0xFFFFFFFF, s0;
	p0 =	por $0x0, $0x0;
	v8 =	vpsel p1, v7, v8;
	v7 =	vld [tilespmem:s1+$0x0]  }
0x10f: {  	_ =	sdelay $0x7  }
0x110: {  	v9 =	vld.idx.msk [tilespmem:v7+s3+$0x0], $0xffff;
	_ =	sdelay $0x3  }
0x111: {  	p1 =	sne.s32 s0, $0x1  }
.Ltmp9:
0x112: {  	vm1 =	vlt.f32 v9, v8;
	(pc) =	sbr.rel @!p1 .LBB2_15-.Ltmp9, $4  }
0x113: {  	vm2 =	veq.f32 v9, v8;
	v9 =	vmpcnt.ones.xlane vm1  }
0x114: {  	v10 =	vmpcnt.ones.xlane vm2;
	[tilespmem:s26+$0xF580] =	vst.msk vm1, v7  }
0x115: {  	s6 =	simm.s32 $0xA510;
	s31 =	sadd.s32 $0xFFFFFFFF, s0;
	[tilespmem:s26+$0xA500] =	vst.msk vm2, v7;
	(v2sf) =	vpush v9, $0x0  }
0x116: {  	p0 =	por $0x1, $0x1;
	s0 =	simm.s32 $0x0;
	s1 =	simm.s32 $0x0;
	v7 =	vld [tilespmem:s6+$0x0];
	(v2sf) =	vpush v10, $0x0  }
.LBB2_16:
0x117: {  	p1 =	sne.s32 s31, $0x1;
	_ =	sdelay $0x6  }
0x118: {  	v9 =	vld.idx.msk [tilespmem:v7+s3+$0x0], $0xffff;
	_ =	sdelay $0x5  }
.Ltmp10:
0x119: {  	vm1 =	vlt.f32 v9, v8;
	vm2 =	veq.f32 v9, v8;
	s8 =	spop (v2sf);
	(pc) =	sbr.rel @p1 .LBB2_16-.Ltmp10, $4  }
0x11a: {  	v9 =	vmpcnt.ones.xlane vm1;
	v10 =	vmpcnt.ones.xlane vm2;
	s0 =	sadd.s32 s0, s8;
	s8 =	spop (v2sf)  }
0x11b: {  	[tilespmem:s0+$0xF580] =	vst.msk vm1, v7;
	s1 =	sadd.s32 s1, s8  }
0x11c: {  	s6 =	sadd.s32 $0x10, s6;
	[tilespmem:s1+$0xA500] =	vst.msk vm2, v7;
	(v2sf) =	vpush v9, $0x0  }
0x11d: {  	s31 =	sadd.s32 $0xFFFFFFFF, s31;
	v7 =	vld [tilespmem:s6+$0x0];
	(v2sf) =	vpush v10, $0x0  }
.LBB2_17:
0x11e: {  	_ =	sdelay $0x7  }
0x11f: {  	v9 =	vld.idx.msk [tilespmem:v7+s3+$0x0], $0xffff;
	_ =	sdelay $0x4  }
0x120: {  	vm1 =	vlt.f32 v9, v8  }
0x121: {  	vm2 =	veq.f32 v9, v8;
	v8 =	vmpcnt.ones.xlane vm1  }
0x122: {  	v9 =	vmpcnt.ones.xlane vm2  }
0x123: {  	(v2sf) =	vpush v8, $0x0  }
0x124: {  	(v2sf) =	vpush v9, $0x0;
	_ =	sdelay $0xa  }
.Ltmp11:
0x125: {  	s6 =	spop @p0 (v2sf);
	(pc) =	sbr.rel .LBB2_18-.Ltmp11, $4  }
0x126: {  	s8 =	spop @p0 (v2sf);
	s0 =	sadd.s32 @p0 s0, s6;
	s6 =	simm.s32 $0x0  }
0x127: {  	s6 =	smov.u32 @p0 s0;
	s0 =	sadd.s32 @p0 s1, s8  }
0x128: {  	[tilespmem:s6+$0xF580] =	vst.msk vm1, v7;
	s26 =	smov.u32 @p0 s0;
	s28 =	spop (v2sf)  }
0x129: {  	[tilespmem:s26+$0xA500] =	vst.msk vm2, v7;
	s0 =	sadd.s32 s6, s28;
	s31 =	spop (v2sf)  }
.LBB2_9:
0x12a: {  	s0 =	simm.s32 $0x0  }
.LBB2_18:
0x12b: {  	v7 =	vld [tilespmem:$0xA500];
	_ =	sdelay $0x4  }
0x12c: {  	[tilespmem:s0+$0xF580] =	vst v7  }
0x12d: {  	v7 =	vld [tilespmem:$0xF580];
	_ =	sdelay $0x4  }
0x12e: {  	v8 =	vshll.u32 v7, $0x2  }
0x12f: {  	v9 =	vand.u32 $0x7, v7;
	v8 =	vand.u32 $0xFFFFFFE0, v8  }
0x130: {  	v8 =	vor.u32 v9, v8  }
0x131: {  	v9 =	vperm.xlane v8, v4;
	_ =	sdelay $0x1  }
0x132: {  	v9 =	vadd.s32 v5, v9;
	_ =	sdelay $0x2  }
0x133: {  	v8 =	vperm.xlane v8, v6  }
0x134: {  	[tilespmem:$0xF600] =	vst v7  }
0x135: {  	v7 =	vadd.s32 v5, v8;
	[tilespmem:s15], [sflag:$0x3] =	stream.indirect_vreg.gather [hbm4b:s5+s3], $0x80, v9, vm0, $0xb8;
	[tilespmem:$0x1D700] =	vst v63  }
0x136: {  	p0 =	seq.s32 s29, $0x0  }
0x137: {  	[tilespmem:s16], [sflag:$0x3] =	stream.indirect_vreg.gather [hbm4b:s7+s3], $0x80, v9, vm0, $0xb8;
	[tilespmem:$0x1D700] =	vst v63  }
.Ltmp12:
0x138: {  	_ = 	snop;
	(pc) =	sbr.rel @p0 .LBB2_22-.Ltmp12, $4  }
0x139: {  	_ = 	snop  }
0x13a: {  	[tilespmem:s17], [sflag:$0x3] =	stream.indirect_vreg.gather [hbm4b:s5+s3], $0x80, v7, vm0, $0xb8;
	[tilespmem:$0x1D700] =	vst v63  }
0x13b: {  	_ = 	snop  }
0x13c: {  	[tilespmem:s18], [sflag:$0x3] =	stream.indirect_vreg.gather [hbm4b:s7+s3], $0x80, v7, vm0, $0xb8;
	[tilespmem:$0x1D700] =	vst v63  }
0x13d: {  	_ =	swait.ge [sflag:s25], $0x2000;
	s1 =	simm.s32 $0x0  }
0x13e: {  	[sflag:s25] =	ssyncset.done $0x0;
	s0 =	sand.u32 $0x70, s1;
	s6 =	sand.u32 $0xC00, s1  }
0x13f: {  	s8 =	sor.u32 s1, s1;
	[sflag:s25] =	ssyncadd.s32 $0xFFFFE000;
	s6 =	sor.u32 s0, s6  }
0x140: {  	s8 =	sor.u32 $0x380, s8;
	v10 =	vld [tilespmem:s6+$0x11700]  }
0x141: {  	v8 =	vld [tilespmem:s8+$0x11700]  }
0x142: {  	v7 =	vld [tilespmem:s6+$0x12700]  }
0x143: {  	v9 =	vld [tilespmem:s6+$0x12780]  }
0x144: {  	v11 =	vld [tilespmem:s6+$0x12800]  }
0x145: {  	v12 =	vld [tilespmem:s6+$0x12880]  }
0x146: {  	v13 =	vld [tilespmem:s6+$0x12900]  }
0x147: {  	v14 =	vld [tilespmem:s6+$0x12980]  }
0x148: {  	v15 =	vld [tilespmem:s6+$0x12A00]  }
0x149: {  	s8 =	sadd.s32 $0x11700, s6;
	v16 =	vld [tilespmem:s6+$0x12A80]  }
0x14a: {  	s28 =	sshll.u32 s29, $0xA;
	v18 =	vld [tilespmem:s8+$0x80]  }
0x14b: {  	s6 =	sand.u32 $0x3FFFFC00, s28;
	v17 =	vld [tilespmem:s8+$0x100]  }
0x14c: {  	s31 =	simm.s32 $0x0;
	s26 =	sadd.s32 $0x13500, s6;
	v19 =	vld [tilespmem:s8+$0x180];
	s6 =	simm.s32 $0x10  }
.LBB2_20:
0x14d: {  	p0 =	sne.s32 s6, $0x1F0;
	v20 =	vld [tilespmem:s8+$0x200];
	s1 =	sadd.s32 $0x80, s1  }
0x14e: {  	s9 =	sand.u32 $0x70, s6;
	s12 =	sand.u32 $0xC00, s1;
	v21 =	vld [tilespmem:s8+$0x280]  }
0x14f: {  	s28 =	sor.u32 s1, s6;
	s12 =	sor.u32 s9, s12;
	v22 =	vld [tilespmem:s8+$0x300]  }
0x150: {  	s8 =	sor.u32 $0x380, s28;
	v23 =	vld [tilespmem:s12+$0x11700]  }
0x151: {  	v24 =	vld [tilespmem:s8+$0x11700]  }
0x152: {  	v25 =	vmax.f32 v7, v9;
	v11 =	vmax.f32 v11, v12;
	v13 =	vmax.f32 v13, v14;
	v7 =	vld [tilespmem:s12+$0x12700]  }
0x153: {  	v14 =	vmax.f32 v15, v16;
	v15 =	vmax.f32 v25, v11;
	v18 =	vmax.f32 v10, v18;
	v9 =	vld [tilespmem:s12+$0x12780]  }
0x154: {  	v16 =	vmax.f32 v17, v19;
	v17 =	vmax.f32 v20, v21;
	v11 =	vld [tilespmem:s12+$0x12800];
	v19 =	vmax.f32 v22, v8  }
0x155: {  	v14 =	vmax.f32 v13, v14;
	s8 =	sand.u32 $0x180, s31;
	s31 =	smov.u32 s6;
	v16 =	vmax.f32 v18, v16;
	v12 =	vld [tilespmem:s12+$0x12880];
	v17 =	vmax.f32 v17, v19;
	v10 =	vmovc v23  }
0x156: {  	v15 =	vmax.f32 v15, v14;
	s8 =	sadd.s32 s8, s26;
	v13 =	vld [tilespmem:s12+$0x12900];
	v16 =	vmax.f32 v16, v17;
	v8 =	vmov v24  }
0x157: {  	s8 =	sadd.s32 s0, s8;
	s0 =	smov.u32 s9;
	v14 =	vld [tilespmem:s12+$0x12980];
	v16 =	vmax.f32 v16, v15  }
.Ltmp13:
0x158: {  	v15 =	vld [tilespmem:s12+$0x12A00];
	[tilespmem:s8+$0x0] =	vst v16;
	(pc) =	sbr.rel @p0 .LBB2_20-.Ltmp13, $4  }
0x159: {  	s8 =	sadd.s32 $0x11700, s12;
	v16 =	vld [tilespmem:s12+$0x12A80]  }
0x15a: {  	v18 =	vld [tilespmem:s8+$0x80]  }
0x15b: {  	v17 =	vld [tilespmem:s8+$0x100]  }
0x15c: {  	s6 =	sadd.s32 $0x10, s6;
	v19 =	vld [tilespmem:s8+$0x180]  }
0x15d: {  	v20 =	vld [tilespmem:s8+$0x200]  }
0x15e: {  	v21 =	vld [tilespmem:s8+$0x280]  }
0x15f: {  	v22 =	vld [tilespmem:s8+$0x300];
	_ =	sdelay $0x2  }
0x160: {  	v7 =	vmax.f32 v7, v9;
	v58 =	vmax.f32 v11, v12;
	v59 =	vmax.f32 v13, v14  }
0x161: {  	v60 =	vmax.f32 v15, v16;
	v7 =	vmax.f32 v7, v58;
	v10 =	vmax.f32 v10, v18  }
0x162: {  	v61 =	vmax.f32 v17, v19;
	v62 =	vmax.f32 v20, v21;
	v8 =	vmax.f32 v22, v8  }
0x163: {  	s1 =	sand.u32 $0x180, s31;
	v63 =	vmax.f32 v59, v60;
	v9 =	vmax.f32 v10, v61;
	v8 =	vmax.f32 v62, v8  }
0x164: {  	s1 =	sadd.s32 s1, s26;
	v7 =	vmax.f32 v7, v63;
	v8 =	vmax.f32 v9, v8  }
0x165: {  	s0 =	sadd.s32 s0, s1;
	v7 =	vmax.f32 v8, v7  }
0x166: {  	[tilespmem:s0+$0x0] =	vst v7  }
.LBB2_22:
0x167: {  	s0 =	smin.u32 s30, $0x9FD  }
0x168: {  	s0 =	sadd.s32 $0x2, s0  }
0x169: {  	s1 =	sshrl.u32 s0, $0x3  }
0x16a: {  	s0 =	sshll.u32 s0, $0x7;
	s1 =	smul.u32 $0x28000, s1  }
0x16b: {  	s0 =	sand.u32 $0x380, s0  }
0x16c: {  	_ =	swait.ge [sflag:s19], $0x5000;
	s0 =	sor.u32 s0, s1  }
0x16d: {  	[sflag:s19] =	ssyncset.done $0x0;
	s0 =	sshrl.u32 s0, $0x3  }
0x16e: {  	s31 =	simm.s32 $0x5100;
	[sflag:s19] =	ssyncadd.s32 $0xFFFFB000;
	s0 =	sadd.s32 s4, s0  }
0x16f: {  	[tilespmem:s3], [sflag:$0x1] =	stream.strided.gather [hbm4b:s0+s10], $0x5000, s11, s10, $0x38;
	[tilespmem:$0x1D700] =	vst v63  }
0x170: {  	v7 =	vld [tilespmem:s31+$0x30]  }
0x171: {  	v10 =	vld [tilespmem:s31+$0xFFFFFF00]  }
0x172: {  	v14 =	vld [tilespmem:s31+$0xFFFFFF10]  }
0x173: {  	v8 =	vld [tilespmem:s31+$0xF0]  }
0x174: {  	v16 =	vld [tilespmem:s31+$0xFFFFFF30]  }
0x175: {  	v17 =	vld [tilespmem:s31+$0xFFFFFF20]  }
0x176: {  	v18 =	vld [tilespmem:s31+$0xFFFFFF40]  }
0x177: {  	v9 =	vld [tilespmem:s31+$0xE0]  }
0x178: {  	v22 =	vld [tilespmem:s31+$0xD0]  }
0x179: {  	v19 =	vld [tilespmem:s31+$0xFFFFFF50]  }
0x17a: {  	v15 =	vld [tilespmem:s31+$0xFFFFFF60]  }
0x17b: {  	v23 =	vld [tilespmem:s31+$0x70]  }
0x17c: {  	v20 =	vld [tilespmem:s31+$0xFFFFFF70]  }
0x17d: {  	v24 =	vld [tilespmem:s31+$0xC0]  }
0x17e: {  	v25 =	vld [tilespmem:s31+$0x60]  }
0x17f: {  	v11 =	vld [tilespmem:s31+$0xFFFFFF80]  }
0x180: {  	v21 =	vld [tilespmem:s31+$0xFFFFFF90]  }
0x181: {  	v26 =	vld [tilespmem:s31+$0xFFFFFFA0]  }
0x182: {  	v27 =	vld [tilespmem:s31+$0xFFFFFFF0]  }
0x183: {  	v28 =	vld [tilespmem:s31+$0xFFFFFFE0]  }
0x184: {  	v29 =	vld [tilespmem:s31+$0xFFFFFFB0]  }
0x185: {  	v12 =	vld [tilespmem:s31+$0x50]  }
0x186: {  	v30 =	vld [tilespmem:s31+$0xFFFFFFC0]  }
0x187: {  	v31 =	vld [tilespmem:s31+$0xFFFFFFD0]  }
0x188: {  	v13 =	vld [tilespmem:s31+$0x10]  }
0x189: {  	v9 =	vmin.f32 v9, v8;
	v8 =	vmin.f32 v11, v21;
	v11 =	vld [tilespmem:s31+$0x80]  }
0x18a: {  	v21 =	vmin.f32 v15, v20;
	v27 =	vmin.f32 v28, v27;
	v20 =	vmin.f32 v26, v29;
	v15 =	vld [tilespmem:s31+$0xB0]  }
0x18b: {  	v18 =	vmin.f32 v18, v19;
	v16 =	vmin.f32 v17, v16;
	v19 =	vld [tilespmem:s31+$0x40];
	v10 =	vmin.f32 v10, v14  }
0x18c: {  	v14 =	vmin.f32 v30, v31;
	v26 =	vmin.f32 v8, v20;
	v8 =	vimm.f32 $3.000000010e+38;
	v20 =	vld [tilespmem:s31+$0x20]  }
0x18d: {  	v16 =	vmin.f32 v10, v16;
	v17 =	vmin.f32 v18, v21;
	v14 =	vmin.f32 v14, v27;
	v21 =	vld [tilespmem:s31+$0x0]  }
0x18e: {  	s30 =	simm.s32 $0x0;
	v10 =	vmin.f32 v24, v22;
	v22 =	vld [tilespmem:s31+$0xA0];
	v17 =	vmin.f32 v16, v17;
	v18 =	vmin.f32 v26, v14  }
0x18f: {  	s26 =	simm.s32 $0x5300;
	s1 =	simm.s32 $0xA010;
	s0 =	simm.s32 $0xA010;
	v14 =	vmin.f32 v25, v23;
	v23 =	vld [tilespmem:s31+$0x90];
	v16 =	vmin.f32 v17, v18;
	v17 =	vmin.f32 v8, v17  }
.LBB2_23:
0x190: {  	v24 =	vld [tilespmem:s26+$0x30];
	s30 =	sadd.s32 $0x2, s30;
	v12 =	vmin.f32 v19, v12;
	s1 =	sadd.s32 $0x20, s1  }
0x191: {  	v25 =	vld [tilespmem:s26+$0xFFFFFF00];
	p0 =	slt.u32 s30, $0x4E;
	v7 =	vmin.f32 v20, v7  }
0x192: {  	v20 =	vld [tilespmem:s26+$0xFFFFFF10];
	v13 =	vmin.f32 v21, v13  }
0x193: {  	v19 =	vld [tilespmem:s26+$0xF0];
	v15 =	vmin.f32 v22, v15;
	v13 =	vmin.f32 v13, v7  }
0x194: {  	v9 =	vmin.f32 v10, v9;
	v12 =	vmin.f32 v12, v14;
	v21 =	vld [tilespmem:s26+$0xFFFFFF30];
	v11 =	vmin.f32 v11, v23  }
0x195: {  	v8 =	vmin.f32 v8, v18;
	v22 =	vld [tilespmem:s26+$0xFFFFFF20];
	v10 =	vmin.f32 v11, v15;
	v11 =	vmin.f32 v13, v12;
	v7 =	vmovc v24  }
0x196: {  	v15 =	vld [tilespmem:s26+$0xFFFFFF40];
	[tilespmem:s0+$0xFFFFFFF0] =	vst v16;
	v9 =	vmin.f32 v10, v9;
	v17 =	vmin.f32 v17, v11  }
0x197: {  	v10 =	vld [tilespmem:s26+$0xE0];
	v11 =	vmin.f32 v11, v9;
	v8 =	vmin.f32 v8, v9  }
0x198: {  	v12 =	vld [tilespmem:s26+$0xD0];
	[tilespmem:s0+$0x0] =	vst v11;
	s0 =	smov.u32 s1  }
0x199: {  	v11 =	vld [tilespmem:s26+$0xFFFFFF50]  }
0x19a: {  	v13 =	vld [tilespmem:s26+$0xFFFFFF60]  }
0x19b: {  	v14 =	vld [tilespmem:s26+$0x70]  }
0x19c: {  	v16 =	vld [tilespmem:s26+$0xFFFFFF70];
	v9 =	vmin.f32 v10, v19  }
0x19d: {  	v10 =	vld [tilespmem:s26+$0xC0]  }
0x19e: {  	v18 =	vld [tilespmem:s26+$0x60]  }
0x19f: {  	v19 =	vld [tilespmem:s26+$0xFFFFFF80]  }
0x1a0: {  	v23 =	vld [tilespmem:s26+$0xFFFFFF90]  }
0x1a1: {  	v24 =	vld [tilespmem:s26+$0xFFFFFFA0]  }
0x1a2: {  	v26 =	vld [tilespmem:s26+$0xFFFFFFF0];
	v10 =	vmin.f32 v10, v12  }
0x1a3: {  	v27 =	vld [tilespmem:s26+$0xFFFFFFE0];
	v14 =	vmin.f32 v18, v14  }
0x1a4: {  	v18 =	vld [tilespmem:s26+$0xFFFFFFB0]  }
0x1a5: {  	v19 =	vmin.f32 v19, v23;
	v12 =	vld [tilespmem:s26+$0x50]  }
0x1a6: {  	v23 =	vld [tilespmem:s26+$0xFFFFFFC0]  }
0x1a7: {  	v16 =	vmin.f32 v13, v16;
	v28 =	vld [tilespmem:s26+$0xFFFFFFD0]  }
0x1a8: {  	v26 =	vmin.f32 v27, v26;
	v13 =	vld [tilespmem:s26+$0x10]  }
0x1a9: {  	v27 =	vmin.f32 v15, v11;
	v15 =	vmin.f32 v24, v18;
	v11 =	vld [tilespmem:s26+$0x80]  }
0x1aa: {  	v18 =	vmin.f32 v19, v15;
	v15 =	vld [tilespmem:s26+$0xB0]  }
.Ltmp14:
0x1ab: {  	v21 =	vmin.f32 v22, v21;
	v19 =	vld [tilespmem:s26+$0x40];
	(pc) =	sbr.rel @p0 .LBB2_23-.Ltmp14, $4  }
0x1ac: {  	v22 =	vmin.f32 v25, v20;
	v23 =	vmin.f32 v23, v28;
	v20 =	vld [tilespmem:s26+$0x20]  }
0x1ad: {  	v22 =	vmin.f32 v22, v21;
	v16 =	vmin.f32 v27, v16;
	v23 =	vmin.f32 v23, v26;
	v21 =	vld [tilespmem:s26+$0x0]  }
0x1ae: {  	v24 =	vmin.f32 v22, v16;
	v18 =	vmin.f32 v18, v23;
	v22 =	vld [tilespmem:s26+$0xA0]  }
0x1af: {  	v17 =	vmin.f32 v17, v24;
	v16 =	vmin.f32 v24, v18;
	v23 =	vld [tilespmem:s26+$0x90];
	s26 =	sadd.s32 $0x200, s26  }
0x1b0: {  	_ =	sdelay $0x1  }
0x1b1: {  	v12 =	vmin.f32 v19, v12  }
0x1b2: {  	v7 =	vmin.f32 v20, v7;
	v12 =	vmin.f32 v12, v14;
	v13 =	vmin.f32 v21, v13  }
0x1b3: {  	v15 =	vmin.f32 v22, v15;
	v7 =	vmin.f32 v13, v7;
	v11 =	vmin.f32 v11, v23  }
0x1b4: {  	v9 =	vmin.f32 v10, v9;
	v7 =	vmin.f32 v7, v12;
	v60 =	vmin.f32 v11, v15  }
0x1b5: {  	v8 =	vmin.f32 v8, v18;
	v61 =	vmin.f32 v17, v7;
	v9 =	vmin.f32 v60, v9  }
0x1b6: {  	(xrf1) =	vsort.ascd.msk.f32 $0xffff, v61, v0;
	v8 =	vmin.f32 v8, v9  }
0x1b7: {  	(xrf1) =	vsort.dscd.msk.f32 $0xffff, v8, v0;
	_ =	sdelay $0xc  }
0x1b8: {  	v8, _, _ =	vpop (xrf1)  }
0x1b9: {  	v62, _, _ =	vpop (xrf1)  }
0x1ba: {  	v8 =	vmin.f32 v8, v62  }
0x1bb: {  	(xrf0) =	vmax.scan.msk.f32 $0xffff, v8;
	_ =	sdelay $0x5  }
0x1bc: {  	v8, _, _ =	vpop (xrf0)  }
.Ltmp15:
0x1bd: {  	v8 =	vperm.xlane v8, v1;
	(pc) =	sbr.rel .LBB2_25-.Ltmp15, $4  }
0x1be: {  	_ = 	snop  }
0x1bf: {  	vm1 =	vge.f32 v8, $0.0e+00  }
0x1c0: {  	[tilespmem:s0+$0xFFFFFFF0] =	vst v16;
	s6 =	simm.s32 $0x0;
	v7 =	vmin.f32 v7, v9;
	v63 =	vsel vm1, $0x1, v2  }
0x1c1: {  	s30 =	simm.s32 $0xF0;
	s1 =	simm.s32 $0xA000;
	[tilespmem:s0+$0x0] =	vst v7;
	s0 =	simm.s32 $0x5080;
	v7 =	vadd.s32 v8, v63  }
.LBB2_27:
0x1c2: {  	s30 =	sadd.s32 $0x100, s30  }
0x1c3: {  	p0 =	sne.s32 s30, $0x50F0  }
.Ltmp16:
0x1c4: {  	_ = 	snop;
	(pc) =	sbr.rel @!p0 .LBB2_28-.Ltmp16, $2  }
0x1c5: {  	_ =	sdelay $0x2  }
0x1c6: {  	s1 =	sadd.s32 $0x10, s1;
	s0 =	sadd.s32 $0x100, s0  }
.LBB2_25:
0x1c7: {  	v8 =	vld [tilespmem:s1+$0x0];
	_ =	sdelay $0x4  }
0x1c8: {  	vm1 =	vlt.f32 v8, v7  }
0x1c9: {  	v8 =	vmpcnt.ones.xlane vm1;
	_ =	sdelay $0x1  }
0x1ca: {  	(v2sf) =	vpush v8, $0x0;
	_ =	sdelay $0xe  }
0x1cb: {  	s8 =	spop (v2sf)  }
0x1cc: {  	p0 =	slt.s32 s8, $0x1  }
.Ltmp17:
0x1cd: {  	_ = 	snop;
	(pc) =	sbr.rel @p0 .LBB2_27-.Ltmp17, $1  }
0x1ce: {  	_ =	sdelay $0x3  }
0x1cf: {  	v8 =	vld [tilespmem:s0+$0xFFFFFF80];
	_ =	sdelay $0x3  }
0x1d0: {  	s8 =	sadd.s32 $0xFFFFFF10, s30  }
0x1d1: {  	vm1 =	vlt.f32 v8, v7;
	v8 =	vor.u32 s8, v0  }
0x1d2: {  	[tilespmem:s6+$0xA500] =	vst.msk vm1, v8;
	v8 =	vmpcnt.ones.xlane vm1  }
0x1d3: {  	v9 =	vld [tilespmem:s0+$0xFFFFFF90]  }
0x1d4: {  	(v2sf) =	vpush v8, $0x0;
	_ =	sdelay $0x3  }
0x1d5: {  	vm1 =	vlt.f32 v9, v7  }
0x1d6: {  	v8 =	vmpcnt.ones.xlane vm1;
	_ =	sdelay $0x1  }
0x1d7: {  	(v2sf) =	vpush v8, $0x0;
	_ =	sdelay $0x7  }
0x1d8: {  	s9 =	sadd.s32 $0xFFFFFF20, s30;
	s31 =	spop (v2sf)  }
0x1d9: {  	v8 =	vor.u32 s9, v0;
	s8 =	sadd.s32 s6, s31  }
0x1da: {  	[tilespmem:s8+$0xA500] =	vst.msk vm1, v8  }
0x1db: {  	v8 =	vld [tilespmem:s0+$0xFFFFFFA0];
	_ =	sdelay $0x3  }
0x1dc: {  	s26 =	sadd.s32 $0xFFFFFF30, s30;
	s12 =	spop (v2sf)  }
0x1dd: {  	s6 =	sadd.s32 s8, s12;
	vm1 =	vlt.f32 v8, v7;
	v8 =	vor.u32 s26, v0  }
0x1de: {  	[tilespmem:s6+$0xA500] =	vst.msk vm1, v8;
	v8 =	vmpcnt.ones.xlane vm1  }
0x1df: {  	v57 =	vld [tilespmem:s0+$0xFFFFFFB0]  }
0x1e0: {  	(v2sf) =	vpush v8, $0x0;
	_ =	sdelay $0x3  }
0x1e1: {  	vm1 =	vlt.f32 v57, v7  }
0x1e2: {  	v8 =	vmpcnt.ones.xlane vm1;
	_ =	sdelay $0x1  }
0x1e3: {  	(v2sf) =	vpush v8, $0x0;
	_ =	sdelay $0x7  }
0x1e4: {  	s31 =	sadd.s32 $0xFFFFFF40, s30;
	s28 =	spop (v2sf)  }
0x1e5: {  	v8 =	vor.u32 s31, v0;
	s6 =	sadd.s32 s6, s28  }
0x1e6: {  	[tilespmem:s6+$0xA500] =	vst.msk vm1, v8  }
0x1e7: {  	v8 =	vld [tilespmem:s0+$0xFFFFFFC0];
	_ =	sdelay $0x3  }
0x1e8: {  	s26 =	sadd.s32 $0xFFFFFF50, s30;
	s12 =	spop (v2sf)  }
0x1e9: {  	s6 =	sadd.s32 s6, s12;
	vm1 =	vlt.f32 v8, v7;
	v8 =	vor.u32 s26, v0  }
0x1ea: {  	[tilespmem:s6+$0xA500] =	vst.msk vm1, v8;
	v8 =	vmpcnt.ones.xlane vm1  }
0x1eb: {  	v58 =	vld [tilespmem:s0+$0xFFFFFFD0]  }
0x1ec: {  	(v2sf) =	vpush v8, $0x0;
	_ =	sdelay $0x3  }
0x1ed: {  	vm1 =	vlt.f32 v58, v7  }
0x1ee: {  	v8 =	vmpcnt.ones.xlane vm1;
	_ =	sdelay $0x1  }
0x1ef: {  	(v2sf) =	vpush v8, $0x0;
	_ =	sdelay $0x7  }
0x1f0: {  	s31 =	sadd.s32 $0xFFFFFF60, s30;
	s28 =	spop (v2sf)  }
0x1f1: {  	v8 =	vor.u32 s31, v0;
	s6 =	sadd.s32 s6, s28  }
0x1f2: {  	[tilespmem:s6+$0xA500] =	vst.msk vm1, v8  }
0x1f3: {  	v8 =	vld [tilespmem:s0+$0xFFFFFFE0];
	_ =	sdelay $0x3  }
0x1f4: {  	s26 =	sadd.s32 $0xFFFFFF70, s30;
	s12 =	spop (v2sf)  }
0x1f5: {  	s6 =	sadd.s32 s6, s12;
	vm1 =	vlt.f32 v8, v7;
	v8 =	vor.u32 s26, v0  }
0x1f6: {  	[tilespmem:s6+$0xA500] =	vst.msk vm1, v8;
	v8 =	vmpcnt.ones.xlane vm1  }
0x1f7: {  	v59 =	vld [tilespmem:s0+$0xFFFFFFF0]  }
0x1f8: {  	(v2sf) =	vpush v8, $0x0;
	_ =	sdelay $0x3  }
0x1f9: {  	vm1 =	vlt.f32 v59, v7  }
0x1fa: {  	v8 =	vmpcnt.ones.xlane vm1;
	_ =	sdelay $0x1  }
0x1fb: {  	(v2sf) =	vpush v8, $0x0;
	_ =	sdelay $0x7  }
0x1fc: {  	s31 =	sadd.s32 $0xFFFFFF80, s30;
	s28 =	spop (v2sf)  }
0x1fd: {  	v8 =	vor.u32 s31, v0;
	s6 =	sadd.s32 s6, s28  }
0x1fe: {  	[tilespmem:s6+$0xA500] =	vst.msk vm1, v8  }
0x1ff: {  	v8 =	vld [tilespmem:s0+$0x0];
	_ =	sdelay $0x3  }
0x200: {  	s26 =	sadd.s32 $0xFFFFFF90, s30;
	s12 =	spop (v2sf)  }
0x201: {  	s6 =	sadd.s32 s6, s12;
	vm1 =	vlt.f32 v8, v7;
	v8 =	vor.u32 s26, v0  }
0x202: {  	[tilespmem:s6+$0xA500] =	vst.msk vm1, v8;
	v8 =	vmpcnt.ones.xlane vm1  }
0x203: {  	v60 =	vld [tilespmem:s0+$0x10]  }
0x204: {  	(v2sf) =	vpush v8, $0x0;
	_ =	sdelay $0x3  }
0x205: {  	vm1 =	vlt.f32 v60, v7  }
0x206: {  	v8 =	vmpcnt.ones.xlane vm1;
	_ =	sdelay $0x1  }
0x207: {  	(v2sf) =	vpush v8, $0x0;
	_ =	sdelay $0x7  }
0x208: {  	s31 =	sadd.s32 $0xFFFFFFA0, s30;
	s28 =	spop (v2sf)  }
0x209: {  	v8 =	vor.u32 s31, v0;
	s6 =	sadd.s32 s6, s28  }
0x20a: {  	[tilespmem:s6+$0xA500] =	vst.msk vm1, v8  }
0x20b: {  	v8 =	vld [tilespmem:s0+$0x20];
	_ =	sdelay $0x3  }
0x20c: {  	s26 =	sadd.s32 $0xFFFFFFB0, s30;
	s12 =	spop (v2sf)  }
0x20d: {  	s6 =	sadd.s32 s6, s12;
	vm1 =	vlt.f32 v8, v7;
	v8 =	vor.u32 s26, v0  }
0x20e: {  	[tilespmem:s6+$0xA500] =	vst.msk vm1, v8;
	v8 =	vmpcnt.ones.xlane vm1  }
0x20f: {  	v61 =	vld [tilespmem:s0+$0x30]  }
0x210: {  	(v2sf) =	vpush v8, $0x0;
	_ =	sdelay $0x3  }
0x211: {  	vm1 =	vlt.f32 v61, v7  }
0x212: {  	v8 =	vmpcnt.ones.xlane vm1;
	_ =	sdelay $0x1  }
0x213: {  	(v2sf) =	vpush v8, $0x0;
	_ =	sdelay $0x7  }
0x214: {  	s31 =	sadd.s32 $0xFFFFFFC0, s30;
	s28 =	spop (v2sf)  }
0x215: {  	v8 =	vor.u32 s31, v0;
	s6 =	sadd.s32 s6, s28  }
0x216: {  	[tilespmem:s6+$0xA500] =	vst.msk vm1, v8  }
0x217: {  	v8 =	vld [tilespmem:s0+$0x40];
	_ =	sdelay $0x3  }
0x218: {  	s26 =	sadd.s32 $0xFFFFFFD0, s30;
	s12 =	spop (v2sf)  }
0x219: {  	s6 =	sadd.s32 s6, s12;
	vm1 =	vlt.f32 v8, v7;
	v8 =	vor.u32 s26, v0  }
0x21a: {  	[tilespmem:s6+$0xA500] =	vst.msk vm1, v8;
	v8 =	vmpcnt.ones.xlane vm1  }
0x21b: {  	v62 =	vld [tilespmem:s0+$0x50]  }
0x21c: {  	(v2sf) =	vpush v8, $0x0;
	_ =	sdelay $0x3  }
0x21d: {  	vm1 =	vlt.f32 v62, v7  }
0x21e: {  	v8 =	vmpcnt.ones.xlane vm1;
	_ =	sdelay $0x1  }
0x21f: {  	(v2sf) =	vpush v8, $0x0;
	_ =	sdelay $0x7  }
0x220: {  	s31 =	sadd.s32 $0xFFFFFFE0, s30;
	s28 =	spop (v2sf)  }
0x221: {  	v8 =	vor.u32 s31, v0;
	s6 =	sadd.s32 s6, s28  }
0x222: {  	[tilespmem:s6+$0xA500] =	vst.msk vm1, v8  }
0x223: {  	v8 =	vld [tilespmem:s0+$0x60];
	_ =	sdelay $0x3  }
0x224: {  	s26 =	sadd.s32 $0xFFFFFFF0, s30;
	s12 =	spop (v2sf)  }
0x225: {  	s6 =	sadd.s32 s6, s12;
	vm1 =	vlt.f32 v8, v7;
	v8 =	vor.u32 s26, v0  }
0x226: {  	[tilespmem:s6+$0xA500] =	vst.msk vm1, v8  }
0x227: {  	v8 =	vld [tilespmem:s0+$0x70];
	_ =	sdelay $0x4  }
0x228: {  	v63 =	vmpcnt.ones.xlane vm1;
	vm1 =	vlt.f32 v8, v7  }
0x229: {  	v8 =	vmpcnt.ones.xlane vm1  }
0x22a: {  	(v2sf) =	vpush v63, $0x0  }
0x22b: {  	(v2sf) =	vpush v8, $0x0;
	_ =	sdelay $0xb  }
.Ltmp18:
0x22c: {  	_ = 	snop;
	(pc) =	sbr.rel .LBB2_27-.Ltmp18, $4  }
0x22d: {  	_ = 	snop  }
0x22e: {  	s28 =	spop (v2sf)  }
0x22f: {  	v8 =	vor.u32 s30, v0;
	s6 =	sadd.s32 s6, s28;
	s31 =	spop (v2sf)  }
0x230: {  	[tilespmem:s6+$0xA500] =	vst.msk vm1, v8;
	s6 =	sadd.s32 s6, s31  }
.LBB2_28:
0x231: {  	s0 =	sadd.s32 $0xF, s6  }
0x232: {  	s1 =	sand.u32 $0xF, s0  }
0x233: {  	s8 =	sshra.s32 s0, $0x1F;
	p0 =	slt.s32 s0, $0x1;
	p1 =	sne.s32 s1, $0x0  }
0x234: {  	s31 =	sshrl.u32 s8, $0x1C;
	p0 =	por !p0, !p1  }
0x235: {  	s1 =	simm.s32 $0x1;
	s0 =	sadd.s32 s31, s0;
	p0 =	por !p0, !p0  }
0x236: {  	s0 =	sshra.s32 s0, $0x4;
	s1 =	simm.s32 @!p0 $0x0  }
0x237: {  	s0 =	ssub.s32 s0, s1  }
0x238: {  	p0 =	slt.s32 s0, $0x1  }
.Ltmp19:
0x239: {  	_ = 	snop;
	(pc) =	sbr.rel @p0 .LBB2_37-.Ltmp19, $2  }
0x23a: {  	_ =	sdelay $0x2  }
0x23b: {  	[tilespmem:s6+$0xA500] =	vst v3;
	s30 =	simm.s32 $0x0;
	v7 =	vimm.f32 $3.000000010e+38;
	s6 =	simm.s32 $0x0;
	s1 =	simm.s32 $0xA500  }
0x23c: {  	v8 =	vld [tilespmem:s1+$0x0];
	_ =	sdelay $0x7  }
0x23d: {  	v9 =	vld.idx.msk [tilespmem:v8+s13+$0x0], $0xffff;
	_ =	sdelay $0x4  }
0x23e: {  	vm1 =	vlt.f32 v9, v7  }
0x23f: {  	v10 =	vmpcnt.ones.xlane vm1;
	_ =	sdelay $0x1  }
0x240: {  	(v2sf) =	vpush v10, $0x0;
	_ =	sdelay $0xe  }
0x241: {  	s6 =	spop (v2sf)  }
0x242: {  	p1 =	slt.s32 s6, $0x1  }
0x243: {  	(xrf1) =	vsort.dscd.msk.f32 @!p1 $0xffff, v9, v8;
	_ =	sdelay $0xc  }
0x244: {  	s26 =	sadd.s32 $0xFFFFFFFF, s0  }
0x245: {  	p0 =	sne.s32 s26, $0x0;
	v8, _, _ =	vpop @!p1 (xrf1)  }
.Ltmp20:
0x246: {  	v9 =	vlaneseq.u32 @!p1;
	v8 =	vmin.f32 @!p1 v7, v8;
	(pc) =	sbr.rel @!p0 .LBB2_31-.Ltmp20, $2  }
0x247: {  	(xrf1) =	vsort.ascd.msk.f32 @!p1 $0xffff, v8, v9;
	_ =	sdelay $0x2  }
0x248: {  	s31 =	sadd.s32 $0x10, s1;
	v8 =	vimm.f32 $3.000000010e+38  }
.LBB2_30:
0x249: {  	v9 =	vld [tilespmem:s31+$0x0];
	s26 =	sadd.s32 $0xFFFFFFFF, s26  }
0x24a: {  	p0 =	sne.s32 s26, $0x0;
	_ =	sdelay $0x6  }
0x24b: {  	v10 =	vld.idx.msk [tilespmem:v9+s13+$0x0], $0xffff;
	_ =	sdelay $0x1  }
0x24c: {  	v11 =	vimm.s32 @!p1 $0xF;
	v12, _, _ =	vpop @!p1 (xrf1)  }
0x24d: {  	v11 =	vperm.xlane @!p1 v12, v11;
	v8 =	vpsel p1, v8, v12;
	_ =	sdelay $0x1  }
0x24e: {  	v7 =	vpsel p1, v7, v11  }
0x24f: {  	vm1 =	vlt.f32 v10, v7  }
0x250: {  	v11 =	vmpcnt.ones.xlane vm1;
	_ =	sdelay $0x1  }
0x251: {  	(v2sf) =	vpush v11, $0x0;
	_ =	sdelay $0xe  }
0x252: {  	s6 =	spop (v2sf)  }
0x253: {  	p1 =	slt.s32 s6, $0x1  }
0x254: {  	(xrf1) =	vsort.dscd.msk.f32 @!p1 $0xffff, v10, v9;
	_ =	sdelay $0xd  }
0x255: {  	v9, _, _ =	vpop @!p1 (xrf1)  }
.Ltmp21:
0x256: {  	v10 =	vlaneseq.u32 @!p1;
	v9 =	vmin.f32 @!p1 v8, v9;
	(pc) =	sbr.rel @p0 .LBB2_30-.Ltmp21, $2  }
0x257: {  	(xrf1) =	vsort.ascd.msk.f32 @!p1 $0xffff, v9, v10;
	_ =	sdelay $0x2  }
0x258: {  	s31 =	sadd.s32 $0x10, s31  }
.LBB2_31:
0x259: {  	_ =	sdelay $0x7  }
0x25a: {  	p2 =	sne.s32 s0, $0x1  }
.Ltmp22:
0x25b: {  	_ = 	snop;
	(pc) =	sbr.rel @!p2 .LBB2_32-.Ltmp22, $3  }
0x25c: {  	v8 =	vimm.s32 @!p1 $0xF;
	v9, _, _ =	vpop @!p1 (xrf1)  }
0x25d: {  	v8 =	vperm.xlane @!p1 v9, v8;
	_ =	sdelay $0x1  }
0x25e: {  	s26 =	simm.s32 $0x0;
	s0 =	sadd.s32 $0xFFFFFFFF, s0;
	p0 =	por $0x0, $0x0;
	v8 =	vpsel p1, v7, v8;
	v7 =	vld [tilespmem:s1+$0x0]  }
0x25f: {  	_ =	sdelay $0x7  }
0x260: {  	v9 =	vld.idx.msk [tilespmem:v7+s13+$0x0], $0xffff;
	_ =	sdelay $0x3  }
0x261: {  	p1 =	sne.s32 s0, $0x1  }
.Ltmp23:
0x262: {  	vm1 =	vlt.f32 v9, v8;
	(pc) =	sbr.rel @!p1 .LBB2_34-.Ltmp23, $4  }
0x263: {  	vm2 =	veq.f32 v9, v8;
	v9 =	vmpcnt.ones.xlane vm1  }
0x264: {  	v10 =	vmpcnt.ones.xlane vm2;
	[tilespmem:s26+$0xF580] =	vst.msk vm1, v7  }
0x265: {  	s6 =	simm.s32 $0xA510;
	s31 =	sadd.s32 $0xFFFFFFFF, s0;
	[tilespmem:s26+$0xA500] =	vst.msk vm2, v7;
	(v2sf) =	vpush v9, $0x0  }
0x266: {  	p0 =	por $0x1, $0x1;
	s0 =	simm.s32 $0x0;
	s1 =	simm.s32 $0x0;
	v7 =	vld [tilespmem:s6+$0x0];
	(v2sf) =	vpush v10, $0x0  }
.LBB2_35:
0x267: {  	p1 =	sne.s32 s31, $0x1;
	_ =	sdelay $0x6  }
0x268: {  	v9 =	vld.idx.msk [tilespmem:v7+s13+$0x0], $0xffff;
	_ =	sdelay $0x5  }
.Ltmp24:
0x269: {  	vm1 =	vlt.f32 v9, v8;
	vm2 =	veq.f32 v9, v8;
	s8 =	spop (v2sf);
	(pc) =	sbr.rel @p1 .LBB2_35-.Ltmp24, $4  }
0x26a: {  	v9 =	vmpcnt.ones.xlane vm1;
	v10 =	vmpcnt.ones.xlane vm2;
	s0 =	sadd.s32 s0, s8;
	s8 =	spop (v2sf)  }
0x26b: {  	[tilespmem:s0+$0xF580] =	vst.msk vm1, v7;
	s1 =	sadd.s32 s1, s8  }
0x26c: {  	s6 =	sadd.s32 $0x10, s6;
	[tilespmem:s1+$0xA500] =	vst.msk vm2, v7;
	(v2sf) =	vpush v9, $0x0  }
0x26d: {  	s31 =	sadd.s32 $0xFFFFFFFF, s31;
	v7 =	vld [tilespmem:s6+$0x0];
	(v2sf) =	vpush v10, $0x0  }
.LBB2_36:
0x26e: {  	_ =	sdelay $0x7  }
0x26f: {  	v9 =	vld.idx.msk [tilespmem:v7+s13+$0x0], $0xffff;
	_ =	sdelay $0x4  }
0x270: {  	vm1 =	vlt.f32 v9, v8  }
0x271: {  	vm2 =	veq.f32 v9, v8;
	v8 =	vmpcnt.ones.xlane vm1  }
0x272: {  	v9 =	vmpcnt.ones.xlane vm2  }
0x273: {  	(v2sf) =	vpush v8, $0x0  }
0x274: {  	(v2sf) =	vpush v9, $0x0;
	_ =	sdelay $0xa  }
0x275: {  	s6 =	spop @p0 (v2sf)  }
0x276: {  	s8 =	spop @p0 (v2sf);
	s0 =	sadd.s32 @p0 s0, s6;
	s6 =	simm.s32 $0x0  }
0x277: {  	s6 =	smov.u32 @p0 s0;
	s0 =	sadd.s32 @p0 s1, s8  }
0x278: {  	[tilespmem:s6+$0xF580] =	vst.msk vm1, v7;
	s26 =	smov.u32 @p0 s0;
	s28 =	spop (v2sf)  }
0x279: {  	[tilespmem:s26+$0xA500] =	vst.msk vm2, v7;
	s6 =	sadd.s32 s6, s28;
	s31 =	spop (v2sf)  }
.LBB2_37:
0x27a: {  	v7 =	vld [tilespmem:$0xA500];
	_ =	sdelay $0x4  }
0x27b: {  	[tilespmem:s6+$0xF580] =	vst v7  }
0x27c: {  	v7 =	vld [tilespmem:$0xF580];
	_ =	sdelay $0x4  }
0x27d: {  	v8 =	vshll.u32 v7, $0x2  }
0x27e: {  	v9 =	vand.u32 $0x7, v7;
	v8 =	vand.u32 $0xFFFFFFE0, v8  }
0x27f: {  	v8 =	vor.u32 v9, v8  }
0x280: {  	v9 =	vperm.xlane v8, v4;
	_ =	sdelay $0x1  }
0x281: {  	v9 =	vadd.s32 v5, v9;
	_ =	sdelay $0x1  }
0x282: {  	v8 =	vperm.xlane v8, v6;
	_ =	sdelay $0x1  }
0x283: {  	[tilespmem:$0xF680] =	vst v7;
	v7 =	vadd.s32 v5, v8  }
0x284: {  	[tilespmem:s20], [sflag:$0x4] =	stream.indirect_vreg.gather [hbm4b:s5+s30], $0x80, v9, vm0, $0xb8;
	[tilespmem:$0x1D700] =	vst v63  }
0x285: {  	_ = 	snop  }
0x286: {  	[tilespmem:s21], [sflag:$0x4] =	stream.indirect_vreg.gather [hbm4b:s7+s30], $0x80, v9, vm0, $0xb8;
	[tilespmem:$0x1D700] =	vst v63  }
0x287: {  	_ = 	snop  }
0x288: {  	[tilespmem:s22], [sflag:$0x4] =	stream.indirect_vreg.gather [hbm4b:s5+s30], $0x80, v7, vm0, $0xb8;
	[tilespmem:$0x1D700] =	vst v63  }
0x289: {  	_ = 	snop  }
0x28a: {  	[tilespmem:s23], [sflag:$0x4] =	stream.indirect_vreg.gather [hbm4b:s7+s30], $0x80, v7, vm0, $0xb8;
	[tilespmem:$0x1D700] =	vst v63  }
0x28b: {  	_ =	swait.ge [sflag:s24], $0x2000  }
0x28c: {  	s0 =	sand.u32 $0x70, s30;
	s1 =	sand.u32 $0xC00, s30;
	[sflag:s24] =	ssyncset.done $0x0  }
0x28d: {  	s1 =	sor.u32 s0, s1;
	[sflag:s24] =	ssyncadd.s32 $0xFFFFE000  }
0x28e: {  	v11 =	vld [tilespmem:s1+$0xF700]  }
0x28f: {  	v13 =	vld [tilespmem:s1+$0xF780]  }
0x290: {  	v7 =	vld [tilespmem:s1+$0xF800]  }
0x291: {  	v8 =	vld [tilespmem:s1+$0xF880]  }
0x292: {  	v9 =	vld [tilespmem:s1+$0xF900]  }
0x293: {  	s26 =	sor.u32 s30, s30;
	v10 =	vld [tilespmem:s1+$0xF980]  }
0x294: {  	s6 =	sor.u32 $0x380, s26;
	v12 =	vld [tilespmem:s1+$0xFA00]  }
0x295: {  	v14 =	vld [tilespmem:s6+$0xF700]  }
0x296: {  	v15 =	vld [tilespmem:s1+$0x10700]  }
0x297: {  	v16 =	vld [tilespmem:s1+$0x10780]  }
0x298: {  	v17 =	vld [tilespmem:s1+$0x10800]  }
0x299: {  	s28 =	sshll.u32 s29, $0xA;
	v18 =	vld [tilespmem:s1+$0x10880]  }
0x29a: {  	s6 =	sand.u32 $0x3FFFFC00, s28;
	v19 =	vld [tilespmem:s1+$0x10900]  }
0x29b: {  	s31 =	simm.s32 $0x10;
	v20 =	vld [tilespmem:s1+$0x10980];
	s26 =	sadd.s32 $0x13700, s6;
	s6 =	simm.s32 $0x80  }
.LBB2_38:
0x29c: {  	s8 =	sand.u32 $0x70, s31;
	s9 =	sand.u32 $0xC00, s6;
	p0 =	sne.s32 s31, $0x1F0;
	v21 =	vld [tilespmem:s1+$0x10A00]  }
0x29d: {  	v22 =	vld [tilespmem:s1+$0x10A80];
	s1 =	sor.u32 s8, s9  }
0x29e: {  	v23 =	vld [tilespmem:s1+$0xF700]  }
0x29f: {  	v24 =	vld [tilespmem:s1+$0xF780]  }
0x2a0: {  	v11 =	vmax.f32 v11, v13;
	v13 =	vmax.f32 v7, v8;
	v25 =	vmax.f32 v9, v10;
	v7 =	vld [tilespmem:s1+$0xF800]  }
0x2a1: {  	v12 =	vmax.f32 v12, v14;
	v14 =	vmax.f32 v15, v16;
	v15 =	vmax.f32 v17, v18;
	v8 =	vld [tilespmem:s1+$0xF880]  }
0x2a2: {  	v16 =	vmax.f32 v19, v20;
	v19 =	vmax.f32 v11, v13;
	v9 =	vld [tilespmem:s1+$0xF900];
	v17 =	vmax.f32 v21, v22  }
0x2a3: {  	s12 =	sand.u32 $0x180, s30;
	s30 =	smov.u32 s31;
	s9 =	sor.u32 s6, s31;
	v18 =	vmax.f32 v25, v12;
	v14 =	vmax.f32 v14, v15;
	v10 =	vld [tilespmem:s1+$0xF980];
	v15 =	vmax.f32 v16, v17;
	v11 =	vmovc v23  }
0x2a4: {  	s12 =	sadd.s32 s12, s26;
	s9 =	sor.u32 $0x380, s9;
	v16 =	vmax.f32 v19, v18;
	v12 =	vld [tilespmem:s1+$0xFA00];
	v15 =	vmax.f32 v14, v15;
	v13 =	vmov v24  }
0x2a5: {  	v14 =	vld [tilespmem:s9+$0xF700];
	v16 =	vmax.f32 v16, v15;
	s9 =	sadd.s32 s0, s12;
	s0 =	smov.u32 s8  }
0x2a6: {  	v15 =	vld [tilespmem:s1+$0x10700];
	[tilespmem:s9+$0x0] =	vst v16  }
.Ltmp25:
0x2a7: {  	v16 =	vld [tilespmem:s1+$0x10780];
	(pc) =	sbr.rel @p0 .LBB2_38-.Ltmp25, $4  }
0x2a8: {  	v17 =	vld [tilespmem:s1+$0x10800]  }
0x2a9: {  	v18 =	vld [tilespmem:s1+$0x10880]  }
0x2aa: {  	v19 =	vld [tilespmem:s1+$0x10900]  }
0x2ab: {  	s6 =	sadd.s32 $0x80, s6;
	s31 =	sadd.s32 $0x10, s31;
	v20 =	vld [tilespmem:s1+$0x10980]  }
0x2ac: {  	v21 =	vld [tilespmem:s1+$0x10A00]  }
0x2ad: {  	v22 =	vld [tilespmem:s1+$0x10A80];
	_ =	sdelay $0x2  }
0x2ae: {  	v11 =	vmax.f32 v11, v13;
	v7 =	vmax.f32 v7, v8;
	v8 =	vmax.f32 v9, v10  }
0x2af: {  	v57 =	vmax.f32 v12, v14;
	v58 =	vmax.f32 v15, v16;
	v7 =	vmax.f32 v11, v7  }
0x2b0: {  	v59 =	vmax.f32 v17, v18;
	v60 =	vmax.f32 v19, v20;
	v61 =	vmax.f32 v21, v22  }
0x2b1: {  	s31 =	sand.u32 $0x180, s30;
	s29 =	sadd.s32 $0x1, s29;
	v8 =	vmax.f32 v8, v57;
	v62 =	vmax.f32 v58, v59;
	v63 =	vmax.f32 v60, v61  }
0x2b2: {  	s1 =	sadd.s32 s31, s26;
	p0 =	sne.s32 s29, $0x28;
	v7 =	vmax.f32 v7, v8;
	v8 =	vmax.f32 v62, v63  }
.Ltmp26:
0x2b3: {  	s0 =	sadd.s32 s0, s1;
	v7 =	vmax.f32 v7, v8;
	(pc) =	sbr.rel @p0 .LBB2_2-.Ltmp26, $4  }
.Ltmp27:
0x2b4: {  	[tilespmem:s0+$0x0] =	vst v7;
	(pc) =	sbr.rel @!p0 .LBB2_40-.Ltmp27, $4  }
0x2b5: {  	_ =	swait.ge [sflag:s14], $0x5000  }
0x2b6: {  	[sflag:s14] =	ssyncset.done $0x0  }
0x2b7: {  	[sflag:s14] =	ssyncadd.s32 $0xFFFFB000  }
0x2b8: {  	_ = 	snop  }
.LBB2_13:
.Ltmp28:
0x2b9: {  	(pc) =	sbr.rel .LBB2_17-.Ltmp28, $2  }
0x2ba: {  	_ =	sdelay $0x2  }
0x2bb: {  	s0 =	simm.s32 $0x0;
	s1 =	simm.s32 $0x0  }
.LBB2_32:
.Ltmp29:
0x2bc: {  	(pc) =	sbr.rel .LBB2_36-.Ltmp29, $2  }
0x2bd: {  	_ =	sdelay $0x2  }
0x2be: {  	s0 =	simm.s32 $0x0;
	s1 =	simm.s32 $0x0  }
.LBB2_15:
.Ltmp30:
0x2bf: {  	(pc) =	sbr.rel .LBB2_17-.Ltmp30, $2  }
0x2c0: {  	_ =	sdelay $0x2  }
0x2c1: {  	s0 =	simm.s32 $0x0;
	s1 =	simm.s32 $0x0  }
.LBB2_34:
.Ltmp31:
0x2c2: {  	(pc) =	sbr.rel .LBB2_36-.Ltmp31, $2  }
0x2c3: {  	_ =	sdelay $0x2  }
0x2c4: {  	s0 =	simm.s32 $0x0;
	s1 =	simm.s32 $0x0  }
.LBB2_40:
0x2c5: {  	_ =	swait.ge [sflag:s25], $0x2000;
	s0 =	simm.s32 $0x0  }
0x2c6: {  	[sflag:s25] =	ssyncset.done $0x0;
	s1 =	sand.u32 $0x70, s0;
	s6 =	sand.u32 $0xC00, s0  }
0x2c7: {  	s31 =	sor.u32 s0, s0;
	[sflag:s25] =	ssyncadd.s32 $0xFFFFE000;
	s1 =	sor.u32 s1, s6  }
0x2c8: {  	s6 =	sor.u32 $0x380, s31;
	v10 =	vld [tilespmem:s1+$0x11700]  }
0x2c9: {  	v8 =	vld [tilespmem:s6+$0x11700]  }
0x2ca: {  	v7 =	vld [tilespmem:s1+$0x12700]  }
0x2cb: {  	v9 =	vld [tilespmem:s1+$0x12780]  }
0x2cc: {  	v11 =	vld [tilespmem:s1+$0x12800]  }
0x2cd: {  	v12 =	vld [tilespmem:s1+$0x12880]  }
0x2ce: {  	v13 =	vld [tilespmem:s1+$0x12900]  }
0x2cf: {  	v14 =	vld [tilespmem:s1+$0x12980]  }
0x2d0: {  	v15 =	vld [tilespmem:s1+$0x12A00]  }
0x2d1: {  	s8 =	sadd.s32 $0x11700, s1;
	v16 =	vld [tilespmem:s1+$0x12A80]  }
0x2d2: {  	v19 =	vld [tilespmem:s8+$0x80]  }
0x2d3: {  	v17 =	vld [tilespmem:s8+$0x100]  }
0x2d4: {  	s6 =	simm.s32 $0x10;
	s1 =	simm.s32 $0x0;
	v18 =	vld [tilespmem:s8+$0x180]  }
.LBB2_41:
0x2d5: {  	p0 =	sne.s32 s6, $0x1F0;
	v20 =	vld [tilespmem:s8+$0x200];
	s0 =	sadd.s32 $0x80, s0  }
0x2d6: {  	s9 =	sand.u32 $0x70, s6;
	s12 =	sand.u32 $0xC00, s0;
	v21 =	vld [tilespmem:s8+$0x280]  }
0x2d7: {  	s9 =	sor.u32 s9, s12;
	s12 =	sor.u32 s0, s6;
	v22 =	vld [tilespmem:s8+$0x300]  }
0x2d8: {  	v23 =	vld [tilespmem:s9+$0x11700];
	s8 =	sor.u32 $0x380, s12  }
0x2d9: {  	v24 =	vld [tilespmem:s8+$0x11700]  }
0x2da: {  	v25 =	vmax.f32 v7, v9;
	v11 =	vmax.f32 v11, v12;
	v13 =	vmax.f32 v13, v14;
	v7 =	vld [tilespmem:s9+$0x12700]  }
0x2db: {  	v14 =	vmax.f32 v15, v16;
	v15 =	vmax.f32 v25, v11;
	v19 =	vmax.f32 v10, v19;
	v9 =	vld [tilespmem:s9+$0x12780]  }
0x2dc: {  	v16 =	vmax.f32 v17, v18;
	v17 =	vmax.f32 v20, v21;
	v11 =	vld [tilespmem:s9+$0x12800];
	v18 =	vmax.f32 v22, v8  }
0x2dd: {  	v14 =	vmax.f32 v13, v14;
	v16 =	vmax.f32 v19, v16;
	v12 =	vld [tilespmem:s9+$0x12880];
	v17 =	vmax.f32 v17, v18;
	v10 =	vmovc v23  }
0x2de: {  	v15 =	vmax.f32 v15, v14;
	v13 =	vld [tilespmem:s9+$0x12900];
	v16 =	vmax.f32 v16, v17;
	v8 =	vmov v24  }
0x2df: {  	s8 =	sand.u32 $0x1F0, s1;
	s1 =	smov.u32 s6;
	v14 =	vld [tilespmem:s9+$0x12980];
	v16 =	vmax.f32 v16, v15  }
.Ltmp32:
0x2e0: {  	v15 =	vld [tilespmem:s9+$0x12A00];
	[tilespmem:s8+$0x1D500] =	vst v16;
	(pc) =	sbr.rel @p0 .LBB2_41-.Ltmp32, $4  }
0x2e1: {  	s8 =	sadd.s32 $0x11700, s9;
	v16 =	vld [tilespmem:s9+$0x12A80]  }
0x2e2: {  	v19 =	vld [tilespmem:s8+$0x80]  }
0x2e3: {  	v17 =	vld [tilespmem:s8+$0x100]  }
0x2e4: {  	s6 =	sadd.s32 $0x10, s6;
	v18 =	vld [tilespmem:s8+$0x180]  }
0x2e5: {  	v20 =	vld [tilespmem:s8+$0x200]  }
0x2e6: {  	v21 =	vld [tilespmem:s8+$0x280]  }
0x2e7: {  	v22 =	vld [tilespmem:s8+$0x300];
	_ =	sdelay $0x2  }
0x2e8: {  	v7 =	vmax.f32 v7, v9;
	v58 =	vmax.f32 v11, v12;
	v59 =	vmax.f32 v13, v14  }
0x2e9: {  	v60 =	vmax.f32 v15, v16;
	v7 =	vmax.f32 v7, v58;
	v10 =	vmax.f32 v10, v19  }
0x2ea: {  	v61 =	vmax.f32 v17, v18;
	v62 =	vmax.f32 v20, v21;
	v8 =	vmax.f32 v22, v8  }
0x2eb: {  	v63 =	vmax.f32 v59, v60;
	v9 =	vmax.f32 v10, v61;
	v8 =	vmax.f32 v62, v8  }
0x2ec: {  	v7 =	vmax.f32 v7, v63;
	v8 =	vmax.f32 v9, v8  }
0x2ed: {  	s0 =	sand.u32 $0x1F0, s1;
	v7 =	vmax.f32 v8, v7  }
0x2ee: {  	[tilespmem:s0+$0x1D500] =	vst v7  }
0x2ef: {  	s30 =	simm.s32 $0x13700;
	s1 =	simm.s32 $0x5;
	s0 =	rddreg [dreg:$0x3]  }
0x2f0: {  	[hbm4b:s0+s3] =	stream.linear.scatter [tilespmem:s30], [sflag:$0x5], $0xA000, $0x38;
	[tilespmem:$0x1D700] =	vst v63  }
0x2f1: {  	_ =	swait.ge [sflag:s1], $0xA000  }
0x2f2: {  	s6 =	rddreg [dreg:$0x5]  }
0x2f3: {  	s31 =	rddreg [dreg:$0x4];
	s6 =	sadd.s32 $0x1, s6  }
0x2f4: {  	p0 =	sne.s32 s6, s31  }
.Ltmp33:
0x2f5: {  	_ = 	snop;
	(pc) =	sbr.rel @p0 .LBB2_1-.Ltmp33, $3  }
0x2f6: {  	_ =	sdelay $0x1  }
0x2f7: {  	[sflag:s1] =	ssyncset.done $0x0  }
0x2f8: {  	[sflag:s1] =	ssyncadd.s32 $0xFFFF6000  }
0x2f9: {  	_ =	sfence.sel $0x180000  }
0x2fa: {  	[bflag:$0x0] =	sbarrier.arrive $0xFFFF  }
0x2fb: {  	_ =	strace $0x90000047  }
0x2fc: {  	s0 =	stileid.u32;
	[bflag:$0x2] =	sbarrier.arrive $0xFFFF  }
0x2fd: {  	p0 =	sne.s32 s0, $0x0;
	s0 =	rddreg [dreg:$0x1]  }
0x2fe: {  	s0 =	sadd.s32 @!p0 $0x100000, s0  }
0x2ff: {  	[sflag:s0] =	ssyncadd.tile.s32 @!p0 $0x1;
	_ =	shalt  }
.Lfunc_end2:
_tile_overlayer_lowered:
.L_overlay_start_2:
0x300: {  	(tag) =	ssettag $0x2  }
0x301: {  	s0 =	rddreg [dreg:$0x0];
	s2 =	stileid.u32  }
0x302: {  	s1 =	rddreg [dreg:$0x1];
	p0 =	sne.s32 s2, $0x0  }
0x303: {  	s3 =	rddreg [dreg:$0x2];
	[bflag:$0x3] =	sbarrier.arrive $0xFFFF;
	s2 =	simm.s32 @!p0 $0x1C05  }
0x304: {  	[timem:s3], [sflag:s2] =	dma.local @!p0 [hbm:s0], s1  }
0x305: {  	s0 =	simm.s32 @!p0 $0x5  }
0x306: {  	_ =	swait.ge @!p0 [sflag:s0], s1  }
0x307: {  	s1 =	ssub.s32 @!p0 $0x0, s1;
	[sflag:s0] =	ssyncset.done @!p0 $0x0  }
0x308: {  	[sflag:s0] =	ssyncadd.s32 @!p0 s1  }
0x309: {  	[bflag:$0x3] =	sbarrier.arrive $0xFFFF  }
0x30a: {  	_ =	shalt  }

</sc_bundles>
